<compile_context>
chip_gen: v7x
topology: tpu7x:2x2x1
jax: 0.10.2.dev20260603
libtpu: 0.0.44.dev20260713+nightly
codegen_flags: <defaults>
</compile_context>

<pallas_src>
import jax
import jax.numpy as jnp
from jax import lax
from jax.experimental import pallas as pl
from jax.experimental.pallas import tpu as pltpu
from jax.experimental.pallas import tpu_sc as plsc

BATCH = 16384
D = 128
L = 16
NC = 2
NS = 16
NW = NC * NS
ROWS_PER_W = BATCH // NW
CHUNK = 128
NCHUNK = ROWS_PER_W // CHUNK
HALF = CHUNK // 2
NSPLIT = ROWS_PER_W // HALF


def _neg_sqrt(s):
    sc = jnp.maximum(s, jnp.float32(1e-30))
    ix = lax.bitcast_convert_type(sc, jnp.int32)
    iy = jnp.int32(0x5F3759DF) - lax.shift_right_arithmetic(ix, 1)
    y = lax.bitcast_convert_type(iy, jnp.float32)
    half = jnp.float32(0.5) * sc
    for _ in range(3):
        y = y * (jnp.float32(1.5) - half * y * y)
    return -(sc * y)


def _sc_body(hidx_hbm, ridx_hbm, tidx_hbm, node_hbm, re_hbm, out_hbm,
             hidx_v, ridx_v, tidx_v,
             hb0, rb0, tb0, hb1, rb1, tb1,
             accs_v, shared_v, y_v, out_v,
             isem, gsem0, gsem1, tsem):
    wid = lax.axis_index("s") * NC + lax.axis_index("c")
    sid = lax.axis_index("s")
    wbase = wid * ROWS_PER_W

    wsl = pl.ds(wbase, ROWS_PER_W)
    di = pltpu.async_copy(hidx_hbm.at[wsl], hidx_v, isem)
    dr = pltpu.async_copy(ridx_hbm.at[wsl], ridx_v, isem)
    dt = pltpu.async_copy(tidx_hbm.at[wsl], tidx_v, isem)
    di.wait()
    dr.wait()
    dt.wait()

    bufs = ((hb0, rb0, tb0, gsem0), (hb1, rb1, tb1, gsem1))

    def start(c):
        hb, rb, tb, sem = bufs[c % 2]
        csl = pl.ds(c * CHUNK, CHUNK)
        return (pltpu.async_copy(node_hbm.at[hidx_v.at[csl]], hb, sem),
                pltpu.async_copy(re_hbm.at[ridx_v.at[csl]], rb, sem),
                pltpu.async_copy(node_hbm.at[tidx_v.at[csl]], tb, sem))

    cols = []
    pending = start(0)
    for c in range(NCHUNK):
        hb, rb, tb, _ = bufs[c % 2]
        for d in pending:
            d.wait()
        if c + 1 < NCHUNK:
            pending = start(c + 1)

        def row(i, _):
            acc = jnp.zeros((L,), jnp.float32)
            for j in range(D // L):
                sl = pl.ds(j * L, L)
                d = hb[i, sl] + rb[i, sl] - tb[i, sl]
                acc = acc + d * d
            accs_v[i, pl.ds(0, L)] = acc
            s = acc
            for off in (8, 4, 2, 1):
                s = s + accs_v[i, pl.ds(off, L)]
                accs_v[i, pl.ds(0, L)] = s
            return 0

        lax.fori_loop(0, CHUNK, row, 0)

        cols.append(pltpu.async_copy(accs_v.at[:, 0],
                                     shared_v.at[sid, pl.ds(c * CHUNK, CHUNK)],
                                     tsem))

    for d in cols:
        d.wait()
    pltpu.sync_copy(shared_v.at[sid], y_v)
    for g in range(ROWS_PER_W // L):
        sl = pl.ds(g * L, L)
        out_v[sl] = _neg_sqrt(y_v[sl])
    pltpu.sync_copy(out_v, out_hbm.at[wsl])


@jax.jit
def _run(hidx, ridx, tidx, node_embedding, node_re_embedding):
    mesh = plsc.VectorSubcoreMesh(core_axis_name="c", subcore_axis_name="s")
    return pl.kernel(
        _sc_body,
        out_type=jax.ShapeDtypeStruct((BATCH,), jnp.float32),
        mesh=mesh,
        scratch_types=[
            pltpu.VMEM((ROWS_PER_W,), jnp.int32),
            pltpu.VMEM((ROWS_PER_W,), jnp.int32),
            pltpu.VMEM((ROWS_PER_W,), jnp.int32),
            pltpu.VMEM((CHUNK, D), jnp.float32),
            pltpu.VMEM((CHUNK, D), jnp.float32),
            pltpu.VMEM((CHUNK, D), jnp.float32),
            pltpu.VMEM((CHUNK, D), jnp.float32),
            pltpu.VMEM((CHUNK, D), jnp.float32),
            pltpu.VMEM((CHUNK, D), jnp.float32),
            pltpu.VMEM((CHUNK, 2 * L), jnp.float32),
            pltpu.VMEM_SHARED((NS, ROWS_PER_W), jnp.float32),
            pltpu.VMEM((ROWS_PER_W,), jnp.float32),
            pltpu.VMEM((ROWS_PER_W,), jnp.float32),
            pltpu.SemaphoreType.DMA,
            pltpu.SemaphoreType.DMA,
            pltpu.SemaphoreType.DMA,
            pltpu.SemaphoreType.DMA,
        ],
    )(hidx, ridx, tidx, node_embedding, node_re_embedding).reshape(BATCH, 1)


def kernel(sample, node_embedding, node_re_embedding):
    sample = sample.astype(jnp.int32)
    return _run(sample[:, 0], sample[:, 1], sample[:, 2],
                node_embedding, node_re_embedding)

# --- scband reference (transcript-rebuilt; emitter-appended) ---
"""Pipeline reference for scband-dkge-model-90443421319867 (READ-ONLY COPY).

The authoritative reference and input builder live on the scoring server;
editing this copy changes nothing except your own understanding.
"""

import jax, jax.numpy as jnp
import numpy as np

NNODE = 1000000
NNODE_RE = 100000
HIDDEN_DIM = 128
GAMMA = 12.0
EPSILON = 2.0
EMB_RANGE = (GAMMA + EPSILON) / HIDDEN_DIM  # 0.109375
BATCH = 16384


def setup_inputs(seed: int = 0) -> dict:
    key = jax.random.key(seed)
    k1, k2, k3 = jax.random.split(key, 3)
    sample = jax.random.randint(k1, (BATCH, 3), 0, NNODE_RE)
    node_embedding = jax.random.uniform(
        k2, (NNODE, HIDDEN_DIM), minval=-EMB_RANGE, maxval=EMB_RANGE, dtype=jnp.float32)
    node_re_embedding = jax.random.uniform(
        k3, (NNODE_RE, HIDDEN_DIM), minval=-EMB_RANGE, maxval=EMB_RANGE, dtype=jnp.float32)
    return {"sample": sample, "node_embedding": node_embedding,
            "node_re_embedding": node_re_embedding}


def reference(sample, node_embedding, node_re_embedding):
    # mode == 'single', model_name == 'TransE'
    head = jnp.take(node_embedding, sample[:, 0], axis=0)[:, None, :]
    relation = jnp.take(node_re_embedding, sample[:, 1], axis=0)[:, None, :]
    tail = jnp.take(node_embedding, sample[:, 2], axis=0)[:, None, :]
    score = head + relation - tail
    score = -jnp.sqrt(jnp.sum(score * score, axis=2))
    return score  # [BATCH, 1]

if __name__ == "__main__":
    import jax
    _d = setup_inputs()
    print(jax.jit(kernel)(*tuple(_d.values())))

</pallas_src>

<mosaic_0001>
#map = affine_map<(d0, d1) -> (0)>
#map1 = affine_map<(d0, d1) -> (0, 0)>
module attributes {stable_mosaic.version = 14 : i64} {
  func.func @_sc_body(%arg0: i32, %arg1: i32, %arg2: memref<16384xi32, #tpu.memory_space<hbm>>, %arg3: memref<16384xi32, #tpu.memory_space<hbm>>, %arg4: memref<16384xi32, #tpu.memory_space<hbm>>, %arg5: memref<1000000x128xf32, #tpu.memory_space<hbm>>, %arg6: memref<100000x128xf32, #tpu.memory_space<hbm>>, %arg7: memref<16384xf32, #tpu.memory_space<hbm>>, %arg8: memref<512xi32, #tpu.memory_space<vmem>>, %arg9: memref<512xi32, #tpu.memory_space<vmem>>, %arg10: memref<512xi32, #tpu.memory_space<vmem>>, %arg11: memref<128x128xf32, #tpu.memory_space<vmem>>, %arg12: memref<128x128xf32, #tpu.memory_space<vmem>>, %arg13: memref<128x128xf32, #tpu.memory_space<vmem>>, %arg14: memref<128x128xf32, #tpu.memory_space<vmem>>, %arg15: memref<128x128xf32, #tpu.memory_space<vmem>>, %arg16: memref<128x128xf32, #tpu.memory_space<vmem>>, %arg17: memref<128x32xf32, #tpu.memory_space<vmem>>, %arg18: memref<16x512xf32, #tpu.memory_space<vmem_shared>>, %arg19: memref<512xf32, #tpu.memory_space<vmem>>, %arg20: memref<512xf32, #tpu.memory_space<vmem>>, %arg21: memref<!tpu.dma_semaphore, #tpu.memory_space<semaphore_mem>>, %arg22: memref<!tpu.dma_semaphore, #tpu.memory_space<semaphore_mem>>, %arg23: memref<!tpu.dma_semaphore, #tpu.memory_space<semaphore_mem>>, %arg24: memref<!tpu.dma_semaphore, #tpu.memory_space<semaphore_mem>>) attributes {dimension_semantics = [#tpu.dimension_semantics<core_parallel>, #tpu.dimension_semantics<subcore_parallel>], iteration_bounds = array<i64: 2, 16>, scalar_prefetch = 0 : i64, scratch_operands = 17 : i64, tpu.core_type = #tpu.core_type<sc_vector_subcore>, window_params = [{transform_indices = #map}, {transform_indices = #map}, {transform_indices = #map}, {transform_indices = #map1}, {transform_indices = #map1}, {transform_indices = #map}]} {
    %mul3A = arith.constant 2 : i32
    %mul3A_0 = arith.muli %arg1, %mul3A : i32
    %add3A = arith.addi %mul3A_0, %arg0 : i32
    %mul3A_1 = arith.constant 512 : i32
    %mul3A_2 = arith.muli %add3A, %mul3A_1 : i32
    %dma_start3A = tpu.memref_slice %arg2[%mul3A_2] : memref<16384xi32, #tpu.memory_space<hbm>> -> memref<512xi32, #tpu.memory_space<hbm>>
    %dma_start3A_3 = tpu.memref_slice %arg2[%mul3A_2] : memref<16384xi32, #tpu.memory_space<hbm>> -> memref<512xi32, #tpu.memory_space<hbm>>
    tpu.enqueue_dma source(%dma_start3A_3 : memref<512xi32, #tpu.memory_space<hbm>>) target(%arg8 : memref<512xi32, #tpu.memory_space<vmem>>) target_semaphore(%arg21 : memref<!tpu.dma_semaphore, #tpu.memory_space<semaphore_mem>>)
    %dma_start3A_4 = tpu.memref_slice %arg3[%mul3A_2] : memref<16384xi32, #tpu.memory_space<hbm>> -> memref<512xi32, #tpu.memory_space<hbm>>
    %dma_start3A_5 = tpu.memref_slice %arg3[%mul3A_2] : memref<16384xi32, #tpu.memory_space<hbm>> -> memref<512xi32, #tpu.memory_space<hbm>>
    tpu.enqueue_dma source(%dma_start3A_5 : memref<512xi32, #tpu.memory_space<hbm>>) target(%arg9 : memref<512xi32, #tpu.memory_space<vmem>>) target_semaphore(%arg21 : memref<!tpu.dma_semaphore, #tpu.memory_space<semaphore_mem>>)
    %dma_start3A_6 = tpu.memref_slice %arg4[%mul3A_2] : memref<16384xi32, #tpu.memory_space<hbm>> -> memref<512xi32, #tpu.memory_space<hbm>>
    %dma_start3A_7 = tpu.memref_slice %arg4[%mul3A_2] : memref<16384xi32, #tpu.memory_space<hbm>> -> memref<512xi32, #tpu.memory_space<hbm>>
    tpu.enqueue_dma source(%dma_start3A_7 : memref<512xi32, #tpu.memory_space<hbm>>) target(%arg10 : memref<512xi32, #tpu.memory_space<vmem>>) target_semaphore(%arg21 : memref<!tpu.dma_semaphore, #tpu.memory_space<semaphore_mem>>)
    %dma_wait3A = tpu.memref_slice %arg2[%mul3A_2] : memref<16384xi32, #tpu.memory_space<hbm>> -> memref<512xi32, #tpu.memory_space<hbm>>
    %dma_wait3A_8 = tpu.memref_slice %arg2[%mul3A_2] : memref<16384xi32, #tpu.memory_space<hbm>> -> memref<512xi32, #tpu.memory_space<hbm>>
    tpu.wait_dma2 semaphore(%arg21 : memref<!tpu.dma_semaphore, #tpu.memory_space<semaphore_mem>>) src(%dma_wait3A_8 : memref<512xi32, #tpu.memory_space<hbm>>) dst(%arg8 : memref<512xi32, #tpu.memory_space<vmem>>)
    %dma_wait3A_9 = tpu.memref_slice %arg3[%mul3A_2] : memref<16384xi32, #tpu.memory_space<hbm>> -> memref<512xi32, #tpu.memory_space<hbm>>
    %dma_wait3A_10 = tpu.memref_slice %arg3[%mul3A_2] : memref<16384xi32, #tpu.memory_space<hbm>> -> memref<512xi32, #tpu.memory_space<hbm>>
    tpu.wait_dma2 semaphore(%arg21 : memref<!tpu.dma_semaphore, #tpu.memory_space<semaphore_mem>>) src(%dma_wait3A_10 : memref<512xi32, #tpu.memory_space<hbm>>) dst(%arg9 : memref<512xi32, #tpu.memory_space<vmem>>)
    %dma_wait3A_11 = tpu.memref_slice %arg4[%mul3A_2] : memref<16384xi32, #tpu.memory_space<hbm>> -> memref<512xi32, #tpu.memory_space<hbm>>
    %dma_wait3A_12 = tpu.memref_slice %arg4[%mul3A_2] : memref<16384xi32, #tpu.memory_space<hbm>> -> memref<512xi32, #tpu.memory_space<hbm>>
    tpu.wait_dma2 semaphore(%arg21 : memref<!tpu.dma_semaphore, #tpu.memory_space<semaphore_mem>>) src(%dma_wait3A_12 : memref<512xi32, #tpu.memory_space<hbm>>) dst(%arg10 : memref<512xi32, #tpu.memory_space<vmem>>)
    %dma_start3A_13 = arith.constant 0 : i32
    %dma_start3A_14 = tpu.memref_slice %arg8[%dma_start3A_13] : memref<512xi32, #tpu.memory_space<vmem>> -> memref<128xi32, #tpu.memory_space<vmem>>
    %dma_start3A_15 = arith.constant 0 : i32
    %dma_start3A_16 = arith.constant 0 : i32
    %dma_start3A_17 = tpu.memref_slice %arg5[%dma_start3A_15, %dma_start3A_16] : memref<1000000x128xf32, #tpu.memory_space<hbm>> -> memref<1000000x128xf32, #tpu.memory_space<hbm>>
    tpu.enqueue_indirect_dma source(%dma_start3A_17 : memref<1000000x128xf32, #tpu.memory_space<hbm>>) target(%arg11 : memref<128x128xf32, #tpu.memory_space<vmem>>) offsets(%dma_start3A_14 : memref<128xi32, #tpu.memory_space<vmem>>) semaphore(%arg22 : memref<!tpu.dma_semaphore, #tpu.memory_space<semaphore_mem>>)
    %dma_start3A_18 = arith.constant 0 : i32
    %dma_start3A_19 = tpu.memref_slice %arg9[%dma_start3A_18] : memref<512xi32, #tpu.memory_space<vmem>> -> memref<128xi32, #tpu.memory_space<vmem>>
    %dma_start3A_20 = arith.constant 0 : i32
    %dma_start3A_21 = arith.constant 0 : i32
    %dma_start3A_22 = tpu.memref_slice %arg6[%dma_start3A_20, %dma_start3A_21] : memref<100000x128xf32, #tpu.memory_space<hbm>> -> memref<100000x128xf32, #tpu.memory_space<hbm>>
    tpu.enqueue_indirect_dma source(%dma_start3A_22 : memref<100000x128xf32, #tpu.memory_space<hbm>>) target(%arg12 : memref<128x128xf32, #tpu.memory_space<vmem>>) offsets(%dma_start3A_19 : memref<128xi32, #tpu.memory_space<vmem>>) semaphore(%arg22 : memref<!tpu.dma_semaphore, #tpu.memory_space<semaphore_mem>>)
    %dma_start3A_23 = arith.constant 0 : i32
    %dma_start3A_24 = tpu.memref_slice %arg10[%dma_start3A_23] : memref<512xi32, #tpu.memory_space<vmem>> -> memref<128xi32, #tpu.memory_space<vmem>>
    %dma_start3A_25 = arith.constant 0 : i32
    %dma_start3A_26 = arith.constant 0 : i32
    %dma_start3A_27 = tpu.memref_slice %arg5[%dma_start3A_25, %dma_start3A_26] : memref<1000000x128xf32, #tpu.memory_space<hbm>> -> memref<1000000x128xf32, #tpu.memory_space<hbm>>
    tpu.enqueue_indirect_dma source(%dma_start3A_27 : memref<1000000x128xf32, #tpu.memory_space<hbm>>) target(%arg13 : memref<128x128xf32, #tpu.memory_space<vmem>>) offsets(%dma_start3A_24 : memref<128xi32, #tpu.memory_space<vmem>>) semaphore(%arg22 : memref<!tpu.dma_semaphore, #tpu.memory_space<semaphore_mem>>)
    %dma_wait3A_28 = arith.constant 0 : i32
    %dma_wait3A_29 = tpu.memref_slice %arg8[%dma_wait3A_28] : memref<512xi32, #tpu.memory_space<vmem>> -> memref<128xi32, #tpu.memory_space<vmem>>
    %dma_wait3A_30 = arith.constant 0 : i32
    %dma_wait3A_31 = arith.constant 0 : i32
    %dma_wait3A_32 = tpu.memref_slice %arg5[%dma_wait3A_30, %dma_wait3A_31] : memref<1000000x128xf32, #tpu.memory_space<hbm>> -> memref<1000000x128xf32, #tpu.memory_space<hbm>>
    tpu.wait_indirect_dma semaphore(%arg22 : memref<!tpu.dma_semaphore, #tpu.memory_space<semaphore_mem>>) src(%dma_wait3A_32 : memref<1000000x128xf32, #tpu.memory_space<hbm>>) dst(%arg11 : memref<128x128xf32, #tpu.memory_space<vmem>>)
    %dma_wait3A_33 = arith.constant 0 : i32
    %dma_wait3A_34 = tpu.memref_slice %arg9[%dma_wait3A_33] : memref<512xi32, #tpu.memory_space<vmem>> -> memref<128xi32, #tpu.memory_space<vmem>>
    %dma_wait3A_35 = arith.constant 0 : i32
    %dma_wait3A_36 = arith.constant 0 : i32
    %dma_wait3A_37 = tpu.memref_slice %arg6[%dma_wait3A_35, %dma_wait3A_36] : memref<100000x128xf32, #tpu.memory_space<hbm>> -> memref<100000x128xf32, #tpu.memory_space<hbm>>
    tpu.wait_indirect_dma semaphore(%arg22 : memref<!tpu.dma_semaphore, #tpu.memory_space<semaphore_mem>>) src(%dma_wait3A_37 : memref<100000x128xf32, #tpu.memory_space<hbm>>) dst(%arg12 : memref<128x128xf32, #tpu.memory_space<vmem>>)
    %dma_wait3A_38 = arith.constant 0 : i32
    %dma_wait3A_39 = tpu.memref_slice %arg10[%dma_wait3A_38] : memref<512xi32, #tpu.memory_space<vmem>> -> memref<128xi32, #tpu.memory_space<vmem>>
    %dma_wait3A_40 = arith.constant 0 : i32
    %dma_wait3A_41 = arith.constant 0 : i32
    %dma_wait3A_42 = tpu.memref_slice %arg5[%dma_wait3A_40, %dma_wait3A_41] : memref<1000000x128xf32, #tpu.memory_space<hbm>> -> memref<1000000x128xf32, #tpu.memory_space<hbm>>
    tpu.wait_indirect_dma semaphore(%arg22 : memref<!tpu.dma_semaphore, #tpu.memory_space<semaphore_mem>>) src(%dma_wait3A_42 : memref<1000000x128xf32, #tpu.memory_space<hbm>>) dst(%arg13 : memref<128x128xf32, #tpu.memory_space<vmem>>)
    %dma_start3A_43 = arith.constant 128 : i32
    %dma_start3A_44 = tpu.memref_slice %arg8[%dma_start3A_43] : memref<512xi32, #tpu.memory_space<vmem>> -> memref<128xi32, #tpu.memory_space<vmem>>
    %dma_start3A_45 = arith.constant 0 : i32
    %dma_start3A_46 = arith.constant 0 : i32
    %dma_start3A_47 = tpu.memref_slice %arg5[%dma_start3A_45, %dma_start3A_46] : memref<1000000x128xf32, #tpu.memory_space<hbm>> -> memref<1000000x128xf32, #tpu.memory_space<hbm>>
    tpu.enqueue_indirect_dma source(%dma_start3A_47 : memref<1000000x128xf32, #tpu.memory_space<hbm>>) target(%arg14 : memref<128x128xf32, #tpu.memory_space<vmem>>) offsets(%dma_start3A_44 : memref<128xi32, #tpu.memory_space<vmem>>) semaphore(%arg23 : memref<!tpu.dma_semaphore, #tpu.memory_space<semaphore_mem>>)
    %dma_start3A_48 = arith.constant 128 : i32
    %dma_start3A_49 = tpu.memref_slice %arg9[%dma_start3A_48] : memref<512xi32, #tpu.memory_space<vmem>> -> memref<128xi32, #tpu.memory_space<vmem>>
    %dma_start3A_50 = arith.constant 0 : i32
    %dma_start3A_51 = arith.constant 0 : i32
    %dma_start3A_52 = tpu.memref_slice %arg6[%dma_start3A_50, %dma_start3A_51] : memref<100000x128xf32, #tpu.memory_space<hbm>> -> memref<100000x128xf32, #tpu.memory_space<hbm>>
    tpu.enqueue_indirect_dma source(%dma_start3A_52 : memref<100000x128xf32, #tpu.memory_space<hbm>>) target(%arg15 : memref<128x128xf32, #tpu.memory_space<vmem>>) offsets(%dma_start3A_49 : memref<128xi32, #tpu.memory_space<vmem>>) semaphore(%arg23 : memref<!tpu.dma_semaphore, #tpu.memory_space<semaphore_mem>>)
    %dma_start3A_53 = arith.constant 128 : i32
    %dma_start3A_54 = tpu.memref_slice %arg10[%dma_start3A_53] : memref<512xi32, #tpu.memory_space<vmem>> -> memref<128xi32, #tpu.memory_space<vmem>>
    %dma_start3A_55 = arith.constant 0 : i32
    %dma_start3A_56 = arith.constant 0 : i32
    %dma_start3A_57 = tpu.memref_slice %arg5[%dma_start3A_55, %dma_start3A_56] : memref<1000000x128xf32, #tpu.memory_space<hbm>> -> memref<1000000x128xf32, #tpu.memory_space<hbm>>
    tpu.enqueue_indirect_dma source(%dma_start3A_57 : memref<1000000x128xf32, #tpu.memory_space<hbm>>) target(%arg16 : memref<128x128xf32, #tpu.memory_space<vmem>>) offsets(%dma_start3A_54 : memref<128xi32, #tpu.memory_space<vmem>>) semaphore(%arg23 : memref<!tpu.dma_semaphore, #tpu.memory_space<semaphore_mem>>)
    %scan3A = arith.constant 0 : i32
    %scan3A_58 = arith.constant 0 : i32
    %scan3A_59 = arith.constant 128 : i32
    %scan3A_60 = arith.addi %scan3A_58, %scan3A_59 : i32
    %scan3A_61 = arith.constant 1 : i32
    %scan3A_62 = scf.for %scan3A_1633 = %scan3A_58 to %scan3A_60 step %scan3A_61 iter_args(%scan3A_1634 = %scan3A) -> (i32)  : i32 {
      %broadcast_in_dim3A = arith.constant 0.000000e+00 : f32
      %broadcast_in_dim3A_1635 = vector.broadcast %broadcast_in_dim3A : f32 to vector<16xf32>
      %get3A_1636 = arith.index_cast %scan3A_1633 : i32 to index
      %get3A_1637 = arith.constant 0 : index
      %get3A_1638 = tpu.vector_load %arg11[%get3A_1636, %get3A_1637] {strides = array<i32>} : memref<128x128xf32, #tpu.memory_space<vmem>>, vector<1x16xf32>,
      %get3A_1639 = vector.shape_cast %get3A_1638 : vector<1x16xf32> to vector<16xf32>
      %get3A_1640 = arith.index_cast %scan3A_1633 : i32 to index
      %get3A_1641 = arith.constant 0 : index
      %get3A_1642 = tpu.vector_load %arg12[%get3A_1640, %get3A_1641] {strides = array<i32>} : memref<128x128xf32, #tpu.memory_space<vmem>>, vector<1x16xf32>,
      %get3A_1643 = vector.shape_cast %get3A_1642 : vector<1x16xf32> to vector<16xf32>
      %add3A_1644 = arith.addf %get3A_1639, %get3A_1643 : vector<16xf32>
      %get3A_1645 = arith.index_cast %scan3A_1633 : i32 to index
      %get3A_1646 = arith.constant 0 : index
      %get3A_1647 = tpu.vector_load %arg13[%get3A_1645, %get3A_1646] {strides = array<i32>} : memref<128x128xf32, #tpu.memory_space<vmem>>, vector<1x16xf32>,
      %get3A_1648 = vector.shape_cast %get3A_1647 : vector<1x16xf32> to vector<16xf32>
      %sub3A_1649 = arith.subf %add3A_1644, %get3A_1648 : vector<16xf32>
      %mul3A_1650 = arith.mulf %sub3A_1649, %sub3A_1649 : vector<16xf32>
      %add3A_1651 = arith.addf %broadcast_in_dim3A_1635, %mul3A_1650 : vector<16xf32>
      %get3A_1652 = arith.index_cast %scan3A_1633 : i32 to index
      %get3A_1653 = arith.constant 16 : index
      %get3A_1654 = tpu.vector_load %arg11[%get3A_1652, %get3A_1653] {strides = array<i32>} : memref<128x128xf32, #tpu.memory_space<vmem>>, vector<1x16xf32>,
      %get3A_1655 = vector.shape_cast %get3A_1654 : vector<1x16xf32> to vector<16xf32>
      %get3A_1656 = arith.index_cast %scan3A_1633 : i32 to index
      %get3A_1657 = arith.constant 16 : index
      %get3A_1658 = tpu.vector_load %arg12[%get3A_1656, %get3A_1657] {strides = array<i32>} : memref<128x128xf32, #tpu.memory_space<vmem>>, vector<1x16xf32>,
      %get3A_1659 = vector.shape_cast %get3A_1658 : vector<1x16xf32> to vector<16xf32>
      %add3A_1660 = arith.addf %get3A_1655, %get3A_1659 : vector<16xf32>
      %get3A_1661 = arith.index_cast %scan3A_1633 : i32 to index
      %get3A_1662 = arith.constant 16 : index
      %get3A_1663 = tpu.vector_load %arg13[%get3A_1661, %get3A_1662] {strides = array<i32>} : memref<128x128xf32, #tpu.memory_space<vmem>>, vector<1x16xf32>,
      %get3A_1664 = vector.shape_cast %get3A_1663 : vector<1x16xf32> to vector<16xf32>
      %sub3A_1665 = arith.subf %add3A_1660, %get3A_1664 : vector<16xf32>
      %mul3A_1666 = arith.mulf %sub3A_1665, %sub3A_1665 : vector<16xf32>
      %add3A_1667 = arith.addf %add3A_1651, %mul3A_1666 : vector<16xf32>
      %get3A_1668 = arith.index_cast %scan3A_1633 : i32 to index
      %get3A_1669 = arith.constant 32 : index
      %get3A_1670 = tpu.vector_load %arg11[%get3A_1668, %get3A_1669] {strides = array<i32>} : memref<128x128xf32, #tpu.memory_space<vmem>>, vector<1x16xf32>,
      %get3A_1671 = vector.shape_cast %get3A_1670 : vector<1x16xf32> to vector<16xf32>
      %get3A_1672 = arith.index_cast %scan3A_1633 : i32 to index
      %get3A_1673 = arith.constant 32 : index
      %get3A_1674 = tpu.vector_load %arg12[%get3A_1672, %get3A_1673] {strides = array<i32>} : memref<128x128xf32, #tpu.memory_space<vmem>>, vector<1x16xf32>,
      %get3A_1675 = vector.shape_cast %get3A_1674 : vector<1x16xf32> to vector<16xf32>
      %add3A_1676 = arith.addf %get3A_1671, %get3A_1675 : vector<16xf32>
      %get3A_1677 = arith.index_cast %scan3A_1633 : i32 to index
      %get3A_1678 = arith.constant 32 : index
      %get3A_1679 = tpu.vector_load %arg13[%get3A_1677, %get3A_1678] {strides = array<i32>} : memref<128x128xf32, #tpu.memory_space<vmem>>, vector<1x16xf32>,
      %get3A_1680 = vector.shape_cast %get3A_1679 : vector<1x16xf32> to vector<16xf32>
      %sub3A_1681 = arith.subf %add3A_1676, %get3A_1680 : vector<16xf32>
      %mul3A_1682 = arith.mulf %sub3A_1681, %sub3A_1681 : vector<16xf32>
      %add3A_1683 = arith.addf %add3A_1667, %mul3A_1682 : vector<16xf32>
      %get3A_1684 = arith.index_cast %scan3A_1633 : i32 to index
      %get3A_1685 = arith.constant 48 : index
      %get3A_1686 = tpu.vector_load %arg11[%get3A_1684, %get3A_1685] {strides = array<i32>} : memref<128x128xf32, #tpu.memory_space<vmem>>, vector<1x16xf32>,
      %get3A_1687 = vector.shape_cast %get3A_1686 : vector<1x16xf32> to vector<16xf32>
      %get3A_1688 = arith.index_cast %scan3A_1633 : i32 to index
      %get3A_1689 = arith.constant 48 : index
      %get3A_1690 = tpu.vector_load %arg12[%get3A_1688, %get3A_1689] {strides = array<i32>} : memref<128x128xf32, #tpu.memory_space<vmem>>, vector<1x16xf32>,
      %get3A_1691 = vector.shape_cast %get3A_1690 : vector<1x16xf32> to vector<16xf32>
      %add3A_1692 = arith.addf %get3A_1687, %get3A_1691 : vector<16xf32>
      %get3A_1693 = arith.index_cast %scan3A_1633 : i32 to index
      %get3A_1694 = arith.constant 48 : index
      %get3A_1695 = tpu.vector_load %arg13[%get3A_1693, %get3A_1694] {strides = array<i32>} : memref<128x128xf32, #tpu.memory_space<vmem>>, vector<1x16xf32>,
      %get3A_1696 = vector.shape_cast %get3A_1695 : vector<1x16xf32> to vector<16xf32>
      %sub3A_1697 = arith.subf %add3A_1692, %get3A_1696 : vector<16xf32>
      %mul3A_1698 = arith.mulf %sub3A_1697, %sub3A_1697 : vector<16xf32>
      %add3A_1699 = arith.addf %add3A_1683, %mul3A_1698 : vector<16xf32>
      %get3A_1700 = arith.index_cast %scan3A_1633 : i32 to index
      %get3A_1701 = arith.constant 64 : index
      %get3A_1702 = tpu.vector_load %arg11[%get3A_1700, %get3A_1701] {strides = array<i32>} : memref<128x128xf32, #tpu.memory_space<vmem>>, vector<1x16xf32>,
      %get3A_1703 = vector.shape_cast %get3A_1702 : vector<1x16xf32> to vector<16xf32>
      %get3A_1704 = arith.index_cast %scan3A_1633 : i32 to index
      %get3A_1705 = arith.constant 64 : index
      %get3A_1706 = tpu.vector_load %arg12[%get3A_1704, %get3A_1705] {strides = array<i32>} : memref<128x128xf32, #tpu.memory_space<vmem>>, vector<1x16xf32>,
      %get3A_1707 = vector.shape_cast %get3A_1706 : vector<1x16xf32> to vector<16xf32>
      %add3A_1708 = arith.addf %get3A_1703, %get3A_1707 : vector<16xf32>
      %get3A_1709 = arith.index_cast %scan3A_1633 : i32 to index
      %get3A_1710 = arith.constant 64 : index
      %get3A_1711 = tpu.vector_load %arg13[%get3A_1709, %get3A_1710] {strides = array<i32>} : memref<128x128xf32, #tpu.memory_space<vmem>>, vector<1x16xf32>,
      %get3A_1712 = vector.shape_cast %get3A_1711 : vector<1x16xf32> to vector<16xf32>
      %sub3A_1713 = arith.subf %add3A_1708, %get3A_1712 : vector<16xf32>
      %mul3A_1714 = arith.mulf %sub3A_1713, %sub3A_1713 : vector<16xf32>
      %add3A_1715 = arith.addf %add3A_1699, %mul3A_1714 : vector<16xf32>
      %get3A_1716 = arith.index_cast %scan3A_1633 : i32 to index
      %get3A_1717 = arith.constant 80 : index
      %get3A_1718 = tpu.vector_load %arg11[%get3A_1716, %get3A_1717] {strides = array<i32>} : memref<128x128xf32, #tpu.memory_space<vmem>>, vector<1x16xf32>,
      %get3A_1719 = vector.shape_cast %get3A_1718 : vector<1x16xf32> to vector<16xf32>
      %get3A_1720 = arith.index_cast %scan3A_1633 : i32 to index
      %get3A_1721 = arith.constant 80 : index
      %get3A_1722 = tpu.vector_load %arg12[%get3A_1720, %get3A_1721] {strides = array<i32>} : memref<128x128xf32, #tpu.memory_space<vmem>>, vector<1x16xf32>,
      %get3A_1723 = vector.shape_cast %get3A_1722 : vector<1x16xf32> to vector<16xf32>
      %add3A_1724 = arith.addf %get3A_1719, %get3A_1723 : vector<16xf32>
      %get3A_1725 = arith.index_cast %scan3A_1633 : i32 to index
      %get3A_1726 = arith.constant 80 : index
      %get3A_1727 = tpu.vector_load %arg13[%get3A_1725, %get3A_1726] {strides = array<i32>} : memref<128x128xf32, #tpu.memory_space<vmem>>, vector<1x16xf32>,
      %get3A_1728 = vector.shape_cast %get3A_1727 : vector<1x16xf32> to vector<16xf32>
      %sub3A_1729 = arith.subf %add3A_1724, %get3A_1728 : vector<16xf32>
      %mul3A_1730 = arith.mulf %sub3A_1729, %sub3A_1729 : vector<16xf32>
      %add3A_1731 = arith.addf %add3A_1715, %mul3A_1730 : vector<16xf32>
      %get3A_1732 = arith.index_cast %scan3A_1633 : i32 to index
      %get3A_1733 = arith.constant 96 : index
      %get3A_1734 = tpu.vector_load %arg11[%get3A_1732, %get3A_1733] {strides = array<i32>} : memref<128x128xf32, #tpu.memory_space<vmem>>, vector<1x16xf32>,
      %get3A_1735 = vector.shape_cast %get3A_1734 : vector<1x16xf32> to vector<16xf32>
      %get3A_1736 = arith.index_cast %scan3A_1633 : i32 to index
      %get3A_1737 = arith.constant 96 : index
      %get3A_1738 = tpu.vector_load %arg12[%get3A_1736, %get3A_1737] {strides = array<i32>} : memref<128x128xf32, #tpu.memory_space<vmem>>, vector<1x16xf32>,
      %get3A_1739 = vector.shape_cast %get3A_1738 : vector<1x16xf32> to vector<16xf32>
      %add3A_1740 = arith.addf %get3A_1735, %get3A_1739 : vector<16xf32>
      %get3A_1741 = arith.index_cast %scan3A_1633 : i32 to index
      %get3A_1742 = arith.constant 96 : index
      %get3A_1743 = tpu.vector_load %arg13[%get3A_1741, %get3A_1742] {strides = array<i32>} : memref<128x128xf32, #tpu.memory_space<vmem>>, vector<1x16xf32>,
      %get3A_1744 = vector.shape_cast %get3A_1743 : vector<1x16xf32> to vector<16xf32>
      %sub3A_1745 = arith.subf %add3A_1740, %get3A_1744 : vector<16xf32>
      %mul3A_1746 = arith.mulf %sub3A_1745, %sub3A_1745 : vector<16xf32>
      %add3A_1747 = arith.addf %add3A_1731, %mul3A_1746 : vector<16xf32>
      %get3A_1748 = arith.index_cast %scan3A_1633 : i32 to index
      %get3A_1749 = arith.constant 112 : index
      %get3A_1750 = tpu.vector_load %arg11[%get3A_1748, %get3A_1749] {strides = array<i32>} : memref<128x128xf32, #tpu.memory_space<vmem>>, vector<1x16xf32>,
      %get3A_1751 = vector.shape_cast %get3A_1750 : vector<1x16xf32> to vector<16xf32>
      %get3A_1752 = arith.index_cast %scan3A_1633 : i32 to index
      %get3A_1753 = arith.constant 112 : index
      %get3A_1754 = tpu.vector_load %arg12[%get3A_1752, %get3A_1753] {strides = array<i32>} : memref<128x128xf32, #tpu.memory_space<vmem>>, vector<1x16xf32>,
      %get3A_1755 = vector.shape_cast %get3A_1754 : vector<1x16xf32> to vector<16xf32>
      %add3A_1756 = arith.addf %get3A_1751, %get3A_1755 : vector<16xf32>
      %get3A_1757 = arith.index_cast %scan3A_1633 : i32 to index
      %get3A_1758 = arith.constant 112 : index
      %get3A_1759 = tpu.vector_load %arg13[%get3A_1757, %get3A_1758] {strides = array<i32>} : memref<128x128xf32, #tpu.memory_space<vmem>>, vector<1x16xf32>,
      %get3A_1760 = vector.shape_cast %get3A_1759 : vector<1x16xf32> to vector<16xf32>
      %sub3A_1761 = arith.subf %add3A_1756, %get3A_1760 : vector<16xf32>
      %mul3A_1762 = arith.mulf %sub3A_1761, %sub3A_1761 : vector<16xf32>
      %add3A_1763 = arith.addf %add3A_1747, %mul3A_1762 : vector<16xf32>
      %swap3A_1764 = arith.index_cast %scan3A_1633 : i32 to index
      %swap3A_1765 = arith.constant 0 : index
      %swap3A_1766 = tpu.vector_load %arg17[%swap3A_1764, %swap3A_1765] {strides = array<i32>} : memref<128x32xf32, #tpu.memory_space<vmem>>, vector<1x16xf32>,
      %swap3A_1767 = vector.shape_cast %swap3A_1766 : vector<1x16xf32> to vector<16xf32>
      %swap3A_1768 = vector.shape_cast %add3A_1763 : vector<16xf32> to vector<1x16xf32>
      tpu.vector_store %arg17[%swap3A_1764, %swap3A_1765], %swap3A_1768 {strides = array<i32>} : memref<128x32xf32, #tpu.memory_space<vmem>>, vector<1x16xf32>,
      %get3A_1769 = arith.index_cast %scan3A_1633 : i32 to index
      %get3A_1770 = arith.constant 8 : index
      %get3A_1771 = tpu.vector_load %arg17[%get3A_1769, %get3A_1770] {strides = array<i32>} : memref<128x32xf32, #tpu.memory_space<vmem>>, vector<1x16xf32>,
      %get3A_1772 = vector.shape_cast %get3A_1771 : vector<1x16xf32> to vector<16xf32>
      %add3A_1773 = arith.addf %add3A_1763, %get3A_1772 : vector<16xf32>
      %swap3A_1774 = arith.index_cast %scan3A_1633 : i32 to index
      %swap3A_1775 = arith.constant 0 : index
      %swap3A_1776 = tpu.vector_load %arg17[%swap3A_1774, %swap3A_1775] {strides = array<i32>} : memref<128x32xf32, #tpu.memory_space<vmem>>, vector<1x16xf32>,
      %swap3A_1777 = vector.shape_cast %swap3A_1776 : vector<1x16xf32> to vector<16xf32>
      %swap3A_1778 = vector.shape_cast %add3A_1773 : vector<16xf32> to vector<1x16xf32>
      tpu.vector_store %arg17[%swap3A_1774, %swap3A_1775], %swap3A_1778 {strides = array<i32>} : memref<128x32xf32, #tpu.memory_space<vmem>>, vector<1x16xf32>,
      %get3A_1779 = arith.index_cast %scan3A_1633 : i32 to index
      %get3A_1780 = arith.constant 4 : index
      %get3A_1781 = tpu.vector_load %arg17[%get3A_1779, %get3A_1780] {strides = array<i32>} : memref<128x32xf32, #tpu.memory_space<vmem>>, vector<1x16xf32>,
      %get3A_1782 = vector.shape_cast %get3A_1781 : vector<1x16xf32> to vector<16xf32>
      %add3A_1783 = arith.addf %add3A_1773, %get3A_1782 : vector<16xf32>
      %swap3A_1784 = arith.index_cast %scan3A_1633 : i32 to index
      %swap3A_1785 = arith.constant 0 : index
      %swap3A_1786 = tpu.vector_load %arg17[%swap3A_1784, %swap3A_1785] {strides = array<i32>} : memref<128x32xf32, #tpu.memory_space<vmem>>, vector<1x16xf32>,
      %swap3A_1787 = vector.shape_cast %swap3A_1786 : vector<1x16xf32> to vector<16xf32>
      %swap3A_1788 = vector.shape_cast %add3A_1783 : vector<16xf32> to vector<1x16xf32>
      tpu.vector_store %arg17[%swap3A_1784, %swap3A_1785], %swap3A_1788 {strides = array<i32>} : memref<128x32xf32, #tpu.memory_space<vmem>>, vector<1x16xf32>,
      %get3A_1789 = arith.index_cast %scan3A_1633 : i32 to index
      %get3A_1790 = arith.constant 2 : index
      %get3A_1791 = tpu.vector_load %arg17[%get3A_1789, %get3A_1790] {strides = array<i32>} : memref<128x32xf32, #tpu.memory_space<vmem>>, vector<1x16xf32>,
      %get3A_1792 = vector.shape_cast %get3A_1791 : vector<1x16xf32> to vector<16xf32>
      %add3A_1793 = arith.addf %add3A_1783, %get3A_1792 : vector<16xf32>
      %swap3A_1794 = arith.index_cast %scan3A_1633 : i32 to index
      %swap3A_1795 = arith.constant 0 : index
      %swap3A_1796 = tpu.vector_load %arg17[%swap3A_1794, %swap3A_1795] {strides = array<i32>} : memref<128x32xf32, #tpu.memory_space<vmem>>, vector<1x16xf32>,
      %swap3A_1797 = vector.shape_cast %swap3A_1796 : vector<1x16xf32> to vector<16xf32>
      %swap3A_1798 = vector.shape_cast %add3A_1793 : vector<16xf32> to vector<1x16xf32>
      tpu.vector_store %arg17[%swap3A_1794, %swap3A_1795], %swap3A_1798 {strides = array<i32>} : memref<128x32xf32, #tpu.memory_space<vmem>>, vector<1x16xf32>,
      %get3A_1799 = arith.index_cast %scan3A_1633 : i32 to index
      %get3A_1800 = arith.constant 1 : index
      %get3A_1801 = tpu.vector_load %arg17[%get3A_1799, %get3A_1800] {strides = array<i32>} : memref<128x32xf32, #tpu.memory_space<vmem>>, vector<1x16xf32>,
      %get3A_1802 = vector.shape_cast %get3A_1801 : vector<1x16xf32> to vector<16xf32>
      %add3A_1803 = arith.addf %add3A_1793, %get3A_1802 : vector<16xf32>
      %swap3A_1804 = arith.index_cast %scan3A_1633 : i32 to index
      %swap3A_1805 = arith.constant 0 : index
      %swap3A_1806 = tpu.vector_load %arg17[%swap3A_1804, %swap3A_1805] {strides = array<i32>} : memref<128x32xf32, #tpu.memory_space<vmem>>, vector<1x16xf32>,
      %swap3A_1807 = vector.shape_cast %swap3A_1806 : vector<1x16xf32> to vector<16xf32>
      %swap3A_1808 = vector.shape_cast %add3A_1803 : vector<16xf32> to vector<1x16xf32>
      tpu.vector_store %arg17[%swap3A_1804, %swap3A_1805], %swap3A_1808 {strides = array<i32>} : memref<128x32xf32, #tpu.memory_space<vmem>>, vector<1x16xf32>,
      %scan3A_1809 = arith.constant 0 : i32
      scf.yield %scan3A_1809 : i32
    }
    %scan3A_63 = arith.constant 128 : i32
    %dma_start3A_64 = arith.constant 0 : i32
    %dma_start3A_65 = arith.constant 0 : i32
    %dma_start3A_66 = tpu.memref_slice %arg17[%dma_start3A_65, %dma_start3A_64] : memref<128x32xf32, #tpu.memory_space<vmem>> -> memref<128x1xf32, #tpu.memory_space<vmem>>
    %dma_start3A_67 = tpu.memref_squeeze %dma_start3A_66 : memref<128x1xf32, #tpu.memory_space<vmem>> -> memref<128xf32, #tpu.memory_space<vmem>>
    %dma_start3A_68 = arith.constant 0 : i32
    %dma_start3A_69 = tpu.memref_slice %arg18[%arg1, %dma_start3A_68] : memref<16x512xf32, #tpu.memory_space<vmem_shared>> -> memref<1x128xf32, #tpu.memory_space<vmem_shared>>
    %dma_start3A_70 = tpu.memref_squeeze %dma_start3A_69 : memref<1x128xf32, #tpu.memory_space<vmem_shared>> -> memref<128xf32, #tpu.memory_space<vmem_shared>>
    %dma_start3A_71 = arith.constant 0 : i32
    %dma_start3A_72 = tpu.memref_slice %arg18[%arg1, %dma_start3A_71] : memref<16x512xf32, #tpu.memory_space<vmem_shared>> -> memref<1x128xf32, #tpu.memory_space<vmem_shared>>
    %dma_start3A_73 = tpu.memref_squeeze %dma_start3A_72 : memref<1x128xf32, #tpu.memory_space<vmem_shared>> -> memref<128xf32, #tpu.memory_space<vmem_shared>>
    %dma_start3A_74 = arith.constant 0 : i32
    %dma_start3A_75 = tpu.memref_slice %arg17[%dma_start3A_74, %dma_start3A_64] : memref<128x32xf32, #tpu.memory_space<vmem>> -> memref<128x1xf32, #tpu.memory_space<vmem>>
    %dma_start3A_76 = tpu.memref_squeeze %dma_start3A_75 : memref<128x1xf32, #tpu.memory_space<vmem>> -> memref<128xf32, #tpu.memory_space<vmem>>
    tpu.enqueue_dma source(%dma_start3A_76 : memref<128xf32, #tpu.memory_space<vmem>>) target(%dma_start3A_73 : memref<128xf32, #tpu.memory_space<vmem_shared>>) target_semaphore(%arg24 : memref<!tpu.dma_semaphore, #tpu.memory_space<semaphore_mem>>)
    %dma_wait3A_77 = arith.constant 128 : i32
    %dma_wait3A_78 = tpu.memref_slice %arg8[%dma_wait3A_77] : memref<512xi32, #tpu.memory_space<vmem>> -> memref<128xi32, #tpu.memory_space<vmem>>
    %dma_wait3A_79 = arith.constant 0 : i32
    %dma_wait3A_80 = arith.constant 0 : i32
    %dma_wait3A_81 = tpu.memref_slice %arg5[%dma_wait3A_79, %dma_wait3A_80] : memref<1000000x128xf32, #tpu.memory_space<hbm>> -> memref<1000000x128xf32, #tpu.memory_space<hbm>>
    tpu.wait_indirect_dma semaphore(%arg23 : memref<!tpu.dma_semaphore, #tpu.memory_space<semaphore_mem>>) src(%dma_wait3A_81 : memref<1000000x128xf32, #tpu.memory_space<hbm>>) dst(%arg14 : memref<128x128xf32, #tpu.memory_space<vmem>>)
    %dma_wait3A_82 = arith.constant 128 : i32
    %dma_wait3A_83 = tpu.memref_slice %arg9[%dma_wait3A_82] : memref<512xi32, #tpu.memory_space<vmem>> -> memref<128xi32, #tpu.memory_space<vmem>>
    %dma_wait3A_84 = arith.constant 0 : i32
    %dma_wait3A_85 = arith.constant 0 : i32
    %dma_wait3A_86 = tpu.memref_slice %arg6[%dma_wait3A_84, %dma_wait3A_85] : memref<100000x128xf32, #tpu.memory_space<hbm>> -> memref<100000x128xf32, #tpu.memory_space<hbm>>
    tpu.wait_indirect_dma semaphore(%arg23 : memref<!tpu.dma_semaphore, #tpu.memory_space<semaphore_mem>>) src(%dma_wait3A_86 : memref<100000x128xf32, #tpu.memory_space<hbm>>) dst(%arg15 : memref<128x128xf32, #tpu.memory_space<vmem>>)
    %dma_wait3A_87 = arith.constant 128 : i32
    %dma_wait3A_88 = tpu.memref_slice %arg10[%dma_wait3A_87] : memref<512xi32, #tpu.memory_space<vmem>> -> memref<128xi32, #tpu.memory_space<vmem>>
    %dma_wait3A_89 = arith.constant 0 : i32
    %dma_wait3A_90 = arith.constant 0 : i32
    %dma_wait3A_91 = tpu.memref_slice %arg5[%dma_wait3A_89, %dma_wait3A_90] : memref<1000000x128xf32, #tpu.memory_space<hbm>> -> memref<1000000x128xf32, #tpu.memory_space<hbm>>
    tpu.wait_indirect_dma semaphore(%arg23 : memref<!tpu.dma_semaphore, #tpu.memory_space<semaphore_mem>>) src(%dma_wait3A_91 : memref<1000000x128xf32, #tpu.memory_space<hbm>>) dst(%arg16 : memref<128x128xf32, #tpu.memory_space<vmem>>)
    %dma_start3A_92 = arith.constant 256 : i32
    %dma_start3A_93 = tpu.memref_slice %arg8[%dma_start3A_92] : memref<512xi32, #tpu.memory_space<vmem>> -> memref<128xi32, #tpu.memory_space<vmem>>
    %dma_start3A_94 = arith.constant 0 : i32
    %dma_start3A_95 = arith.constant 0 : i32
    %dma_start3A_96 = tpu.memref_slice %arg5[%dma_start3A_94, %dma_start3A_95] : memref<1000000x128xf32, #tpu.memory_space<hbm>> -> memref<1000000x128xf32, #tpu.memory_space<hbm>>
    tpu.enqueue_indirect_dma source(%dma_start3A_96 : memref<1000000x128xf32, #tpu.memory_space<hbm>>) target(%arg11 : memref<128x128xf32, #tpu.memory_space<vmem>>) offsets(%dma_start3A_93 : memref<128xi32, #tpu.memory_space<vmem>>) semaphore(%arg22 : memref<!tpu.dma_semaphore, #tpu.memory_space<semaphore_mem>>)
    %dma_start3A_97 = arith.constant 256 : i32
    %dma_start3A_98 = tpu.memref_slice %arg9[%dma_start3A_97] : memref<512xi32, #tpu.memory_space<vmem>> -> memref<128xi32, #tpu.memory_space<vmem>>
    %dma_start3A_99 = arith.constant 0 : i32
    %dma_start3A_100 = arith.constant 0 : i32
    %dma_start3A_101 = tpu.memref_slice %arg6[%dma_start3A_99, %dma_start3A_100] : memref<100000x128xf32, #tpu.memory_space<hbm>> -> memref<100000x128xf32, #tpu.memory_space<hbm>>
    tpu.enqueue_indirect_dma source(%dma_start3A_101 : memref<100000x128xf32, #tpu.memory_space<hbm>>) target(%arg12 : memref<128x128xf32, #tpu.memory_space<vmem>>) offsets(%dma_start3A_98 : memref<128xi32, #tpu.memory_space<vmem>>) semaphore(%arg22 : memref<!tpu.dma_semaphore, #tpu.memory_space<semaphore_mem>>)
    %dma_start3A_102 = arith.constant 256 : i32
    %dma_start3A_103 = tpu.memref_slice %arg10[%dma_start3A_102] : memref<512xi32, #tpu.memory_space<vmem>> -> memref<128xi32, #tpu.memory_space<vmem>>
    %dma_start3A_104 = arith.constant 0 : i32
    %dma_start3A_105 = arith.constant 0 : i32
    %dma_start3A_106 = tpu.memref_slice %arg5[%dma_start3A_104, %dma_start3A_105] : memref<1000000x128xf32, #tpu.memory_space<hbm>> -> memref<1000000x128xf32, #tpu.memory_space<hbm>>
    tpu.enqueue_indirect_dma source(%dma_start3A_106 : memref<1000000x128xf32, #tpu.memory_space<hbm>>) target(%arg13 : memref<128x128xf32, #tpu.memory_space<vmem>>) offsets(%dma_start3A_103 : memref<128xi32, #tpu.memory_space<vmem>>) semaphore(%arg22 : memref<!tpu.dma_semaphore, #tpu.memory_space<semaphore_mem>>)
    %scan3A_107 = arith.constant 0 : i32
    %scan3A_108 = arith.constant 0 : i32
    %scan3A_109 = arith.constant 128 : i32
    %scan3A_110 = arith.addi %scan3A_108, %scan3A_109 : i32
    %scan3A_111 = arith.constant 1 : i32
    %scan3A_112 = scf.for %scan3A_1633 = %scan3A_108 to %scan3A_110 step %scan3A_111 iter_args(%scan3A_1634 = %scan3A_107) -> (i32)  : i32 {
      %broadcast_in_dim3A = arith.constant 0.000000e+00 : f32
      %broadcast_in_dim3A_1635 = vector.broadcast %broadcast_in_dim3A : f32 to vector<16xf32>
      %get3A_1636 = arith.index_cast %scan3A_1633 : i32 to index
      %get3A_1637 = arith.constant 0 : index
      %get3A_1638 = tpu.vector_load %arg14[%get3A_1636, %get3A_1637] {strides = array<i32>} : memref<128x128xf32, #tpu.memory_space<vmem>>, vector<1x16xf32>,
      %get3A_1639 = vector.shape_cast %get3A_1638 : vector<1x16xf32> to vector<16xf32>
      %get3A_1640 = arith.index_cast %scan3A_1633 : i32 to index
      %get3A_1641 = arith.constant 0 : index
      %get3A_1642 = tpu.vector_load %arg15[%get3A_1640, %get3A_1641] {strides = array<i32>} : memref<128x128xf32, #tpu.memory_space<vmem>>, vector<1x16xf32>,
      %get3A_1643 = vector.shape_cast %get3A_1642 : vector<1x16xf32> to vector<16xf32>
      %add3A_1644 = arith.addf %get3A_1639, %get3A_1643 : vector<16xf32>
      %get3A_1645 = arith.index_cast %scan3A_1633 : i32 to index
      %get3A_1646 = arith.constant 0 : index
      %get3A_1647 = tpu.vector_load %arg16[%get3A_1645, %get3A_1646] {strides = array<i32>} : memref<128x128xf32, #tpu.memory_space<vmem>>, vector<1x16xf32>,
      %get3A_1648 = vector.shape_cast %get3A_1647 : vector<1x16xf32> to vector<16xf32>
      %sub3A_1649 = arith.subf %add3A_1644, %get3A_1648 : vector<16xf32>
      %mul3A_1650 = arith.mulf %sub3A_1649, %sub3A_1649 : vector<16xf32>
      %add3A_1651 = arith.addf %broadcast_in_dim3A_1635, %mul3A_1650 : vector<16xf32>
      %get3A_1652 = arith.index_cast %scan3A_1633 : i32 to index
      %get3A_1653 = arith.constant 16 : index
      %get3A_1654 = tpu.vector_load %arg14[%get3A_1652, %get3A_1653] {strides = array<i32>} : memref<128x128xf32, #tpu.memory_space<vmem>>, vector<1x16xf32>,
      %get3A_1655 = vector.shape_cast %get3A_1654 : vector<1x16xf32> to vector<16xf32>
      %get3A_1656 = arith.index_cast %scan3A_1633 : i32 to index
      %get3A_1657 = arith.constant 16 : index
      %get3A_1658 = tpu.vector_load %arg15[%get3A_1656, %get3A_1657] {strides = array<i32>} : memref<128x128xf32, #tpu.memory_space<vmem>>, vector<1x16xf32>,
      %get3A_1659 = vector.shape_cast %get3A_1658 : vector<1x16xf32> to vector<16xf32>
      %add3A_1660 = arith.addf %get3A_1655, %get3A_1659 : vector<16xf32>
      %get3A_1661 = arith.index_cast %scan3A_1633 : i32 to index
      %get3A_1662 = arith.constant 16 : index
      %get3A_1663 = tpu.vector_load %arg16[%get3A_1661, %get3A_1662] {strides = array<i32>} : memref<128x128xf32, #tpu.memory_space<vmem>>, vector<1x16xf32>,
      %get3A_1664 = vector.shape_cast %get3A_1663 : vector<1x16xf32> to vector<16xf32>
      %sub3A_1665 = arith.subf %add3A_1660, %get3A_1664 : vector<16xf32>
      %mul3A_1666 = arith.mulf %sub3A_1665, %sub3A_1665 : vector<16xf32>
      %add3A_1667 = arith.addf %add3A_1651, %mul3A_1666 : vector<16xf32>
      %get3A_1668 = arith.index_cast %scan3A_1633 : i32 to index
      %get3A_1669 = arith.constant 32 : index
      %get3A_1670 = tpu.vector_load %arg14[%get3A_1668, %get3A_1669] {strides = array<i32>} : memref<128x128xf32, #tpu.memory_space<vmem>>, vector<1x16xf32>,
      %get3A_1671 = vector.shape_cast %get3A_1670 : vector<1x16xf32> to vector<16xf32>
      %get3A_1672 = arith.index_cast %scan3A_1633 : i32 to index
      %get3A_1673 = arith.constant 32 : index
      %get3A_1674 = tpu.vector_load %arg15[%get3A_1672, %get3A_1673] {strides = array<i32>} : memref<128x128xf32, #tpu.memory_space<vmem>>, vector<1x16xf32>,
      %get3A_1675 = vector.shape_cast %get3A_1674 : vector<1x16xf32> to vector<16xf32>
      %add3A_1676 = arith.addf %get3A_1671, %get3A_1675 : vector<16xf32>
      %get3A_1677 = arith.index_cast %scan3A_1633 : i32 to index
      %get3A_1678 = arith.constant 32 : index
      %get3A_1679 = tpu.vector_load %arg16[%get3A_1677, %get3A_1678] {strides = array<i32>} : memref<128x128xf32, #tpu.memory_space<vmem>>, vector<1x16xf32>,
      %get3A_1680 = vector.shape_cast %get3A_1679 : vector<1x16xf32> to vector<16xf32>
      %sub3A_1681 = arith.subf %add3A_1676, %get3A_1680 : vector<16xf32>
      %mul3A_1682 = arith.mulf %sub3A_1681, %sub3A_1681 : vector<16xf32>
      %add3A_1683 = arith.addf %add3A_1667, %mul3A_1682 : vector<16xf32>
      %get3A_1684 = arith.index_cast %scan3A_1633 : i32 to index
      %get3A_1685 = arith.constant 48 : index
      %get3A_1686 = tpu.vector_load %arg14[%get3A_1684, %get3A_1685] {strides = array<i32>} : memref<128x128xf32, #tpu.memory_space<vmem>>, vector<1x16xf32>,
      %get3A_1687 = vector.shape_cast %get3A_1686 : vector<1x16xf32> to vector<16xf32>
      %get3A_1688 = arith.index_cast %scan3A_1633 : i32 to index
      %get3A_1689 = arith.constant 48 : index
      %get3A_1690 = tpu.vector_load %arg15[%get3A_1688, %get3A_1689] {strides = array<i32>} : memref<128x128xf32, #tpu.memory_space<vmem>>, vector<1x16xf32>,
      %get3A_1691 = vector.shape_cast %get3A_1690 : vector<1x16xf32> to vector<16xf32>
      %add3A_1692 = arith.addf %get3A_1687, %get3A_1691 : vector<16xf32>
      %get3A_1693 = arith.index_cast %scan3A_1633 : i32 to index
      %get3A_1694 = arith.constant 48 : index
      %get3A_1695 = tpu.vector_load %arg16[%get3A_1693, %get3A_1694] {strides = array<i32>} : memref<128x128xf32, #tpu.memory_space<vmem>>, vector<1x16xf32>,
      %get3A_1696 = vector.shape_cast %get3A_1695 : vector<1x16xf32> to vector<16xf32>
      %sub3A_1697 = arith.subf %add3A_1692, %get3A_1696 : vector<16xf32>
      %mul3A_1698 = arith.mulf %sub3A_1697, %sub3A_1697 : vector<16xf32>
      %add3A_1699 = arith.addf %add3A_1683, %mul3A_1698 : vector<16xf32>
      %get3A_1700 = arith.index_cast %scan3A_1633 : i32 to index
      %get3A_1701 = arith.constant 64 : index
      %get3A_1702 = tpu.vector_load %arg14[%get3A_1700, %get3A_1701] {strides = array<i32>} : memref<128x128xf32, #tpu.memory_space<vmem>>, vector<1x16xf32>,
      %get3A_1703 = vector.shape_cast %get3A_1702 : vector<1x16xf32> to vector<16xf32>
      %get3A_1704 = arith.index_cast %scan3A_1633 : i32 to index
      %get3A_1705 = arith.constant 64 : index
      %get3A_1706 = tpu.vector_load %arg15[%get3A_1704, %get3A_1705] {strides = array<i32>} : memref<128x128xf32, #tpu.memory_space<vmem>>, vector<1x16xf32>,
      %get3A_1707 = vector.shape_cast %get3A_1706 : vector<1x16xf32> to vector<16xf32>
      %add3A_1708 = arith.addf %get3A_1703, %get3A_1707 : vector<16xf32>
      %get3A_1709 = arith.index_cast %scan3A_1633 : i32 to index
      %get3A_1710 = arith.constant 64 : index
      %get3A_1711 = tpu.vector_load %arg16[%get3A_1709, %get3A_1710] {strides = array<i32>} : memref<128x128xf32, #tpu.memory_space<vmem>>, vector<1x16xf32>,
      %get3A_1712 = vector.shape_cast %get3A_1711 : vector<1x16xf32> to vector<16xf32>
      %sub3A_1713 = arith.subf %add3A_1708, %get3A_1712 : vector<16xf32>
      %mul3A_1714 = arith.mulf %sub3A_1713, %sub3A_1713 : vector<16xf32>
      %add3A_1715 = arith.addf %add3A_1699, %mul3A_1714 : vector<16xf32>
      %get3A_1716 = arith.index_cast %scan3A_1633 : i32 to index
      %get3A_1717 = arith.constant 80 : index
      %get3A_1718 = tpu.vector_load %arg14[%get3A_1716, %get3A_1717] {strides = array<i32>} : memref<128x128xf32, #tpu.memory_space<vmem>>, vector<1x16xf32>,
      %get3A_1719 = vector.shape_cast %get3A_1718 : vector<1x16xf32> to vector<16xf32>
      %get3A_1720 = arith.index_cast %scan3A_1633 : i32 to index
      %get3A_1721 = arith.constant 80 : index
      %get3A_1722 = tpu.vector_load %arg15[%get3A_1720, %get3A_1721] {strides = array<i32>} : memref<128x128xf32, #tpu.memory_space<vmem>>, vector<1x16xf32>,
      %get3A_1723 = vector.shape_cast %get3A_1722 : vector<1x16xf32> to vector<16xf32>
      %add3A_1724 = arith.addf %get3A_1719, %get3A_1723 : vector<16xf32>
      %get3A_1725 = arith.index_cast %scan3A_1633 : i32 to index
      %get3A_1726 = arith.constant 80 : index
      %get3A_1727 = tpu.vector_load %arg16[%get3A_1725, %get3A_1726] {strides = array<i32>} : memref<128x128xf32, #tpu.memory_space<vmem>>, vector<1x16xf32>,
      %get3A_1728 = vector.shape_cast %get3A_1727 : vector<1x16xf32> to vector<16xf32>
      %sub3A_1729 = arith.subf %add3A_1724, %get3A_1728 : vector<16xf32>
      %mul3A_1730 = arith.mulf %sub3A_1729, %sub3A_1729 : vector<16xf32>
      %add3A_1731 = arith.addf %add3A_1715, %mul3A_1730 : vector<16xf32>
      %get3A_1732 = arith.index_cast %scan3A_1633 : i32 to index
      %get3A_1733 = arith.constant 96 : index
      %get3A_1734 = tpu.vector_load %arg14[%get3A_1732, %get3A_1733] {strides = array<i32>} : memref<128x128xf32, #tpu.memory_space<vmem>>, vector<1x16xf32>,
      %get3A_1735 = vector.shape_cast %get3A_1734 : vector<1x16xf32> to vector<16xf32>
      %get3A_1736 = arith.index_cast %scan3A_1633 : i32 to index
      %get3A_1737 = arith.constant 96 : index
      %get3A_1738 = tpu.vector_load %arg15[%get3A_1736, %get3A_1737] {strides = array<i32>} : memref<128x128xf32, #tpu.memory_space<vmem>>, vector<1x16xf32>,
      %get3A_1739 = vector.shape_cast %get3A_1738 : vector<1x16xf32> to vector<16xf32>
      %add3A_1740 = arith.addf %get3A_1735, %get3A_1739 : vector<16xf32>
      %get3A_1741 = arith.index_cast %scan3A_1633 : i32 to index
      %get3A_1742 = arith.constant 96 : index
      %get3A_1743 = tpu.vector_load %arg16[%get3A_1741, %get3A_1742] {strides = array<i32>} : memref<128x128xf32, #tpu.memory_space<vmem>>, vector<1x16xf32>,
      %get3A_1744 = vector.shape_cast %get3A_1743 : vector<1x16xf32> to vector<16xf32>
      %sub3A_1745 = arith.subf %add3A_1740, %get3A_1744 : vector<16xf32>
      %mul3A_1746 = arith.mulf %sub3A_1745, %sub3A_1745 : vector<16xf32>
      %add3A_1747 = arith.addf %add3A_1731, %mul3A_1746 : vector<16xf32>
      %get3A_1748 = arith.index_cast %scan3A_1633 : i32 to index
      %get3A_1749 = arith.constant 112 : index
      %get3A_1750 = tpu.vector_load %arg14[%get3A_1748, %get3A_1749] {strides = array<i32>} : memref<128x128xf32, #tpu.memory_space<vmem>>, vector<1x16xf32>,
      %get3A_1751 = vector.shape_cast %get3A_1750 : vector<1x16xf32> to vector<16xf32>
      %get3A_1752 = arith.index_cast %scan3A_1633 : i32 to index
      %get3A_1753 = arith.constant 112 : index
      %get3A_1754 = tpu.vector_load %arg15[%get3A_1752, %get3A_1753] {strides = array<i32>} : memref<128x128xf32, #tpu.memory_space<vmem>>, vector<1x16xf32>,
      %get3A_1755 = vector.shape_cast %get3A_1754 : vector<1x16xf32> to vector<16xf32>
      %add3A_1756 = arith.addf %get3A_1751, %get3A_1755 : vector<16xf32>
      %get3A_1757 = arith.index_cast %scan3A_1633 : i32 to index
      %get3A_1758 = arith.constant 112 : index
      %get3A_1759 = tpu.vector_load %arg16[%get3A_1757, %get3A_1758] {strides = array<i32>} : memref<128x128xf32, #tpu.memory_space<vmem>>, vector<1x16xf32>,
      %get3A_1760 = vector.shape_cast %get3A_1759 : vector<1x16xf32> to vector<16xf32>
      %sub3A_1761 = arith.subf %add3A_1756, %get3A_1760 : vector<16xf32>
      %mul3A_1762 = arith.mulf %sub3A_1761, %sub3A_1761 : vector<16xf32>
      %add3A_1763 = arith.addf %add3A_1747, %mul3A_1762 : vector<16xf32>
      %swap3A_1764 = arith.index_cast %scan3A_1633 : i32 to index
      %swap3A_1765 = arith.constant 0 : index
      %swap3A_1766 = tpu.vector_load %arg17[%swap3A_1764, %swap3A_1765] {strides = array<i32>} : memref<128x32xf32, #tpu.memory_space<vmem>>, vector<1x16xf32>,
      %swap3A_1767 = vector.shape_cast %swap3A_1766 : vector<1x16xf32> to vector<16xf32>
      %swap3A_1768 = vector.shape_cast %add3A_1763 : vector<16xf32> to vector<1x16xf32>
      tpu.vector_store %arg17[%swap3A_1764, %swap3A_1765], %swap3A_1768 {strides = array<i32>} : memref<128x32xf32, #tpu.memory_space<vmem>>, vector<1x16xf32>,
      %get3A_1769 = arith.index_cast %scan3A_1633 : i32 to index
      %get3A_1770 = arith.constant 8 : index
      %get3A_1771 = tpu.vector_load %arg17[%get3A_1769, %get3A_1770] {strides = array<i32>} : memref<128x32xf32, #tpu.memory_space<vmem>>, vector<1x16xf32>,
      %get3A_1772 = vector.shape_cast %get3A_1771 : vector<1x16xf32> to vector<16xf32>
      %add3A_1773 = arith.addf %add3A_1763, %get3A_1772 : vector<16xf32>
      %swap3A_1774 = arith.index_cast %scan3A_1633 : i32 to index
      %swap3A_1775 = arith.constant 0 : index
      %swap3A_1776 = tpu.vector_load %arg17[%swap3A_1774, %swap3A_1775] {strides = array<i32>} : memref<128x32xf32, #tpu.memory_space<vmem>>, vector<1x16xf32>,
      %swap3A_1777 = vector.shape_cast %swap3A_1776 : vector<1x16xf32> to vector<16xf32>
      %swap3A_1778 = vector.shape_cast %add3A_1773 : vector<16xf32> to vector<1x16xf32>
      tpu.vector_store %arg17[%swap3A_1774, %swap3A_1775], %swap3A_1778 {strides = array<i32>} : memref<128x32xf32, #tpu.memory_space<vmem>>, vector<1x16xf32>,
      %get3A_1779 = arith.index_cast %scan3A_1633 : i32 to index
      %get3A_1780 = arith.constant 4 : index
      %get3A_1781 = tpu.vector_load %arg17[%get3A_1779, %get3A_1780] {strides = array<i32>} : memref<128x32xf32, #tpu.memory_space<vmem>>, vector<1x16xf32>,
      %get3A_1782 = vector.shape_cast %get3A_1781 : vector<1x16xf32> to vector<16xf32>
      %add3A_1783 = arith.addf %add3A_1773, %get3A_1782 : vector<16xf32>
      %swap3A_1784 = arith.index_cast %scan3A_1633 : i32 to index
      %swap3A_1785 = arith.constant 0 : index
      %swap3A_1786 = tpu.vector_load %arg17[%swap3A_1784, %swap3A_1785] {strides = array<i32>} : memref<128x32xf32, #tpu.memory_space<vmem>>, vector<1x16xf32>,
      %swap3A_1787 = vector.shape_cast %swap3A_1786 : vector<1x16xf32> to vector<16xf32>
      %swap3A_1788 = vector.shape_cast %add3A_1783 : vector<16xf32> to vector<1x16xf32>
      tpu.vector_store %arg17[%swap3A_1784, %swap3A_1785], %swap3A_1788 {strides = array<i32>} : memref<128x32xf32, #tpu.memory_space<vmem>>, vector<1x16xf32>,
      %get3A_1789 = arith.index_cast %scan3A_1633 : i32 to index
      %get3A_1790 = arith.constant 2 : index
      %get3A_1791 = tpu.vector_load %arg17[%get3A_1789, %get3A_1790] {strides = array<i32>} : memref<128x32xf32, #tpu.memory_space<vmem>>, vector<1x16xf32>,
      %get3A_1792 = vector.shape_cast %get3A_1791 : vector<1x16xf32> to vector<16xf32>
      %add3A_1793 = arith.addf %add3A_1783, %get3A_1792 : vector<16xf32>
      %swap3A_1794 = arith.index_cast %scan3A_1633 : i32 to index
      %swap3A_1795 = arith.constant 0 : index
      %swap3A_1796 = tpu.vector_load %arg17[%swap3A_1794, %swap3A_1795] {strides = array<i32>} : memref<128x32xf32, #tpu.memory_space<vmem>>, vector<1x16xf32>,
      %swap3A_1797 = vector.shape_cast %swap3A_1796 : vector<1x16xf32> to vector<16xf32>
      %swap3A_1798 = vector.shape_cast %add3A_1793 : vector<16xf32> to vector<1x16xf32>
      tpu.vector_store %arg17[%swap3A_1794, %swap3A_1795], %swap3A_1798 {strides = array<i32>} : memref<128x32xf32, #tpu.memory_space<vmem>>, vector<1x16xf32>,
      %get3A_1799 = arith.index_cast %scan3A_1633 : i32 to index
      %get3A_1800 = arith.constant 1 : index
      %get3A_1801 = tpu.vector_load %arg17[%get3A_1799, %get3A_1800] {strides = array<i32>} : memref<128x32xf32, #tpu.memory_space<vmem>>, vector<1x16xf32>,
      %get3A_1802 = vector.shape_cast %get3A_1801 : vector<1x16xf32> to vector<16xf32>
      %add3A_1803 = arith.addf %add3A_1793, %get3A_1802 : vector<16xf32>
      %swap3A_1804 = arith.index_cast %scan3A_1633 : i32 to index
      %swap3A_1805 = arith.constant 0 : index
      %swap3A_1806 = tpu.vector_load %arg17[%swap3A_1804, %swap3A_1805] {strides = array<i32>} : memref<128x32xf32, #tpu.memory_space<vmem>>, vector<1x16xf32>,
      %swap3A_1807 = vector.shape_cast %swap3A_1806 : vector<1x16xf32> to vector<16xf32>
      %swap3A_1808 = vector.shape_cast %add3A_1803 : vector<16xf32> to vector<1x16xf32>
      tpu.vector_store %arg17[%swap3A_1804, %swap3A_1805], %swap3A_1808 {strides = array<i32>} : memref<128x32xf32, #tpu.memory_space<vmem>>, vector<1x16xf32>,
      %scan3A_1809 = arith.constant 0 : i32
      scf.yield %scan3A_1809 : i32
    }
    %scan3A_113 = arith.constant 128 : i32
    %dma_start3A_114 = arith.constant 0 : i32
    %dma_start3A_115 = arith.constant 0 : i32
    %dma_start3A_116 = tpu.memref_slice %arg17[%dma_start3A_115, %dma_start3A_114] : memref<128x32xf32, #tpu.memory_space<vmem>> -> memref<128x1xf32, #tpu.memory_space<vmem>>
    %dma_start3A_117 = tpu.memref_squeeze %dma_start3A_116 : memref<128x1xf32, #tpu.memory_space<vmem>> -> memref<128xf32, #tpu.memory_space<vmem>>
    %dma_start3A_118 = arith.constant 128 : i32
    %dma_start3A_119 = tpu.memref_slice %arg18[%arg1, %dma_start3A_118] : memref<16x512xf32, #tpu.memory_space<vmem_shared>> -> memref<1x128xf32, #tpu.memory_space<vmem_shared>>
    %dma_start3A_120 = tpu.memref_squeeze %dma_start3A_119 : memref<1x128xf32, #tpu.memory_space<vmem_shared>> -> memref<128xf32, #tpu.memory_space<vmem_shared>>
    %dma_start3A_121 = arith.constant 128 : i32
    %dma_start3A_122 = tpu.memref_slice %arg18[%arg1, %dma_start3A_121] : memref<16x512xf32, #tpu.memory_space<vmem_shared>> -> memref<1x128xf32, #tpu.memory_space<vmem_shared>>
    %dma_start3A_123 = tpu.memref_squeeze %dma_start3A_122 : memref<1x128xf32, #tpu.memory_space<vmem_shared>> -> memref<128xf32, #tpu.memory_space<vmem_shared>>
    %dma_start3A_124 = arith.constant 0 : i32
    %dma_start3A_125 = tpu.memref_slice %arg17[%dma_start3A_124, %dma_start3A_114] : memref<128x32xf32, #tpu.memory_space<vmem>> -> memref<128x1xf32, #tpu.memory_space<vmem>>
    %dma_start3A_126 = tpu.memref_squeeze %dma_start3A_125 : memref<128x1xf32, #tpu.memory_space<vmem>> -> memref<128xf32, #tpu.memory_space<vmem>>
    tpu.enqueue_dma source(%dma_start3A_126 : memref<128xf32, #tpu.memory_space<vmem>>) target(%dma_start3A_123 : memref<128xf32, #tpu.memory_space<vmem_shared>>) target_semaphore(%arg24 : memref<!tpu.dma_semaphore, #tpu.memory_space<semaphore_mem>>)
    %dma_wait3A_127 = arith.constant 256 : i32
    %dma_wait3A_128 = tpu.memref_slice %arg8[%dma_wait3A_127] : memref<512xi32, #tpu.memory_space<vmem>> -> memref<128xi32, #tpu.memory_space<vmem>>
    %dma_wait3A_129 = arith.constant 0 : i32
    %dma_wait3A_130 = arith.constant 0 : i32
    %dma_wait3A_131 = tpu.memref_slice %arg5[%dma_wait3A_129, %dma_wait3A_130] : memref<1000000x128xf32, #tpu.memory_space<hbm>> -> memref<1000000x128xf32, #tpu.memory_space<hbm>>
    tpu.wait_indirect_dma semaphore(%arg22 : memref<!tpu.dma_semaphore, #tpu.memory_space<semaphore_mem>>) src(%dma_wait3A_131 : memref<1000000x128xf32, #tpu.memory_space<hbm>>) dst(%arg11 : memref<128x128xf32, #tpu.memory_space<vmem>>)
    %dma_wait3A_132 = arith.constant 256 : i32
    %dma_wait3A_133 = tpu.memref_slice %arg9[%dma_wait3A_132] : memref<512xi32, #tpu.memory_space<vmem>> -> memref<128xi32, #tpu.memory_space<vmem>>
    %dma_wait3A_134 = arith.constant 0 : i32
    %dma_wait3A_135 = arith.constant 0 : i32
    %dma_wait3A_136 = tpu.memref_slice %arg6[%dma_wait3A_134, %dma_wait3A_135] : memref<100000x128xf32, #tpu.memory_space<hbm>> -> memref<100000x128xf32, #tpu.memory_space<hbm>>
    tpu.wait_indirect_dma semaphore(%arg22 : memref<!tpu.dma_semaphore, #tpu.memory_space<semaphore_mem>>) src(%dma_wait3A_136 : memref<100000x128xf32, #tpu.memory_space<hbm>>) dst(%arg12 : memref<128x128xf32, #tpu.memory_space<vmem>>)
    %dma_wait3A_137 = arith.constant 256 : i32
    %dma_wait3A_138 = tpu.memref_slice %arg10[%dma_wait3A_137] : memref<512xi32, #tpu.memory_space<vmem>> -> memref<128xi32, #tpu.memory_space<vmem>>
    %dma_wait3A_139 = arith.constant 0 : i32
    %dma_wait3A_140 = arith.constant 0 : i32
    %dma_wait3A_141 = tpu.memref_slice %arg5[%dma_wait3A_139, %dma_wait3A_140] : memref<1000000x128xf32, #tpu.memory_space<hbm>> -> memref<1000000x128xf32, #tpu.memory_space<hbm>>
    tpu.wait_indirect_dma semaphore(%arg22 : memref<!tpu.dma_semaphore, #tpu.memory_space<semaphore_mem>>) src(%dma_wait3A_141 : memref<1000000x128xf32, #tpu.memory_space<hbm>>) dst(%arg13 : memref<128x128xf32, #tpu.memory_space<vmem>>)
    %dma_start3A_142 = arith.constant 384 : i32
    %dma_start3A_143 = tpu.memref_slice %arg8[%dma_start3A_142] : memref<512xi32, #tpu.memory_space<vmem>> -> memref<128xi32, #tpu.memory_space<vmem>>
    %dma_start3A_144 = arith.constant 0 : i32
    %dma_start3A_145 = arith.constant 0 : i32
    %dma_start3A_146 = tpu.memref_slice %arg5[%dma_start3A_144, %dma_start3A_145] : memref<1000000x128xf32, #tpu.memory_space<hbm>> -> memref<1000000x128xf32, #tpu.memory_space<hbm>>
    tpu.enqueue_indirect_dma source(%dma_start3A_146 : memref<1000000x128xf32, #tpu.memory_space<hbm>>) target(%arg14 : memref<128x128xf32, #tpu.memory_space<vmem>>) offsets(%dma_start3A_143 : memref<128xi32, #tpu.memory_space<vmem>>) semaphore(%arg23 : memref<!tpu.dma_semaphore, #tpu.memory_space<semaphore_mem>>)
    %dma_start3A_147 = arith.constant 384 : i32
    %dma_start3A_148 = tpu.memref_slice %arg9[%dma_start3A_147] : memref<512xi32, #tpu.memory_space<vmem>> -> memref<128xi32, #tpu.memory_space<vmem>>
    %dma_start3A_149 = arith.constant 0 : i32
    %dma_start3A_150 = arith.constant 0 : i32
    %dma_start3A_151 = tpu.memref_slice %arg6[%dma_start3A_149, %dma_start3A_150] : memref<100000x128xf32, #tpu.memory_space<hbm>> -> memref<100000x128xf32, #tpu.memory_space<hbm>>
    tpu.enqueue_indirect_dma source(%dma_start3A_151 : memref<100000x128xf32, #tpu.memory_space<hbm>>) target(%arg15 : memref<128x128xf32, #tpu.memory_space<vmem>>) offsets(%dma_start3A_148 : memref<128xi32, #tpu.memory_space<vmem>>) semaphore(%arg23 : memref<!tpu.dma_semaphore, #tpu.memory_space<semaphore_mem>>)
    %dma_start3A_152 = arith.constant 384 : i32
    %dma_start3A_153 = tpu.memref_slice %arg10[%dma_start3A_152] : memref<512xi32, #tpu.memory_space<vmem>> -> memref<128xi32, #tpu.memory_space<vmem>>
    %dma_start3A_154 = arith.constant 0 : i32
    %dma_start3A_155 = arith.constant 0 : i32
    %dma_start3A_156 = tpu.memref_slice %arg5[%dma_start3A_154, %dma_start3A_155] : memref<1000000x128xf32, #tpu.memory_space<hbm>> -> memref<1000000x128xf32, #tpu.memory_space<hbm>>
    tpu.enqueue_indirect_dma source(%dma_start3A_156 : memref<1000000x128xf32, #tpu.memory_space<hbm>>) target(%arg16 : memref<128x128xf32, #tpu.memory_space<vmem>>) offsets(%dma_start3A_153 : memref<128xi32, #tpu.memory_space<vmem>>) semaphore(%arg23 : memref<!tpu.dma_semaphore, #tpu.memory_space<semaphore_mem>>)
    %scan3A_157 = arith.constant 0 : i32
    %scan3A_158 = arith.constant 0 : i32
    %scan3A_159 = arith.constant 128 : i32
    %scan3A_160 = arith.addi %scan3A_158, %scan3A_159 : i32
    %scan3A_161 = arith.constant 1 : i32
    %scan3A_162 = scf.for %scan3A_1633 = %scan3A_158 to %scan3A_160 step %scan3A_161 iter_args(%scan3A_1634 = %scan3A_157) -> (i32)  : i32 {
      %broadcast_in_dim3A = arith.constant 0.000000e+00 : f32
      %broadcast_in_dim3A_1635 = vector.broadcast %broadcast_in_dim3A : f32 to vector<16xf32>
      %get3A_1636 = arith.index_cast %scan3A_1633 : i32 to index
      %get3A_1637 = arith.constant 0 : index
      %get3A_1638 = tpu.vector_load %arg11[%get3A_1636, %get3A_1637] {strides = array<i32>} : memref<128x128xf32, #tpu.memory_space<vmem>>, vector<1x16xf32>,
      %get3A_1639 = vector.shape_cast %get3A_1638 : vector<1x16xf32> to vector<16xf32>
      %get3A_1640 = arith.index_cast %scan3A_1633 : i32 to index
      %get3A_1641 = arith.constant 0 : index
      %get3A_1642 = tpu.vector_load %arg12[%get3A_1640, %get3A_1641] {strides = array<i32>} : memref<128x128xf32, #tpu.memory_space<vmem>>, vector<1x16xf32>,
      %get3A_1643 = vector.shape_cast %get3A_1642 : vector<1x16xf32> to vector<16xf32>
      %add3A_1644 = arith.addf %get3A_1639, %get3A_1643 : vector<16xf32>
      %get3A_1645 = arith.index_cast %scan3A_1633 : i32 to index
      %get3A_1646 = arith.constant 0 : index
      %get3A_1647 = tpu.vector_load %arg13[%get3A_1645, %get3A_1646] {strides = array<i32>} : memref<128x128xf32, #tpu.memory_space<vmem>>, vector<1x16xf32>,
      %get3A_1648 = vector.shape_cast %get3A_1647 : vector<1x16xf32> to vector<16xf32>
      %sub3A_1649 = arith.subf %add3A_1644, %get3A_1648 : vector<16xf32>
      %mul3A_1650 = arith.mulf %sub3A_1649, %sub3A_1649 : vector<16xf32>
      %add3A_1651 = arith.addf %broadcast_in_dim3A_1635, %mul3A_1650 : vector<16xf32>
      %get3A_1652 = arith.index_cast %scan3A_1633 : i32 to index
      %get3A_1653 = arith.constant 16 : index
      %get3A_1654 = tpu.vector_load %arg11[%get3A_1652, %get3A_1653] {strides = array<i32>} : memref<128x128xf32, #tpu.memory_space<vmem>>, vector<1x16xf32>,
      %get3A_1655 = vector.shape_cast %get3A_1654 : vector<1x16xf32> to vector<16xf32>
      %get3A_1656 = arith.index_cast %scan3A_1633 : i32 to index
      %get3A_1657 = arith.constant 16 : index
      %get3A_1658 = tpu.vector_load %arg12[%get3A_1656, %get3A_1657] {strides = array<i32>} : memref<128x128xf32, #tpu.memory_space<vmem>>, vector<1x16xf32>,
      %get3A_1659 = vector.shape_cast %get3A_1658 : vector<1x16xf32> to vector<16xf32>
      %add3A_1660 = arith.addf %get3A_1655, %get3A_1659 : vector<16xf32>
      %get3A_1661 = arith.index_cast %scan3A_1633 : i32 to index
      %get3A_1662 = arith.constant 16 : index
      %get3A_1663 = tpu.vector_load %arg13[%get3A_1661, %get3A_1662] {strides = array<i32>} : memref<128x128xf32, #tpu.memory_space<vmem>>, vector<1x16xf32>,
      %get3A_1664 = vector.shape_cast %get3A_1663 : vector<1x16xf32> to vector<16xf32>
      %sub3A_1665 = arith.subf %add3A_1660, %get3A_1664 : vector<16xf32>
      %mul3A_1666 = arith.mulf %sub3A_1665, %sub3A_1665 : vector<16xf32>
      %add3A_1667 = arith.addf %add3A_1651, %mul3A_1666 : vector<16xf32>
      %get3A_1668 = arith.index_cast %scan3A_1633 : i32 to index
      %get3A_1669 = arith.constant 32 : index
      %get3A_1670 = tpu.vector_load %arg11[%get3A_1668, %get3A_1669] {strides = array<i32>} : memref<128x128xf32, #tpu.memory_space<vmem>>, vector<1x16xf32>,
      %get3A_1671 = vector.shape_cast %get3A_1670 : vector<1x16xf32> to vector<16xf32>
      %get3A_1672 = arith.index_cast %scan3A_1633 : i32 to index
      %get3A_1673 = arith.constant 32 : index
      %get3A_1674 = tpu.vector_load %arg12[%get3A_1672, %get3A_1673] {strides = array<i32>} : memref<128x128xf32, #tpu.memory_space<vmem>>, vector<1x16xf32>,
      %get3A_1675 = vector.shape_cast %get3A_1674 : vector<1x16xf32> to vector<16xf32>
      %add3A_1676 = arith.addf %get3A_1671, %get3A_1675 : vector<16xf32>
      %get3A_1677 = arith.index_cast %scan3A_1633 : i32 to index
      %get3A_1678 = arith.constant 32 : index
      %get3A_1679 = tpu.vector_load %arg13[%get3A_1677, %get3A_1678] {strides = array<i32>} : memref<128x128xf32, #tpu.memory_space<vmem>>, vector<1x16xf32>,
      %get3A_1680 = vector.shape_cast %get3A_1679 : vector<1x16xf32> to vector<16xf32>
      %sub3A_1681 = arith.subf %add3A_1676, %get3A_1680 : vector<16xf32>
      %mul3A_1682 = arith.mulf %sub3A_1681, %sub3A_1681 : vector<16xf32>
      %add3A_1683 = arith.addf %add3A_1667, %mul3A_1682 : vector<16xf32>
      %get3A_1684 = arith.index_cast %scan3A_1633 : i32 to index
      %get3A_1685 = arith.constant 48 : index
      %get3A_1686 = tpu.vector_load %arg11[%get3A_1684, %get3A_1685] {strides = array<i32>} : memref<128x128xf32, #tpu.memory_space<vmem>>, vector<1x16xf32>,
      %get3A_1687 = vector.shape_cast %get3A_1686 : vector<1x16xf32> to vector<16xf32>
      %get3A_1688 = arith.index_cast %scan3A_1633 : i32 to index
      %get3A_1689 = arith.constant 48 : index
      %get3A_1690 = tpu.vector_load %arg12[%get3A_1688, %get3A_1689] {strides = array<i32>} : memref<128x128xf32, #tpu.memory_space<vmem>>, vector<1x16xf32>,
      %get3A_1691 = vector.shape_cast %get3A_1690 : vector<1x16xf32> to vector<16xf32>
      %add3A_1692 = arith.addf %get3A_1687, %get3A_1691 : vector<16xf32>
      %get3A_1693 = arith.index_cast %scan3A_1633 : i32 to index
      %get3A_1694 = arith.constant 48 : index
      %get3A_1695 = tpu.vector_load %arg13[%get3A_1693, %get3A_1694] {strides = array<i32>} : memref<128x128xf32, #tpu.memory_space<vmem>>, vector<1x16xf32>,
      %get3A_1696 = vector.shape_cast %get3A_1695 : vector<1x16xf32> to vector<16xf32>
      %sub3A_1697 = arith.subf %add3A_1692, %get3A_1696 : vector<16xf32>
      %mul3A_1698 = arith.mulf %sub3A_1697, %sub3A_1697 : vector<16xf32>
      %add3A_1699 = arith.addf %add3A_1683, %mul3A_1698 : vector<16xf32>
      %get3A_1700 = arith.index_cast %scan3A_1633 : i32 to index
      %get3A_1701 = arith.constant 64 : index
      %get3A_1702 = tpu.vector_load %arg11[%get3A_1700, %get3A_1701] {strides = array<i32>} : memref<128x128xf32, #tpu.memory_space<vmem>>, vector<1x16xf32>,
      %get3A_1703 = vector.shape_cast %get3A_1702 : vector<1x16xf32> to vector<16xf32>
      %get3A_1704 = arith.index_cast %scan3A_1633 : i32 to index
      %get3A_1705 = arith.constant 64 : index
      %get3A_1706 = tpu.vector_load %arg12[%get3A_1704, %get3A_1705] {strides = array<i32>} : memref<128x128xf32, #tpu.memory_space<vmem>>, vector<1x16xf32>,
      %get3A_1707 = vector.shape_cast %get3A_1706 : vector<1x16xf32> to vector<16xf32>
      %add3A_1708 = arith.addf %get3A_1703, %get3A_1707 : vector<16xf32>
      %get3A_1709 = arith.index_cast %scan3A_1633 : i32 to index
      %get3A_1710 = arith.constant 64 : index
      %get3A_1711 = tpu.vector_load %arg13[%get3A_1709, %get3A_1710] {strides = array<i32>} : memref<128x128xf32, #tpu.memory_space<vmem>>, vector<1x16xf32>,
      %get3A_1712 = vector.shape_cast %get3A_1711 : vector<1x16xf32> to vector<16xf32>
      %sub3A_1713 = arith.subf %add3A_1708, %get3A_1712 : vector<16xf32>
      %mul3A_1714 = arith.mulf %sub3A_1713, %sub3A_1713 : vector<16xf32>
      %add3A_1715 = arith.addf %add3A_1699, %mul3A_1714 : vector<16xf32>
      %get3A_1716 = arith.index_cast %scan3A_1633 : i32 to index
      %get3A_1717 = arith.constant 80 : index
      %get3A_1718 = tpu.vector_load %arg11[%get3A_1716, %get3A_1717] {strides = array<i32>} : memref<128x128xf32, #tpu.memory_space<vmem>>, vector<1x16xf32>,
      %get3A_1719 = vector.shape_cast %get3A_1718 : vector<1x16xf32> to vector<16xf32>
      %get3A_1720 = arith.index_cast %scan3A_1633 : i32 to index
      %get3A_1721 = arith.constant 80 : index
      %get3A_1722 = tpu.vector_load %arg12[%get3A_1720, %get3A_1721] {strides = array<i32>} : memref<128x128xf32, #tpu.memory_space<vmem>>, vector<1x16xf32>,
      %get3A_1723 = vector.shape_cast %get3A_1722 : vector<1x16xf32> to vector<16xf32>
      %add3A_1724 = arith.addf %get3A_1719, %get3A_1723 : vector<16xf32>
      %get3A_1725 = arith.index_cast %scan3A_1633 : i32 to index
      %get3A_1726 = arith.constant 80 : index
      %get3A_1727 = tpu.vector_load %arg13[%get3A_1725, %get3A_1726] {strides = array<i32>} : memref<128x128xf32, #tpu.memory_space<vmem>>, vector<1x16xf32>,
      %get3A_1728 = vector.shape_cast %get3A_1727 : vector<1x16xf32> to vector<16xf32>
      %sub3A_1729 = arith.subf %add3A_1724, %get3A_1728 : vector<16xf32>
      %mul3A_1730 = arith.mulf %sub3A_1729, %sub3A_1729 : vector<16xf32>
      %add3A_1731 = arith.addf %add3A_1715, %mul3A_1730 : vector<16xf32>
      %get3A_1732 = arith.index_cast %scan3A_1633 : i32 to index
      %get3A_1733 = arith.constant 96 : index
      %get3A_1734 = tpu.vector_load %arg11[%get3A_1732, %get3A_1733] {strides = array<i32>} : memref<128x128xf32, #tpu.memory_space<vmem>>, vector<1x16xf32>,
      %get3A_1735 = vector.shape_cast %get3A_1734 : vector<1x16xf32> to vector<16xf32>
      %get3A_1736 = arith.index_cast %scan3A_1633 : i32 to index
      %get3A_1737 = arith.constant 96 : index
      %get3A_1738 = tpu.vector_load %arg12[%get3A_1736, %get3A_1737] {strides = array<i32>} : memref<128x128xf32, #tpu.memory_space<vmem>>, vector<1x16xf32>,
      %get3A_1739 = vector.shape_cast %get3A_1738 : vector<1x16xf32> to vector<16xf32>
      %add3A_1740 = arith.addf %get3A_1735, %get3A_1739 : vector<16xf32>
      %get3A_1741 = arith.index_cast %scan3A_1633 : i32 to index
      %get3A_1742 = arith.constant 96 : index
      %get3A_1743 = tpu.vector_load %arg13[%get3A_1741, %get3A_1742] {strides = array<i32>} : memref<128x128xf32, #tpu.memory_space<vmem>>, vector<1x16xf32>,
      %get3A_1744 = vector.shape_cast %get3A_1743 : vector<1x16xf32> to vector<16xf32>
      %sub3A_1745 = arith.subf %add3A_1740, %get3A_1744 : vector<16xf32>
      %mul3A_1746 = arith.mulf %sub3A_1745, %sub3A_1745 : vector<16xf32>
      %add3A_1747 = arith.addf %add3A_1731, %mul3A_1746 : vector<16xf32>
      %get3A_1748 = arith.index_cast %scan3A_1633 : i32 to index
      %get3A_1749 = arith.constant 112 : index
      %get3A_1750 = tpu.vector_load %arg11[%get3A_1748, %get3A_1749] {strides = array<i32>} : memref<128x128xf32, #tpu.memory_space<vmem>>, vector<1x16xf32>,
      %get3A_1751 = vector.shape_cast %get3A_1750 : vector<1x16xf32> to vector<16xf32>
      %get3A_1752 = arith.index_cast %scan3A_1633 : i32 to index
      %get3A_1753 = arith.constant 112 : index
      %get3A_1754 = tpu.vector_load %arg12[%get3A_1752, %get3A_1753] {strides = array<i32>} : memref<128x128xf32, #tpu.memory_space<vmem>>, vector<1x16xf32>,
      %get3A_1755 = vector.shape_cast %get3A_1754 : vector<1x16xf32> to vector<16xf32>
      %add3A_1756 = arith.addf %get3A_1751, %get3A_1755 : vector<16xf32>
      %get3A_1757 = arith.index_cast %scan3A_1633 : i32 to index
      %get3A_1758 = arith.constant 112 : index
      %get3A_1759 = tpu.vector_load %arg13[%get3A_1757, %get3A_1758] {strides = array<i32>} : memref<128x128xf32, #tpu.memory_space<vmem>>, vector<1x16xf32>,
      %get3A_1760 = vector.shape_cast %get3A_1759 : vector<1x16xf32> to vector<16xf32>
      %sub3A_1761 = arith.subf %add3A_1756, %get3A_1760 : vector<16xf32>
      %mul3A_1762 = arith.mulf %sub3A_1761, %sub3A_1761 : vector<16xf32>
      %add3A_1763 = arith.addf %add3A_1747, %mul3A_1762 : vector<16xf32>
      %swap3A_1764 = arith.index_cast %scan3A_1633 : i32 to index
      %swap3A_1765 = arith.constant 0 : index
      %swap3A_1766 = tpu.vector_load %arg17[%swap3A_1764, %swap3A_1765] {strides = array<i32>} : memref<128x32xf32, #tpu.memory_space<vmem>>, vector<1x16xf32>,
      %swap3A_1767 = vector.shape_cast %swap3A_1766 : vector<1x16xf32> to vector<16xf32>
      %swap3A_1768 = vector.shape_cast %add3A_1763 : vector<16xf32> to vector<1x16xf32>
      tpu.vector_store %arg17[%swap3A_1764, %swap3A_1765], %swap3A_1768 {strides = array<i32>} : memref<128x32xf32, #tpu.memory_space<vmem>>, vector<1x16xf32>,
      %get3A_1769 = arith.index_cast %scan3A_1633 : i32 to index
      %get3A_1770 = arith.constant 8 : index
      %get3A_1771 = tpu.vector_load %arg17[%get3A_1769, %get3A_1770] {strides = array<i32>} : memref<128x32xf32, #tpu.memory_space<vmem>>, vector<1x16xf32>,
      %get3A_1772 = vector.shape_cast %get3A_1771 : vector<1x16xf32> to vector<16xf32>
      %add3A_1773 = arith.addf %add3A_1763, %get3A_1772 : vector<16xf32>
      %swap3A_1774 = arith.index_cast %scan3A_1633 : i32 to index
      %swap3A_1775 = arith.constant 0 : index
      %swap3A_1776 = tpu.vector_load %arg17[%swap3A_1774, %swap3A_1775] {strides = array<i32>} : memref<128x32xf32, #tpu.memory_space<vmem>>, vector<1x16xf32>,
      %swap3A_1777 = vector.shape_cast %swap3A_1776 : vector<1x16xf32> to vector<16xf32>
      %swap3A_1778 = vector.shape_cast %add3A_1773 : vector<16xf32> to vector<1x16xf32>
      tpu.vector_store %arg17[%swap3A_1774, %swap3A_1775], %swap3A_1778 {strides = array<i32>} : memref<128x32xf32, #tpu.memory_space<vmem>>, vector<1x16xf32>,
      %get3A_1779 = arith.index_cast %scan3A_1633 : i32 to index
      %get3A_1780 = arith.constant 4 : index
      %get3A_1781 = tpu.vector_load %arg17[%get3A_1779, %get3A_1780] {strides = array<i32>} : memref<128x32xf32, #tpu.memory_space<vmem>>, vector<1x16xf32>,
      %get3A_1782 = vector.shape_cast %get3A_1781 : vector<1x16xf32> to vector<16xf32>
      %add3A_1783 = arith.addf %add3A_1773, %get3A_1782 : vector<16xf32>
      %swap3A_1784 = arith.index_cast %scan3A_1633 : i32 to index
      %swap3A_1785 = arith.constant 0 : index
      %swap3A_1786 = tpu.vector_load %arg17[%swap3A_1784, %swap3A_1785] {strides = array<i32>} : memref<128x32xf32, #tpu.memory_space<vmem>>, vector<1x16xf32>,
      %swap3A_1787 = vector.shape_cast %swap3A_1786 : vector<1x16xf32> to vector<16xf32>
      %swap3A_1788 = vector.shape_cast %add3A_1783 : vector<16xf32> to vector<1x16xf32>
      tpu.vector_store %arg17[%swap3A_1784, %swap3A_1785], %swap3A_1788 {strides = array<i32>} : memref<128x32xf32, #tpu.memory_space<vmem>>, vector<1x16xf32>,
      %get3A_1789 = arith.index_cast %scan3A_1633 : i32 to index
      %get3A_1790 = arith.constant 2 : index
      %get3A_1791 = tpu.vector_load %arg17[%get3A_1789, %get3A_1790] {strides = array<i32>} : memref<128x32xf32, #tpu.memory_space<vmem>>, vector<1x16xf32>,
      %get3A_1792 = vector.shape_cast %get3A_1791 : vector<1x16xf32> to vector<16xf32>
      %add3A_1793 = arith.addf %add3A_1783, %get3A_1792 : vector<16xf32>
      %swap3A_1794 = arith.index_cast %scan3A_1633 : i32 to index
      %swap3A_1795 = arith.constant 0 : index
      %swap3A_1796 = tpu.vector_load %arg17[%swap3A_1794, %swap3A_1795] {strides = array<i32>} : memref<128x32xf32, #tpu.memory_space<vmem>>, vector<1x16xf32>,
      %swap3A_1797 = vector.shape_cast %swap3A_1796 : vector<1x16xf32> to vector<16xf32>
      %swap3A_1798 = vector.shape_cast %add3A_1793 : vector<16xf32> to vector<1x16xf32>
      tpu.vector_store %arg17[%swap3A_1794, %swap3A_1795], %swap3A_1798 {strides = array<i32>} : memref<128x32xf32, #tpu.memory_space<vmem>>, vector<1x16xf32>,
      %get3A_1799 = arith.index_cast %scan3A_1633 : i32 to index
      %get3A_1800 = arith.constant 1 : index
      %get3A_1801 = tpu.vector_load %arg17[%get3A_1799, %get3A_1800] {strides = array<i32>} : memref<128x32xf32, #tpu.memory_space<vmem>>, vector<1x16xf32>,
      %get3A_1802 = vector.shape_cast %get3A_1801 : vector<1x16xf32> to vector<16xf32>
      %add3A_1803 = arith.addf %add3A_1793, %get3A_1802 : vector<16xf32>
      %swap3A_1804 = arith.index_cast %scan3A_1633 : i32 to index
      %swap3A_1805 = arith.constant 0 : index
      %swap3A_1806 = tpu.vector_load %arg17[%swap3A_1804, %swap3A_1805] {strides = array<i32>} : memref<128x32xf32, #tpu.memory_space<vmem>>, vector<1x16xf32>,
      %swap3A_1807 = vector.shape_cast %swap3A_1806 : vector<1x16xf32> to vector<16xf32>
      %swap3A_1808 = vector.shape_cast %add3A_1803 : vector<16xf32> to vector<1x16xf32>
      tpu.vector_store %arg17[%swap3A_1804, %swap3A_1805], %swap3A_1808 {strides = array<i32>} : memref<128x32xf32, #tpu.memory_space<vmem>>, vector<1x16xf32>,
      %scan3A_1809 = arith.constant 0 : i32
      scf.yield %scan3A_1809 : i32
    }
    %scan3A_163 = arith.constant 128 : i32
    %dma_start3A_164 = arith.constant 0 : i32
    %dma_start3A_165 = arith.constant 0 : i32
    %dma_start3A_166 = tpu.memref_slice %arg17[%dma_start3A_165, %dma_start3A_164] : memref<128x32xf32, #tpu.memory_space<vmem>> -> memref<128x1xf32, #tpu.memory_space<vmem>>
    %dma_start3A_167 = tpu.memref_squeeze %dma_start3A_166 : memref<128x1xf32, #tpu.memory_space<vmem>> -> memref<128xf32, #tpu.memory_space<vmem>>
    %dma_start3A_168 = arith.constant 256 : i32
    %dma_start3A_169 = tpu.memref_slice %arg18[%arg1, %dma_start3A_168] : memref<16x512xf32, #tpu.memory_space<vmem_shared>> -> memref<1x128xf32, #tpu.memory_space<vmem_shared>>
    %dma_start3A_170 = tpu.memref_squeeze %dma_start3A_169 : memref<1x128xf32, #tpu.memory_space<vmem_shared>> -> memref<128xf32, #tpu.memory_space<vmem_shared>>
    %dma_start3A_171 = arith.constant 256 : i32
    %dma_start3A_172 = tpu.memref_slice %arg18[%arg1, %dma_start3A_171] : memref<16x512xf32, #tpu.memory_space<vmem_shared>> -> memref<1x128xf32, #tpu.memory_space<vmem_shared>>
    %dma_start3A_173 = tpu.memref_squeeze %dma_start3A_172 : memref<1x128xf32, #tpu.memory_space<vmem_shared>> -> memref<128xf32, #tpu.memory_space<vmem_shared>>
    %dma_start3A_174 = arith.constant 0 : i32
    %dma_start3A_175 = tpu.memref_slice %arg17[%dma_start3A_174, %dma_start3A_164] : memref<128x32xf32, #tpu.memory_space<vmem>> -> memref<128x1xf32, #tpu.memory_space<vmem>>
    %dma_start3A_176 = tpu.memref_squeeze %dma_start3A_175 : memref<128x1xf32, #tpu.memory_space<vmem>> -> memref<128xf32, #tpu.memory_space<vmem>>
    tpu.enqueue_dma source(%dma_start3A_176 : memref<128xf32, #tpu.memory_space<vmem>>) target(%dma_start3A_173 : memref<128xf32, #tpu.memory_space<vmem_shared>>) target_semaphore(%arg24 : memref<!tpu.dma_semaphore, #tpu.memory_space<semaphore_mem>>)
    %dma_wait3A_177 = arith.constant 384 : i32
    %dma_wait3A_178 = tpu.memref_slice %arg8[%dma_wait3A_177] : memref<512xi32, #tpu.memory_space<vmem>> -> memref<128xi32, #tpu.memory_space<vmem>>
    %dma_wait3A_179 = arith.constant 0 : i32
    %dma_wait3A_180 = arith.constant 0 : i32
    %dma_wait3A_181 = tpu.memref_slice %arg5[%dma_wait3A_179, %dma_wait3A_180] : memref<1000000x128xf32, #tpu.memory_space<hbm>> -> memref<1000000x128xf32, #tpu.memory_space<hbm>>
    tpu.wait_indirect_dma semaphore(%arg23 : memref<!tpu.dma_semaphore, #tpu.memory_space<semaphore_mem>>) src(%dma_wait3A_181 : memref<1000000x128xf32, #tpu.memory_space<hbm>>) dst(%arg14 : memref<128x128xf32, #tpu.memory_space<vmem>>)
    %dma_wait3A_182 = arith.constant 384 : i32
    %dma_wait3A_183 = tpu.memref_slice %arg9[%dma_wait3A_182] : memref<512xi32, #tpu.memory_space<vmem>> -> memref<128xi32, #tpu.memory_space<vmem>>
    %dma_wait3A_184 = arith.constant 0 : i32
    %dma_wait3A_185 = arith.constant 0 : i32
    %dma_wait3A_186 = tpu.memref_slice %arg6[%dma_wait3A_184, %dma_wait3A_185] : memref<100000x128xf32, #tpu.memory_space<hbm>> -> memref<100000x128xf32, #tpu.memory_space<hbm>>
    tpu.wait_indirect_dma semaphore(%arg23 : memref<!tpu.dma_semaphore, #tpu.memory_space<semaphore_mem>>) src(%dma_wait3A_186 : memref<100000x128xf32, #tpu.memory_space<hbm>>) dst(%arg15 : memref<128x128xf32, #tpu.memory_space<vmem>>)
    %dma_wait3A_187 = arith.constant 384 : i32
    %dma_wait3A_188 = tpu.memref_slice %arg10[%dma_wait3A_187] : memref<512xi32, #tpu.memory_space<vmem>> -> memref<128xi32, #tpu.memory_space<vmem>>
    %dma_wait3A_189 = arith.constant 0 : i32
    %dma_wait3A_190 = arith.constant 0 : i32
    %dma_wait3A_191 = tpu.memref_slice %arg5[%dma_wait3A_189, %dma_wait3A_190] : memref<1000000x128xf32, #tpu.memory_space<hbm>> -> memref<1000000x128xf32, #tpu.memory_space<hbm>>
    tpu.wait_indirect_dma semaphore(%arg23 : memref<!tpu.dma_semaphore, #tpu.memory_space<semaphore_mem>>) src(%dma_wait3A_191 : memref<1000000x128xf32, #tpu.memory_space<hbm>>) dst(%arg16 : memref<128x128xf32, #tpu.memory_space<vmem>>)
    %scan3A_192 = arith.constant 0 : i32
    %scan3A_193 = arith.constant 0 : i32
    %scan3A_194 = arith.constant 128 : i32
    %scan3A_195 = arith.addi %scan3A_193, %scan3A_194 : i32
    %scan3A_196 = arith.constant 1 : i32
    %scan3A_197 = scf.for %scan3A_1633 = %scan3A_193 to %scan3A_195 step %scan3A_196 iter_args(%scan3A_1634 = %scan3A_192) -> (i32)  : i32 {
      %broadcast_in_dim3A = arith.constant 0.000000e+00 : f32
      %broadcast_in_dim3A_1635 = vector.broadcast %broadcast_in_dim3A : f32 to vector<16xf32>
      %get3A_1636 = arith.index_cast %scan3A_1633 : i32 to index
      %get3A_1637 = arith.constant 0 : index
      %get3A_1638 = tpu.vector_load %arg14[%get3A_1636, %get3A_1637] {strides = array<i32>} : memref<128x128xf32, #tpu.memory_space<vmem>>, vector<1x16xf32>,
      %get3A_1639 = vector.shape_cast %get3A_1638 : vector<1x16xf32> to vector<16xf32>
      %get3A_1640 = arith.index_cast %scan3A_1633 : i32 to index
      %get3A_1641 = arith.constant 0 : index
      %get3A_1642 = tpu.vector_load %arg15[%get3A_1640, %get3A_1641] {strides = array<i32>} : memref<128x128xf32, #tpu.memory_space<vmem>>, vector<1x16xf32>,
      %get3A_1643 = vector.shape_cast %get3A_1642 : vector<1x16xf32> to vector<16xf32>
      %add3A_1644 = arith.addf %get3A_1639, %get3A_1643 : vector<16xf32>
      %get3A_1645 = arith.index_cast %scan3A_1633 : i32 to index
      %get3A_1646 = arith.constant 0 : index
      %get3A_1647 = tpu.vector_load %arg16[%get3A_1645, %get3A_1646] {strides = array<i32>} : memref<128x128xf32, #tpu.memory_space<vmem>>, vector<1x16xf32>,
      %get3A_1648 = vector.shape_cast %get3A_1647 : vector<1x16xf32> to vector<16xf32>
      %sub3A_1649 = arith.subf %add3A_1644, %get3A_1648 : vector<16xf32>
      %mul3A_1650 = arith.mulf %sub3A_1649, %sub3A_1649 : vector<16xf32>
      %add3A_1651 = arith.addf %broadcast_in_dim3A_1635, %mul3A_1650 : vector<16xf32>
      %get3A_1652 = arith.index_cast %scan3A_1633 : i32 to index
      %get3A_1653 = arith.constant 16 : index
      %get3A_1654 = tpu.vector_load %arg14[%get3A_1652, %get3A_1653] {strides = array<i32>} : memref<128x128xf32, #tpu.memory_space<vmem>>, vector<1x16xf32>,
      %get3A_1655 = vector.shape_cast %get3A_1654 : vector<1x16xf32> to vector<16xf32>
      %get3A_1656 = arith.index_cast %scan3A_1633 : i32 to index
      %get3A_1657 = arith.constant 16 : index
      %get3A_1658 = tpu.vector_load %arg15[%get3A_1656, %get3A_1657] {strides = array<i32>} : memref<128x128xf32, #tpu.memory_space<vmem>>, vector<1x16xf32>,
      %get3A_1659 = vector.shape_cast %get3A_1658 : vector<1x16xf32> to vector<16xf32>
      %add3A_1660 = arith.addf %get3A_1655, %get3A_1659 : vector<16xf32>
      %get3A_1661 = arith.index_cast %scan3A_1633 : i32 to index
      %get3A_1662 = arith.constant 16 : index
      %get3A_1663 = tpu.vector_load %arg16[%get3A_1661, %get3A_1662] {strides = array<i32>} : memref<128x128xf32, #tpu.memory_space<vmem>>, vector<1x16xf32>,
      %get3A_1664 = vector.shape_cast %get3A_1663 : vector<1x16xf32> to vector<16xf32>
      %sub3A_1665 = arith.subf %add3A_1660, %get3A_1664 : vector<16xf32>
      %mul3A_1666 = arith.mulf %sub3A_1665, %sub3A_1665 : vector<16xf32>
      %add3A_1667 = arith.addf %add3A_1651, %mul3A_1666 : vector<16xf32>
      %get3A_1668 = arith.index_cast %scan3A_1633 : i32 to index
      %get3A_1669 = arith.constant 32 : index
      %get3A_1670 = tpu.vector_load %arg14[%get3A_1668, %get3A_1669] {strides = array<i32>} : memref<128x128xf32, #tpu.memory_space<vmem>>, vector<1x16xf32>,
      %get3A_1671 = vector.shape_cast %get3A_1670 : vector<1x16xf32> to vector<16xf32>
      %get3A_1672 = arith.index_cast %scan3A_1633 : i32 to index
      %get3A_1673 = arith.constant 32 : index
      %get3A_1674 = tpu.vector_load %arg15[%get3A_1672, %get3A_1673] {strides = array<i32>} : memref<128x128xf32, #tpu.memory_space<vmem>>, vector<1x16xf32>,
      %get3A_1675 = vector.shape_cast %get3A_1674 : vector<1x16xf32> to vector<16xf32>
      %add3A_1676 = arith.addf %get3A_1671, %get3A_1675 : vector<16xf32>
      %get3A_1677 = arith.index_cast %scan3A_1633 : i32 to index
      %get3A_1678 = arith.constant 32 : index
      %get3A_1679 = tpu.vector_load %arg16[%get3A_1677, %get3A_1678] {strides = array<i32>} : memref<128x128xf32, #tpu.memory_space<vmem>>, vector<1x16xf32>,
      %get3A_1680 = vector.shape_cast %get3A_1679 : vector<1x16xf32> to vector<16xf32>
      %sub3A_1681 = arith.subf %add3A_1676, %get3A_1680 : vector<16xf32>
      %mul3A_1682 = arith.mulf %sub3A_1681, %sub3A_1681 : vector<16xf32>
      %add3A_1683 = arith.addf %add3A_1667, %mul3A_1682 : vector<16xf32>
      %get3A_1684 = arith.index_cast %scan3A_1633 : i32 to index
      %get3A_1685 = arith.constant 48 : index
      %get3A_1686 = tpu.vector_load %arg14[%get3A_1684, %get3A_1685] {strides = array<i32>} : memref<128x128xf32, #tpu.memory_space<vmem>>, vector<1x16xf32>,
      %get3A_1687 = vector.shape_cast %get3A_1686 : vector<1x16xf32> to vector<16xf32>
      %get3A_1688 = arith.index_cast %scan3A_1633 : i32 to index
      %get3A_1689 = arith.constant 48 : index
      %get3A_1690 = tpu.vector_load %arg15[%get3A_1688, %get3A_1689] {strides = array<i32>} : memref<128x128xf32, #tpu.memory_space<vmem>>, vector<1x16xf32>,
      %get3A_1691 = vector.shape_cast %get3A_1690 : vector<1x16xf32> to vector<16xf32>
      %add3A_1692 = arith.addf %get3A_1687, %get3A_1691 : vector<16xf32>
      %get3A_1693 = arith.index_cast %scan3A_1633 : i32 to index
      %get3A_1694 = arith.constant 48 : index
      %get3A_1695 = tpu.vector_load %arg16[%get3A_1693, %get3A_1694] {strides = array<i32>} : memref<128x128xf32, #tpu.memory_space<vmem>>, vector<1x16xf32>,
      %get3A_1696 = vector.shape_cast %get3A_1695 : vector<1x16xf32> to vector<16xf32>
      %sub3A_1697 = arith.subf %add3A_1692, %get3A_1696 : vector<16xf32>
      %mul3A_1698 = arith.mulf %sub3A_1697, %sub3A_1697 : vector<16xf32>
      %add3A_1699 = arith.addf %add3A_1683, %mul3A_1698 : vector<16xf32>
      %get3A_1700 = arith.index_cast %scan3A_1633 : i32 to index
      %get3A_1701 = arith.constant 64 : index
      %get3A_1702 = tpu.vector_load %arg14[%get3A_1700, %get3A_1701] {strides = array<i32>} : memref<128x128xf32, #tpu.memory_space<vmem>>, vector<1x16xf32>,
      %get3A_1703 = vector.shape_cast %get3A_1702 : vector<1x16xf32> to vector<16xf32>
      %get3A_1704 = arith.index_cast %scan3A_1633 : i32 to index
      %get3A_1705 = arith.constant 64 : index
      %get3A_1706 = tpu.vector_load %arg15[%get3A_1704, %get3A_1705] {strides = array<i32>} : memref<128x128xf32, #tpu.memory_space<vmem>>, vector<1x16xf32>,
      %get3A_1707 = vector.shape_cast %get3A_1706 : vector<1x16xf32> to vector<16xf32>
      %add3A_1708 = arith.addf %get3A_1703, %get3A_1707 : vector<16xf32>
      %get3A_1709 = arith.index_cast %scan3A_1633 : i32 to index
      %get3A_1710 = arith.constant 64 : index
      %get3A_1711 = tpu.vector_load %arg16[%get3A_1709, %get3A_1710] {strides = array<i32>} : memref<128x128xf32, #tpu.memory_space<vmem>>, vector<1x16xf32>,
      %get3A_1712 = vector.shape_cast %get3A_1711 : vector<1x16xf32> to vector<16xf32>
      %sub3A_1713 = arith.subf %add3A_1708, %get3A_1712 : vector<16xf32>
      %mul3A_1714 = arith.mulf %sub3A_1713, %sub3A_1713 : vector<16xf32>
      %add3A_1715 = arith.addf %add3A_1699, %mul3A_1714 : vector<16xf32>
      %get3A_1716 = arith.index_cast %scan3A_1633 : i32 to index
      %get3A_1717 = arith.constant 80 : index
      %get3A_1718 = tpu.vector_load %arg14[%get3A_1716, %get3A_1717] {strides = array<i32>} : memref<128x128xf32, #tpu.memory_space<vmem>>, vector<1x16xf32>,
      %get3A_1719 = vector.shape_cast %get3A_1718 : vector<1x16xf32> to vector<16xf32>
      %get3A_1720 = arith.index_cast %scan3A_1633 : i32 to index
      %get3A_1721 = arith.constant 80 : index
      %get3A_1722 = tpu.vector_load %arg15[%get3A_1720, %get3A_1721] {strides = array<i32>} : memref<128x128xf32, #tpu.memory_space<vmem>>, vector<1x16xf32>,
      %get3A_1723 = vector.shape_cast %get3A_1722 : vector<1x16xf32> to vector<16xf32>
      %add3A_1724 = arith.addf %get3A_1719, %get3A_1723 : vector<16xf32>
      %get3A_1725 = arith.index_cast %scan3A_1633 : i32 to index
      %get3A_1726 = arith.constant 80 : index
      %get3A_1727 = tpu.vector_load %arg16[%get3A_1725, %get3A_1726] {strides = array<i32>} : memref<128x128xf32, #tpu.memory_space<vmem>>, vector<1x16xf32>,
      %get3A_1728 = vector.shape_cast %get3A_1727 : vector<1x16xf32> to vector<16xf32>
      %sub3A_1729 = arith.subf %add3A_1724, %get3A_1728 : vector<16xf32>
      %mul3A_1730 = arith.mulf %sub3A_1729, %sub3A_1729 : vector<16xf32>
      %add3A_1731 = arith.addf %add3A_1715, %mul3A_1730 : vector<16xf32>
      %get3A_1732 = arith.index_cast %scan3A_1633 : i32 to index
      %get3A_1733 = arith.constant 96 : index
      %get3A_1734 = tpu.vector_load %arg14[%get3A_1732, %get3A_1733] {strides = array<i32>} : memref<128x128xf32, #tpu.memory_space<vmem>>, vector<1x16xf32>,
      %get3A_1735 = vector.shape_cast %get3A_1734 : vector<1x16xf32> to vector<16xf32>
      %get3A_1736 = arith.index_cast %scan3A_1633 : i32 to index
      %get3A_1737 = arith.constant 96 : index
      %get3A_1738 = tpu.vector_load %arg15[%get3A_1736, %get3A_1737] {strides = array<i32>} : memref<128x128xf32, #tpu.memory_space<vmem>>, vector<1x16xf32>,
      %get3A_1739 = vector.shape_cast %get3A_1738 : vector<1x16xf32> to vector<16xf32>
      %add3A_1740 = arith.addf %get3A_1735, %get3A_1739 : vector<16xf32>
      %get3A_1741 = arith.index_cast %scan3A_1633 : i32 to index
      %get3A_1742 = arith.constant 96 : index
      %get3A_1743 = tpu.vector_load %arg16[%get3A_1741, %get3A_1742] {strides = array<i32>} : memref<128x128xf32, #tpu.memory_space<vmem>>, vector<1x16xf32>,
      %get3A_1744 = vector.shape_cast %get3A_1743 : vector<1x16xf32> to vector<16xf32>
      %sub3A_1745 = arith.subf %add3A_1740, %get3A_1744 : vector<16xf32>
      %mul3A_1746 = arith.mulf %sub3A_1745, %sub3A_1745 : vector<16xf32>
      %add3A_1747 = arith.addf %add3A_1731, %mul3A_1746 : vector<16xf32>
      %get3A_1748 = arith.index_cast %scan3A_1633 : i32 to index
      %get3A_1749 = arith.constant 112 : index
      %get3A_1750 = tpu.vector_load %arg14[%get3A_1748, %get3A_1749] {strides = array<i32>} : memref<128x128xf32, #tpu.memory_space<vmem>>, vector<1x16xf32>,
      %get3A_1751 = vector.shape_cast %get3A_1750 : vector<1x16xf32> to vector<16xf32>
      %get3A_1752 = arith.index_cast %scan3A_1633 : i32 to index
      %get3A_1753 = arith.constant 112 : index
      %get3A_1754 = tpu.vector_load %arg15[%get3A_1752, %get3A_1753] {strides = array<i32>} : memref<128x128xf32, #tpu.memory_space<vmem>>, vector<1x16xf32>,
      %get3A_1755 = vector.shape_cast %get3A_1754 : vector<1x16xf32> to vector<16xf32>
      %add3A_1756 = arith.addf %get3A_1751, %get3A_1755 : vector<16xf32>
      %get3A_1757 = arith.index_cast %scan3A_1633 : i32 to index
      %get3A_1758 = arith.constant 112 : index
      %get3A_1759 = tpu.vector_load %arg16[%get3A_1757, %get3A_1758] {strides = array<i32>} : memref<128x128xf32, #tpu.memory_space<vmem>>, vector<1x16xf32>,
      %get3A_1760 = vector.shape_cast %get3A_1759 : vector<1x16xf32> to vector<16xf32>
      %sub3A_1761 = arith.subf %add3A_1756, %get3A_1760 : vector<16xf32>
      %mul3A_1762 = arith.mulf %sub3A_1761, %sub3A_1761 : vector<16xf32>
      %add3A_1763 = arith.addf %add3A_1747, %mul3A_1762 : vector<16xf32>
      %swap3A_1764 = arith.index_cast %scan3A_1633 : i32 to index
      %swap3A_1765 = arith.constant 0 : index
      %swap3A_1766 = tpu.vector_load %arg17[%swap3A_1764, %swap3A_1765] {strides = array<i32>} : memref<128x32xf32, #tpu.memory_space<vmem>>, vector<1x16xf32>,
      %swap3A_1767 = vector.shape_cast %swap3A_1766 : vector<1x16xf32> to vector<16xf32>
      %swap3A_1768 = vector.shape_cast %add3A_1763 : vector<16xf32> to vector<1x16xf32>
      tpu.vector_store %arg17[%swap3A_1764, %swap3A_1765], %swap3A_1768 {strides = array<i32>} : memref<128x32xf32, #tpu.memory_space<vmem>>, vector<1x16xf32>,
      %get3A_1769 = arith.index_cast %scan3A_1633 : i32 to index
      %get3A_1770 = arith.constant 8 : index
      %get3A_1771 = tpu.vector_load %arg17[%get3A_1769, %get3A_1770] {strides = array<i32>} : memref<128x32xf32, #tpu.memory_space<vmem>>, vector<1x16xf32>,
      %get3A_1772 = vector.shape_cast %get3A_1771 : vector<1x16xf32> to vector<16xf32>
      %add3A_1773 = arith.addf %add3A_1763, %get3A_1772 : vector<16xf32>
      %swap3A_1774 = arith.index_cast %scan3A_1633 : i32 to index
      %swap3A_1775 = arith.constant 0 : index
      %swap3A_1776 = tpu.vector_load %arg17[%swap3A_1774, %swap3A_1775] {strides = array<i32>} : memref<128x32xf32, #tpu.memory_space<vmem>>, vector<1x16xf32>,
      %swap3A_1777 = vector.shape_cast %swap3A_1776 : vector<1x16xf32> to vector<16xf32>
      %swap3A_1778 = vector.shape_cast %add3A_1773 : vector<16xf32> to vector<1x16xf32>
      tpu.vector_store %arg17[%swap3A_1774, %swap3A_1775], %swap3A_1778 {strides = array<i32>} : memref<128x32xf32, #tpu.memory_space<vmem>>, vector<1x16xf32>,
      %get3A_1779 = arith.index_cast %scan3A_1633 : i32 to index
      %get3A_1780 = arith.constant 4 : index
      %get3A_1781 = tpu.vector_load %arg17[%get3A_1779, %get3A_1780] {strides = array<i32>} : memref<128x32xf32, #tpu.memory_space<vmem>>, vector<1x16xf32>,
      %get3A_1782 = vector.shape_cast %get3A_1781 : vector<1x16xf32> to vector<16xf32>
      %add3A_1783 = arith.addf %add3A_1773, %get3A_1782 : vector<16xf32>
      %swap3A_1784 = arith.index_cast %scan3A_1633 : i32 to index
      %swap3A_1785 = arith.constant 0 : index
      %swap3A_1786 = tpu.vector_load %arg17[%swap3A_1784, %swap3A_1785] {strides = array<i32>} : memref<128x32xf32, #tpu.memory_space<vmem>>, vector<1x16xf32>,
      %swap3A_1787 = vector.shape_cast %swap3A_1786 : vector<1x16xf32> to vector<16xf32>
      %swap3A_1788 = vector.shape_cast %add3A_1783 : vector<16xf32> to vector<1x16xf32>
      tpu.vector_store %arg17[%swap3A_1784, %swap3A_1785], %swap3A_1788 {strides = array<i32>} : memref<128x32xf32, #tpu.memory_space<vmem>>, vector<1x16xf32>,
      %get3A_1789 = arith.index_cast %scan3A_1633 : i32 to index
      %get3A_1790 = arith.constant 2 : index
      %get3A_1791 = tpu.vector_load %arg17[%get3A_1789, %get3A_1790] {strides = array<i32>} : memref<128x32xf32, #tpu.memory_space<vmem>>, vector<1x16xf32>,
      %get3A_1792 = vector.shape_cast %get3A_1791 : vector<1x16xf32> to vector<16xf32>
      %add3A_1793 = arith.addf %add3A_1783, %get3A_1792 : vector<16xf32>
      %swap3A_1794 = arith.index_cast %scan3A_1633 : i32 to index
      %swap3A_1795 = arith.constant 0 : index
      %swap3A_1796 = tpu.vector_load %arg17[%swap3A_1794, %swap3A_1795] {strides = array<i32>} : memref<128x32xf32, #tpu.memory_space<vmem>>, vector<1x16xf32>,
      %swap3A_1797 = vector.shape_cast %swap3A_1796 : vector<1x16xf32> to vector<16xf32>
      %swap3A_1798 = vector.shape_cast %add3A_1793 : vector<16xf32> to vector<1x16xf32>
      tpu.vector_store %arg17[%swap3A_1794, %swap3A_1795], %swap3A_1798 {strides = array<i32>} : memref<128x32xf32, #tpu.memory_space<vmem>>, vector<1x16xf32>,
      %get3A_1799 = arith.index_cast %scan3A_1633 : i32 to index
      %get3A_1800 = arith.constant 1 : index
      %get3A_1801 = tpu.vector_load %arg17[%get3A_1799, %get3A_1800] {strides = array<i32>} : memref<128x32xf32, #tpu.memory_space<vmem>>, vector<1x16xf32>,
      %get3A_1802 = vector.shape_cast %get3A_1801 : vector<1x16xf32> to vector<16xf32>
      %add3A_1803 = arith.addf %add3A_1793, %get3A_1802 : vector<16xf32>
      %swap3A_1804 = arith.index_cast %scan3A_1633 : i32 to index
      %swap3A_1805 = arith.constant 0 : index
      %swap3A_1806 = tpu.vector_load %arg17[%swap3A_1804, %swap3A_1805] {strides = array<i32>} : memref<128x32xf32, #tpu.memory_space<vmem>>, vector<1x16xf32>,
      %swap3A_1807 = vector.shape_cast %swap3A_1806 : vector<1x16xf32> to vector<16xf32>
      %swap3A_1808 = vector.shape_cast %add3A_1803 : vector<16xf32> to vector<1x16xf32>
      tpu.vector_store %arg17[%swap3A_1804, %swap3A_1805], %swap3A_1808 {strides = array<i32>} : memref<128x32xf32, #tpu.memory_space<vmem>>, vector<1x16xf32>,
      %scan3A_1809 = arith.constant 0 : i32
      scf.yield %scan3A_1809 : i32
    }
    %scan3A_198 = arith.constant 128 : i32
    %dma_start3A_199 = arith.constant 0 : i32
    %dma_start3A_200 = arith.constant 0 : i32
    %dma_start3A_201 = tpu.memref_slice %arg17[%dma_start3A_200, %dma_start3A_199] : memref<128x32xf32, #tpu.memory_space<vmem>> -> memref<128x1xf32, #tpu.memory_space<vmem>>
    %dma_start3A_202 = tpu.memref_squeeze %dma_start3A_201 : memref<128x1xf32, #tpu.memory_space<vmem>> -> memref<128xf32, #tpu.memory_space<vmem>>
    %dma_start3A_203 = arith.constant 384 : i32
    %dma_start3A_204 = tpu.memref_slice %arg18[%arg1, %dma_start3A_203] : memref<16x512xf32, #tpu.memory_space<vmem_shared>> -> memref<1x128xf32, #tpu.memory_space<vmem_shared>>
    %dma_start3A_205 = tpu.memref_squeeze %dma_start3A_204 : memref<1x128xf32, #tpu.memory_space<vmem_shared>> -> memref<128xf32, #tpu.memory_space<vmem_shared>>
    %dma_start3A_206 = arith.constant 384 : i32
    %dma_start3A_207 = tpu.memref_slice %arg18[%arg1, %dma_start3A_206] : memref<16x512xf32, #tpu.memory_space<vmem_shared>> -> memref<1x128xf32, #tpu.memory_space<vmem_shared>>
    %dma_start3A_208 = tpu.memref_squeeze %dma_start3A_207 : memref<1x128xf32, #tpu.memory_space<vmem_shared>> -> memref<128xf32, #tpu.memory_space<vmem_shared>>
    %dma_start3A_209 = arith.constant 0 : i32
    %dma_start3A_210 = tpu.memref_slice %arg17[%dma_start3A_209, %dma_start3A_199] : memref<128x32xf32, #tpu.memory_space<vmem>> -> memref<128x1xf32, #tpu.memory_space<vmem>>
    %dma_start3A_211 = tpu.memref_squeeze %dma_start3A_210 : memref<128x1xf32, #tpu.memory_space<vmem>> -> memref<128xf32, #tpu.memory_space<vmem>>
    tpu.enqueue_dma source(%dma_start3A_211 : memref<128xf32, #tpu.memory_space<vmem>>) target(%dma_start3A_208 : memref<128xf32, #tpu.memory_space<vmem_shared>>) target_semaphore(%arg24 : memref<!tpu.dma_semaphore, #tpu.memory_space<semaphore_mem>>)
    %dma_wait3A_212 = arith.constant 0 : i32
    %dma_wait3A_213 = arith.constant 0 : i32
    %dma_wait3A_214 = tpu.memref_slice %arg17[%dma_wait3A_213, %dma_wait3A_212] : memref<128x32xf32, #tpu.memory_space<vmem>> -> memref<128x1xf32, #tpu.memory_space<vmem>>
    %dma_wait3A_215 = tpu.memref_squeeze %dma_wait3A_214 : memref<128x1xf32, #tpu.memory_space<vmem>> -> memref<128xf32, #tpu.memory_space<vmem>>
    %dma_wait3A_216 = arith.constant 0 : i32
    %dma_wait3A_217 = tpu.memref_slice %arg18[%arg1, %dma_wait3A_216] : memref<16x512xf32, #tpu.memory_space<vmem_shared>> -> memref<1x128xf32, #tpu.memory_space<vmem_shared>>
    %dma_wait3A_218 = tpu.memref_squeeze %dma_wait3A_217 : memref<1x128xf32, #tpu.memory_space<vmem_shared>> -> memref<128xf32, #tpu.memory_space<vmem_shared>>
    %dma_wait3A_219 = arith.constant 0 : i32
    %dma_wait3A_220 = tpu.memref_slice %arg18[%arg1, %dma_wait3A_219] : memref<16x512xf32, #tpu.memory_space<vmem_shared>> -> memref<1x128xf32, #tpu.memory_space<vmem_shared>>
    %dma_wait3A_221 = tpu.memref_squeeze %dma_wait3A_220 : memref<1x128xf32, #tpu.memory_space<vmem_shared>> -> memref<128xf32, #tpu.memory_space<vmem_shared>>
    %dma_wait3A_222 = arith.constant 0 : i32
    %dma_wait3A_223 = tpu.memref_slice %arg17[%dma_wait3A_222, %dma_wait3A_212] : memref<128x32xf32, #tpu.memory_space<vmem>> -> memref<128x1xf32, #tpu.memory_space<vmem>>
    %dma_wait3A_224 = tpu.memref_squeeze %dma_wait3A_223 : memref<128x1xf32, #tpu.memory_space<vmem>> -> memref<128xf32, #tpu.memory_space<vmem>>
    tpu.wait_dma2 semaphore(%arg24 : memref<!tpu.dma_semaphore, #tpu.memory_space<semaphore_mem>>) src(%dma_wait3A_224 : memref<128xf32, #tpu.memory_space<vmem>>) dst(%dma_wait3A_221 : memref<128xf32, #tpu.memory_space<vmem_shared>>)
    %dma_wait3A_225 = arith.constant 0 : i32
    %dma_wait3A_226 = arith.constant 0 : i32
    %dma_wait3A_227 = tpu.memref_slice %arg17[%dma_wait3A_226, %dma_wait3A_225] : memref<128x32xf32, #tpu.memory_space<vmem>> -> memref<128x1xf32, #tpu.memory_space<vmem>>
    %dma_wait3A_228 = tpu.memref_squeeze %dma_wait3A_227 : memref<128x1xf32, #tpu.memory_space<vmem>> -> memref<128xf32, #tpu.memory_space<vmem>>
    %dma_wait3A_229 = arith.constant 128 : i32
    %dma_wait3A_230 = tpu.memref_slice %arg18[%arg1, %dma_wait3A_229] : memref<16x512xf32, #tpu.memory_space<vmem_shared>> -> memref<1x128xf32, #tpu.memory_space<vmem_shared>>
    %dma_wait3A_231 = tpu.memref_squeeze %dma_wait3A_230 : memref<1x128xf32, #tpu.memory_space<vmem_shared>> -> memref<128xf32, #tpu.memory_space<vmem_shared>>
    %dma_wait3A_232 = arith.constant 128 : i32
    %dma_wait3A_233 = tpu.memref_slice %arg18[%arg1, %dma_wait3A_232] : memref<16x512xf32, #tpu.memory_space<vmem_shared>> -> memref<1x128xf32, #tpu.memory_space<vmem_shared>>
    %dma_wait3A_234 = tpu.memref_squeeze %dma_wait3A_233 : memref<1x128xf32, #tpu.memory_space<vmem_shared>> -> memref<128xf32, #tpu.memory_space<vmem_shared>>
    %dma_wait3A_235 = arith.constant 0 : i32
    %dma_wait3A_236 = tpu.memref_slice %arg17[%dma_wait3A_235, %dma_wait3A_225] : memref<128x32xf32, #tpu.memory_space<vmem>> -> memref<128x1xf32, #tpu.memory_space<vmem>>
    %dma_wait3A_237 = tpu.memref_squeeze %dma_wait3A_236 : memref<128x1xf32, #tpu.memory_space<vmem>> -> memref<128xf32, #tpu.memory_space<vmem>>
    tpu.wait_dma2 semaphore(%arg24 : memref<!tpu.dma_semaphore, #tpu.memory_space<semaphore_mem>>) src(%dma_wait3A_237 : memref<128xf32, #tpu.memory_space<vmem>>) dst(%dma_wait3A_234 : memref<128xf32, #tpu.memory_space<vmem_shared>>)
    %dma_wait3A_238 = arith.constant 0 : i32
    %dma_wait3A_239 = arith.constant 0 : i32
    %dma_wait3A_240 = tpu.memref_slice %arg17[%dma_wait3A_239, %dma_wait3A_238] : memref<128x32xf32, #tpu.memory_space<vmem>> -> memref<128x1xf32, #tpu.memory_space<vmem>>
    %dma_wait3A_241 = tpu.memref_squeeze %dma_wait3A_240 : memref<128x1xf32, #tpu.memory_space<vmem>> -> memref<128xf32, #tpu.memory_space<vmem>>
    %dma_wait3A_242 = arith.constant 256 : i32
    %dma_wait3A_243 = tpu.memref_slice %arg18[%arg1, %dma_wait3A_242] : memref<16x512xf32, #tpu.memory_space<vmem_shared>> -> memref<1x128xf32, #tpu.memory_space<vmem_shared>>
    %dma_wait3A_244 = tpu.memref_squeeze %dma_wait3A_243 : memref<1x128xf32, #tpu.memory_space<vmem_shared>> -> memref<128xf32, #tpu.memory_space<vmem_shared>>
    %dma_wait3A_245 = arith.constant 256 : i32
    %dma_wait3A_246 = tpu.memref_slice %arg18[%arg1, %dma_wait3A_245] : memref<16x512xf32, #tpu.memory_space<vmem_shared>> -> memref<1x128xf32, #tpu.memory_space<vmem_shared>>
    %dma_wait3A_247 = tpu.memref_squeeze %dma_wait3A_246 : memref<1x128xf32, #tpu.memory_space<vmem_shared>> -> memref<128xf32, #tpu.memory_space<vmem_shared>>
    %dma_wait3A_248 = arith.constant 0 : i32
    %dma_wait3A_249 = tpu.memref_slice %arg17[%dma_wait3A_248, %dma_wait3A_238] : memref<128x32xf32, #tpu.memory_space<vmem>> -> memref<128x1xf32, #tpu.memory_space<vmem>>
    %dma_wait3A_250 = tpu.memref_squeeze %dma_wait3A_249 : memref<128x1xf32, #tpu.memory_space<vmem>> -> memref<128xf32, #tpu.memory_space<vmem>>
    tpu.wait_dma2 semaphore(%arg24 : memref<!tpu.dma_semaphore, #tpu.memory_space<semaphore_mem>>) src(%dma_wait3A_250 : memref<128xf32, #tpu.memory_space<vmem>>) dst(%dma_wait3A_247 : memref<128xf32, #tpu.memory_space<vmem_shared>>)
    %dma_wait3A_251 = arith.constant 0 : i32
    %dma_wait3A_252 = arith.constant 0 : i32
    %dma_wait3A_253 = tpu.memref_slice %arg17[%dma_wait3A_252, %dma_wait3A_251] : memref<128x32xf32, #tpu.memory_space<vmem>> -> memref<128x1xf32, #tpu.memory_space<vmem>>
    %dma_wait3A_254 = tpu.memref_squeeze %dma_wait3A_253 : memref<128x1xf32, #tpu.memory_space<vmem>> -> memref<128xf32, #tpu.memory_space<vmem>>
    %dma_wait3A_255 = arith.constant 384 : i32
    %dma_wait3A_256 = tpu.memref_slice %arg18[%arg1, %dma_wait3A_255] : memref<16x512xf32, #tpu.memory_space<vmem_shared>> -> memref<1x128xf32, #tpu.memory_space<vmem_shared>>
    %dma_wait3A_257 = tpu.memref_squeeze %dma_wait3A_256 : memref<1x128xf32, #tpu.memory_space<vmem_shared>> -> memref<128xf32, #tpu.memory_space<vmem_shared>>
    %dma_wait3A_258 = arith.constant 384 : i32
    %dma_wait3A_259 = tpu.memref_slice %arg18[%arg1, %dma_wait3A_258] : memref<16x512xf32, #tpu.memory_space<vmem_shared>> -> memref<1x128xf32, #tpu.memory_space<vmem_shared>>
    %dma_wait3A_260 = tpu.memref_squeeze %dma_wait3A_259 : memref<1x128xf32, #tpu.memory_space<vmem_shared>> -> memref<128xf32, #tpu.memory_space<vmem_shared>>
    %dma_wait3A_261 = arith.constant 0 : i32
    %dma_wait3A_262 = tpu.memref_slice %arg17[%dma_wait3A_261, %dma_wait3A_251] : memref<128x32xf32, #tpu.memory_space<vmem>> -> memref<128x1xf32, #tpu.memory_space<vmem>>
    %dma_wait3A_263 = tpu.memref_squeeze %dma_wait3A_262 : memref<128x1xf32, #tpu.memory_space<vmem>> -> memref<128xf32, #tpu.memory_space<vmem>>
    tpu.wait_dma2 semaphore(%arg24 : memref<!tpu.dma_semaphore, #tpu.memory_space<semaphore_mem>>) src(%dma_wait3A_263 : memref<128xf32, #tpu.memory_space<vmem>>) dst(%dma_wait3A_260 : memref<128xf32, #tpu.memory_space<vmem_shared>>)
    "tpu.region"() ({
      %run_scoped3A = tpu.sem_alloc : memref<!tpu.dma_semaphore, #tpu.memory_space<semaphore_mem>>
      %dma_start3A_1633 = arith.constant 0 : i32
      %dma_start3A_1634 = tpu.memref_slice %arg18[%arg1, %dma_start3A_1633] : memref<16x512xf32, #tpu.memory_space<vmem_shared>> -> memref<1x512xf32, #tpu.memory_space<vmem_shared>>
      %dma_start3A_1635 = tpu.memref_squeeze %dma_start3A_1634 : memref<1x512xf32, #tpu.memory_space<vmem_shared>> -> memref<512xf32, #tpu.memory_space<vmem_shared>>
      %dma_start3A_1636 = arith.constant 0 : i32
      %dma_start3A_1637 = tpu.memref_slice %arg18[%arg1, %dma_start3A_1636] : memref<16x512xf32, #tpu.memory_space<vmem_shared>> -> memref<1x512xf32, #tpu.memory_space<vmem_shared>>
      %dma_start3A_1638 = tpu.memref_squeeze %dma_start3A_1637 : memref<1x512xf32, #tpu.memory_space<vmem_shared>> -> memref<512xf32, #tpu.memory_space<vmem_shared>>
      tpu.enqueue_dma source(%dma_start3A_1638 : memref<512xf32, #tpu.memory_space<vmem_shared>>) target(%arg19 : memref<512xf32, #tpu.memory_space<vmem>>) target_semaphore(%run_scoped3A : memref<!tpu.dma_semaphore, #tpu.memory_space<semaphore_mem>>)
      %dma_wait3A_1639 = arith.constant 0 : i32
      %dma_wait3A_1640 = tpu.memref_slice %arg18[%arg1, %dma_wait3A_1639] : memref<16x512xf32, #tpu.memory_space<vmem_shared>> -> memref<1x512xf32, #tpu.memory_space<vmem_shared>>
      %dma_wait3A_1641 = tpu.memref_squeeze %dma_wait3A_1640 : memref<1x512xf32, #tpu.memory_space<vmem_shared>> -> memref<512xf32, #tpu.memory_space<vmem_shared>>
      %dma_wait3A_1642 = arith.constant 0 : i32
      %dma_wait3A_1643 = tpu.memref_slice %arg18[%arg1, %dma_wait3A_1642] : memref<16x512xf32, #tpu.memory_space<vmem_shared>> -> memref<1x512xf32, #tpu.memory_space<vmem_shared>>
      %dma_wait3A_1644 = tpu.memref_squeeze %dma_wait3A_1643 : memref<1x512xf32, #tpu.memory_space<vmem_shared>> -> memref<512xf32, #tpu.memory_space<vmem_shared>>
      tpu.wait_dma2 semaphore(%run_scoped3A : memref<!tpu.dma_semaphore, #tpu.memory_space<semaphore_mem>>) src(%dma_wait3A_1644 : memref<512xf32, #tpu.memory_space<vmem_shared>>) dst(%arg19 : memref<512xf32, #tpu.memory_space<vmem>>)
      tpu.yield
    }) : () -> ()
    %get3A = arith.constant 0 : index
    %get3A_264 = tpu.vector_load %arg19[%get3A] {strides = array<i32>} : memref<512xf32, #tpu.memory_space<vmem>>, vector<16xf32>,
    %get3A_265 = vector.shape_cast %get3A_264 : vector<16xf32> to vector<16xf32>
    %max3A = arith.constant 1.000000e-30 : f32
    %max3A_266 = vector.broadcast %max3A : f32 to vector<16xf32>
    %max3A_267 = arith.maximumf %get3A_265, %max3A_266 : vector<16xf32>
    %bitcast_convert_type3A = tpu.bitcast %max3A_267 : vector<16xf32> -> vector<16xi32>
    %shift_right_arithmetic3A = arith.constant 1 : i32
    %shift_right_arithmetic3A_268 = vector.broadcast %shift_right_arithmetic3A : i32 to vector<16xi32>
    %shift_right_arithmetic3A_269 = arith.shrsi %bitcast_convert_type3A, %shift_right_arithmetic3A_268 : vector<16xi32>
    %sub3A = arith.constant 1597463007 : i32
    %sub3A_270 = vector.broadcast %sub3A : i32 to vector<16xi32>
    %sub3A_271 = arith.subi %sub3A_270, %shift_right_arithmetic3A_269 : vector<16xi32>
    %bitcast_convert_type3A_272 = tpu.bitcast %sub3A_271 : vector<16xi32> -> vector<16xf32>
    %mul3A_273 = arith.constant 5.000000e-01 : f32
    %mul3A_274 = vector.broadcast %mul3A_273 : f32 to vector<16xf32>
    %mul3A_275 = arith.mulf %mul3A_274, %max3A_267 : vector<16xf32>
    %mul3A_276 = arith.mulf %mul3A_275, %bitcast_convert_type3A_272 : vector<16xf32>
    %mul3A_277 = arith.mulf %mul3A_276, %bitcast_convert_type3A_272 : vector<16xf32>
    %sub3A_278 = arith.constant 1.500000e+00 : f32
    %sub3A_279 = vector.broadcast %sub3A_278 : f32 to vector<16xf32>
    %sub3A_280 = arith.subf %sub3A_279, %mul3A_277 : vector<16xf32>
    %mul3A_281 = arith.mulf %bitcast_convert_type3A_272, %sub3A_280 : vector<16xf32>
    %mul3A_282 = arith.mulf %mul3A_275, %mul3A_281 : vector<16xf32>
    %mul3A_283 = arith.mulf %mul3A_282, %mul3A_281 : vector<16xf32>
    %sub3A_284 = arith.constant 1.500000e+00 : f32
    %sub3A_285 = vector.broadcast %sub3A_284 : f32 to vector<16xf32>
    %sub3A_286 = arith.subf %sub3A_285, %mul3A_283 : vector<16xf32>
    %mul3A_287 = arith.mulf %mul3A_281, %sub3A_286 : vector<16xf32>
    %mul3A_288 = arith.mulf %mul3A_275, %mul3A_287 : vector<16xf32>
    %mul3A_289 = arith.mulf %mul3A_288, %mul3A_287 : vector<16xf32>
    %sub3A_290 = arith.constant 1.500000e+00 : f32
    %sub3A_291 = vector.broadcast %sub3A_290 : f32 to vector<16xf32>
    %sub3A_292 = arith.subf %sub3A_291, %mul3A_289 : vector<16xf32>
    %mul3A_293 = arith.mulf %mul3A_287, %sub3A_292 : vector<16xf32>
    %mul3A_294 = arith.mulf %max3A_267, %mul3A_293 : vector<16xf32>
    %neg3A = arith.constant 0.000000e+00 : f32
    %neg3A_295 = vector.broadcast %neg3A : f32 to vector<16xf32>
    %neg3A_296 = arith.subf %neg3A_295, %mul3A_294 : vector<16xf32>
    %swap3A = arith.constant 0 : index
    %swap3A_297 = tpu.vector_load %arg20[%swap3A] {strides = array<i32>} : memref<512xf32, #tpu.memory_space<vmem>>, vector<16xf32>,
    %swap3A_298 = vector.shape_cast %swap3A_297 : vector<16xf32> to vector<16xf32>
    %swap3A_299 = vector.shape_cast %neg3A_296 : vector<16xf32> to vector<16xf32>
    tpu.vector_store %arg20[%swap3A], %swap3A_299 {strides = array<i32>} : memref<512xf32, #tpu.memory_space<vmem>>, vector<16xf32>,
    %get3A_300 = arith.constant 16 : index
    %get3A_301 = tpu.vector_load %arg19[%get3A_300] {strides = array<i32>} : memref<512xf32, #tpu.memory_space<vmem>>, vector<16xf32>,
    %get3A_302 = vector.shape_cast %get3A_301 : vector<16xf32> to vector<16xf32>
    %max3A_303 = arith.constant 1.000000e-30 : f32
    %max3A_304 = vector.broadcast %max3A_303 : f32 to vector<16xf32>
    %max3A_305 = arith.maximumf %get3A_302, %max3A_304 : vector<16xf32>
    %bitcast_convert_type3A_306 = tpu.bitcast %max3A_305 : vector<16xf32> -> vector<16xi32>
    %shift_right_arithmetic3A_307 = arith.constant 1 : i32
    %shift_right_arithmetic3A_308 = vector.broadcast %shift_right_arithmetic3A_307 : i32 to vector<16xi32>
    %shift_right_arithmetic3A_309 = arith.shrsi %bitcast_convert_type3A_306, %shift_right_arithmetic3A_308 : vector<16xi32>
    %sub3A_310 = arith.constant 1597463007 : i32
    %sub3A_311 = vector.broadcast %sub3A_310 : i32 to vector<16xi32>
    %sub3A_312 = arith.subi %sub3A_311, %shift_right_arithmetic3A_309 : vector<16xi32>
    %bitcast_convert_type3A_313 = tpu.bitcast %sub3A_312 : vector<16xi32> -> vector<16xf32>
    %mul3A_314 = arith.constant 5.000000e-01 : f32
    %mul3A_315 = vector.broadcast %mul3A_314 : f32 to vector<16xf32>
    %mul3A_316 = arith.mulf %mul3A_315, %max3A_305 : vector<16xf32>
    %mul3A_317 = arith.mulf %mul3A_316, %bitcast_convert_type3A_313 : vector<16xf32>
    %mul3A_318 = arith.mulf %mul3A_317, %bitcast_convert_type3A_313 : vector<16xf32>
    %sub3A_319 = arith.constant 1.500000e+00 : f32
    %sub3A_320 = vector.broadcast %sub3A_319 : f32 to vector<16xf32>
    %sub3A_321 = arith.subf %sub3A_320, %mul3A_318 : vector<16xf32>
    %mul3A_322 = arith.mulf %bitcast_convert_type3A_313, %sub3A_321 : vector<16xf32>
    %mul3A_323 = arith.mulf %mul3A_316, %mul3A_322 : vector<16xf32>
    %mul3A_324 = arith.mulf %mul3A_323, %mul3A_322 : vector<16xf32>
    %sub3A_325 = arith.constant 1.500000e+00 : f32
    %sub3A_326 = vector.broadcast %sub3A_325 : f32 to vector<16xf32>
    %sub3A_327 = arith.subf %sub3A_326, %mul3A_324 : vector<16xf32>
    %mul3A_328 = arith.mulf %mul3A_322, %sub3A_327 : vector<16xf32>
    %mul3A_329 = arith.mulf %mul3A_316, %mul3A_328 : vector<16xf32>
    %mul3A_330 = arith.mulf %mul3A_329, %mul3A_328 : vector<16xf32>
    %sub3A_331 = arith.constant 1.500000e+00 : f32
    %sub3A_332 = vector.broadcast %sub3A_331 : f32 to vector<16xf32>
    %sub3A_333 = arith.subf %sub3A_332, %mul3A_330 : vector<16xf32>
    %mul3A_334 = arith.mulf %mul3A_328, %sub3A_333 : vector<16xf32>
    %mul3A_335 = arith.mulf %max3A_305, %mul3A_334 : vector<16xf32>
    %neg3A_336 = arith.constant 0.000000e+00 : f32
    %neg3A_337 = vector.broadcast %neg3A_336 : f32 to vector<16xf32>
    %neg3A_338 = arith.subf %neg3A_337, %mul3A_335 : vector<16xf32>
    %swap3A_339 = arith.constant 16 : index
    %swap3A_340 = tpu.vector_load %arg20[%swap3A_339] {strides = array<i32>} : memref<512xf32, #tpu.memory_space<vmem>>, vector<16xf32>,
    %swap3A_341 = vector.shape_cast %swap3A_340 : vector<16xf32> to vector<16xf32>
    %swap3A_342 = vector.shape_cast %neg3A_338 : vector<16xf32> to vector<16xf32>
    tpu.vector_store %arg20[%swap3A_339], %swap3A_342 {strides = array<i32>} : memref<512xf32, #tpu.memory_space<vmem>>, vector<16xf32>,
    %get3A_343 = arith.constant 32 : index
    %get3A_344 = tpu.vector_load %arg19[%get3A_343] {strides = array<i32>} : memref<512xf32, #tpu.memory_space<vmem>>, vector<16xf32>,
    %get3A_345 = vector.shape_cast %get3A_344 : vector<16xf32> to vector<16xf32>
    %max3A_346 = arith.constant 1.000000e-30 : f32
    %max3A_347 = vector.broadcast %max3A_346 : f32 to vector<16xf32>
    %max3A_348 = arith.maximumf %get3A_345, %max3A_347 : vector<16xf32>
    %bitcast_convert_type3A_349 = tpu.bitcast %max3A_348 : vector<16xf32> -> vector<16xi32>
    %shift_right_arithmetic3A_350 = arith.constant 1 : i32
    %shift_right_arithmetic3A_351 = vector.broadcast %shift_right_arithmetic3A_350 : i32 to vector<16xi32>
    %shift_right_arithmetic3A_352 = arith.shrsi %bitcast_convert_type3A_349, %shift_right_arithmetic3A_351 : vector<16xi32>
    %sub3A_353 = arith.constant 1597463007 : i32
    %sub3A_354 = vector.broadcast %sub3A_353 : i32 to vector<16xi32>
    %sub3A_355 = arith.subi %sub3A_354, %shift_right_arithmetic3A_352 : vector<16xi32>
    %bitcast_convert_type3A_356 = tpu.bitcast %sub3A_355 : vector<16xi32> -> vector<16xf32>
    %mul3A_357 = arith.constant 5.000000e-01 : f32
    %mul3A_358 = vector.broadcast %mul3A_357 : f32 to vector<16xf32>
    %mul3A_359 = arith.mulf %mul3A_358, %max3A_348 : vector<16xf32>
    %mul3A_360 = arith.mulf %mul3A_359, %bitcast_convert_type3A_356 : vector<16xf32>
    %mul3A_361 = arith.mulf %mul3A_360, %bitcast_convert_type3A_356 : vector<16xf32>
    %sub3A_362 = arith.constant 1.500000e+00 : f32
    %sub3A_363 = vector.broadcast %sub3A_362 : f32 to vector<16xf32>
    %sub3A_364 = arith.subf %sub3A_363, %mul3A_361 : vector<16xf32>
    %mul3A_365 = arith.mulf %bitcast_convert_type3A_356, %sub3A_364 : vector<16xf32>
    %mul3A_366 = arith.mulf %mul3A_359, %mul3A_365 : vector<16xf32>
    %mul3A_367 = arith.mulf %mul3A_366, %mul3A_365 : vector<16xf32>
    %sub3A_368 = arith.constant 1.500000e+00 : f32
    %sub3A_369 = vector.broadcast %sub3A_368 : f32 to vector<16xf32>
    %sub3A_370 = arith.subf %sub3A_369, %mul3A_367 : vector<16xf32>
    %mul3A_371 = arith.mulf %mul3A_365, %sub3A_370 : vector<16xf32>
    %mul3A_372 = arith.mulf %mul3A_359, %mul3A_371 : vector<16xf32>
    %mul3A_373 = arith.mulf %mul3A_372, %mul3A_371 : vector<16xf32>
    %sub3A_374 = arith.constant 1.500000e+00 : f32
    %sub3A_375 = vector.broadcast %sub3A_374 : f32 to vector<16xf32>
    %sub3A_376 = arith.subf %sub3A_375, %mul3A_373 : vector<16xf32>
    %mul3A_377 = arith.mulf %mul3A_371, %sub3A_376 : vector<16xf32>
    %mul3A_378 = arith.mulf %max3A_348, %mul3A_377 : vector<16xf32>
    %neg3A_379 = arith.constant 0.000000e+00 : f32
    %neg3A_380 = vector.broadcast %neg3A_379 : f32 to vector<16xf32>
    %neg3A_381 = arith.subf %neg3A_380, %mul3A_378 : vector<16xf32>
    %swap3A_382 = arith.constant 32 : index
    %swap3A_383 = tpu.vector_load %arg20[%swap3A_382] {strides = array<i32>} : memref<512xf32, #tpu.memory_space<vmem>>, vector<16xf32>,
    %swap3A_384 = vector.shape_cast %swap3A_383 : vector<16xf32> to vector<16xf32>
    %swap3A_385 = vector.shape_cast %neg3A_381 : vector<16xf32> to vector<16xf32>
    tpu.vector_store %arg20[%swap3A_382], %swap3A_385 {strides = array<i32>} : memref<512xf32, #tpu.memory_space<vmem>>, vector<16xf32>,
    %get3A_386 = arith.constant 48 : index
    %get3A_387 = tpu.vector_load %arg19[%get3A_386] {strides = array<i32>} : memref<512xf32, #tpu.memory_space<vmem>>, vector<16xf32>,
    %get3A_388 = vector.shape_cast %get3A_387 : vector<16xf32> to vector<16xf32>
    %max3A_389 = arith.constant 1.000000e-30 : f32
    %max3A_390 = vector.broadcast %max3A_389 : f32 to vector<16xf32>
    %max3A_391 = arith.maximumf %get3A_388, %max3A_390 : vector<16xf32>
    %bitcast_convert_type3A_392 = tpu.bitcast %max3A_391 : vector<16xf32> -> vector<16xi32>
    %shift_right_arithmetic3A_393 = arith.constant 1 : i32
    %shift_right_arithmetic3A_394 = vector.broadcast %shift_right_arithmetic3A_393 : i32 to vector<16xi32>
    %shift_right_arithmetic3A_395 = arith.shrsi %bitcast_convert_type3A_392, %shift_right_arithmetic3A_394 : vector<16xi32>
    %sub3A_396 = arith.constant 1597463007 : i32
    %sub3A_397 = vector.broadcast %sub3A_396 : i32 to vector<16xi32>
    %sub3A_398 = arith.subi %sub3A_397, %shift_right_arithmetic3A_395 : vector<16xi32>
    %bitcast_convert_type3A_399 = tpu.bitcast %sub3A_398 : vector<16xi32> -> vector<16xf32>
    %mul3A_400 = arith.constant 5.000000e-01 : f32
    %mul3A_401 = vector.broadcast %mul3A_400 : f32 to vector<16xf32>
    %mul3A_402 = arith.mulf %mul3A_401, %max3A_391 : vector<16xf32>
    %mul3A_403 = arith.mulf %mul3A_402, %bitcast_convert_type3A_399 : vector<16xf32>
    %mul3A_404 = arith.mulf %mul3A_403, %bitcast_convert_type3A_399 : vector<16xf32>
    %sub3A_405 = arith.constant 1.500000e+00 : f32
    %sub3A_406 = vector.broadcast %sub3A_405 : f32 to vector<16xf32>
    %sub3A_407 = arith.subf %sub3A_406, %mul3A_404 : vector<16xf32>
    %mul3A_408 = arith.mulf %bitcast_convert_type3A_399, %sub3A_407 : vector<16xf32>
    %mul3A_409 = arith.mulf %mul3A_402, %mul3A_408 : vector<16xf32>
    %mul3A_410 = arith.mulf %mul3A_409, %mul3A_408 : vector<16xf32>
    %sub3A_411 = arith.constant 1.500000e+00 : f32
    %sub3A_412 = vector.broadcast %sub3A_411 : f32 to vector<16xf32>
    %sub3A_413 = arith.subf %sub3A_412, %mul3A_410 : vector<16xf32>
    %mul3A_414 = arith.mulf %mul3A_408, %sub3A_413 : vector<16xf32>
    %mul3A_415 = arith.mulf %mul3A_402, %mul3A_414 : vector<16xf32>
    %mul3A_416 = arith.mulf %mul3A_415, %mul3A_414 : vector<16xf32>
    %sub3A_417 = arith.constant 1.500000e+00 : f32
    %sub3A_418 = vector.broadcast %sub3A_417 : f32 to vector<16xf32>
    %sub3A_419 = arith.subf %sub3A_418, %mul3A_416 : vector<16xf32>
    %mul3A_420 = arith.mulf %mul3A_414, %sub3A_419 : vector<16xf32>
    %mul3A_421 = arith.mulf %max3A_391, %mul3A_420 : vector<16xf32>
    %neg3A_422 = arith.constant 0.000000e+00 : f32
    %neg3A_423 = vector.broadcast %neg3A_422 : f32 to vector<16xf32>
    %neg3A_424 = arith.subf %neg3A_423, %mul3A_421 : vector<16xf32>
    %swap3A_425 = arith.constant 48 : index
    %swap3A_426 = tpu.vector_load %arg20[%swap3A_425] {strides = array<i32>} : memref<512xf32, #tpu.memory_space<vmem>>, vector<16xf32>,
    %swap3A_427 = vector.shape_cast %swap3A_426 : vector<16xf32> to vector<16xf32>
    %swap3A_428 = vector.shape_cast %neg3A_424 : vector<16xf32> to vector<16xf32>
    tpu.vector_store %arg20[%swap3A_425], %swap3A_428 {strides = array<i32>} : memref<512xf32, #tpu.memory_space<vmem>>, vector<16xf32>,
    %get3A_429 = arith.constant 64 : index
    %get3A_430 = tpu.vector_load %arg19[%get3A_429] {strides = array<i32>} : memref<512xf32, #tpu.memory_space<vmem>>, vector<16xf32>,
    %get3A_431 = vector.shape_cast %get3A_430 : vector<16xf32> to vector<16xf32>
    %max3A_432 = arith.constant 1.000000e-30 : f32
    %max3A_433 = vector.broadcast %max3A_432 : f32 to vector<16xf32>
    %max3A_434 = arith.maximumf %get3A_431, %max3A_433 : vector<16xf32>
    %bitcast_convert_type3A_435 = tpu.bitcast %max3A_434 : vector<16xf32> -> vector<16xi32>
    %shift_right_arithmetic3A_436 = arith.constant 1 : i32
    %shift_right_arithmetic3A_437 = vector.broadcast %shift_right_arithmetic3A_436 : i32 to vector<16xi32>
    %shift_right_arithmetic3A_438 = arith.shrsi %bitcast_convert_type3A_435, %shift_right_arithmetic3A_437 : vector<16xi32>
    %sub3A_439 = arith.constant 1597463007 : i32
    %sub3A_440 = vector.broadcast %sub3A_439 : i32 to vector<16xi32>
    %sub3A_441 = arith.subi %sub3A_440, %shift_right_arithmetic3A_438 : vector<16xi32>
    %bitcast_convert_type3A_442 = tpu.bitcast %sub3A_441 : vector<16xi32> -> vector<16xf32>
    %mul3A_443 = arith.constant 5.000000e-01 : f32
    %mul3A_444 = vector.broadcast %mul3A_443 : f32 to vector<16xf32>
    %mul3A_445 = arith.mulf %mul3A_444, %max3A_434 : vector<16xf32>
    %mul3A_446 = arith.mulf %mul3A_445, %bitcast_convert_type3A_442 : vector<16xf32>
    %mul3A_447 = arith.mulf %mul3A_446, %bitcast_convert_type3A_442 : vector<16xf32>
    %sub3A_448 = arith.constant 1.500000e+00 : f32
    %sub3A_449 = vector.broadcast %sub3A_448 : f32 to vector<16xf32>
    %sub3A_450 = arith.subf %sub3A_449, %mul3A_447 : vector<16xf32>
    %mul3A_451 = arith.mulf %bitcast_convert_type3A_442, %sub3A_450 : vector<16xf32>
    %mul3A_452 = arith.mulf %mul3A_445, %mul3A_451 : vector<16xf32>
    %mul3A_453 = arith.mulf %mul3A_452, %mul3A_451 : vector<16xf32>
    %sub3A_454 = arith.constant 1.500000e+00 : f32
    %sub3A_455 = vector.broadcast %sub3A_454 : f32 to vector<16xf32>
    %sub3A_456 = arith.subf %sub3A_455, %mul3A_453 : vector<16xf32>
    %mul3A_457 = arith.mulf %mul3A_451, %sub3A_456 : vector<16xf32>
    %mul3A_458 = arith.mulf %mul3A_445, %mul3A_457 : vector<16xf32>
    %mul3A_459 = arith.mulf %mul3A_458, %mul3A_457 : vector<16xf32>
    %sub3A_460 = arith.constant 1.500000e+00 : f32
    %sub3A_461 = vector.broadcast %sub3A_460 : f32 to vector<16xf32>
    %sub3A_462 = arith.subf %sub3A_461, %mul3A_459 : vector<16xf32>
    %mul3A_463 = arith.mulf %mul3A_457, %sub3A_462 : vector<16xf32>
    %mul3A_464 = arith.mulf %max3A_434, %mul3A_463 : vector<16xf32>
    %neg3A_465 = arith.constant 0.000000e+00 : f32
    %neg3A_466 = vector.broadcast %neg3A_465 : f32 to vector<16xf32>
    %neg3A_467 = arith.subf %neg3A_466, %mul3A_464 : vector<16xf32>
    %swap3A_468 = arith.constant 64 : index
    %swap3A_469 = tpu.vector_load %arg20[%swap3A_468] {strides = array<i32>} : memref<512xf32, #tpu.memory_space<vmem>>, vector<16xf32>,
    %swap3A_470 = vector.shape_cast %swap3A_469 : vector<16xf32> to vector<16xf32>
    %swap3A_471 = vector.shape_cast %neg3A_467 : vector<16xf32> to vector<16xf32>
    tpu.vector_store %arg20[%swap3A_468], %swap3A_471 {strides = array<i32>} : memref<512xf32, #tpu.memory_space<vmem>>, vector<16xf32>,
    %get3A_472 = arith.constant 80 : index
    %get3A_473 = tpu.vector_load %arg19[%get3A_472] {strides = array<i32>} : memref<512xf32, #tpu.memory_space<vmem>>, vector<16xf32>,
    %get3A_474 = vector.shape_cast %get3A_473 : vector<16xf32> to vector<16xf32>
    %max3A_475 = arith.constant 1.000000e-30 : f32
    %max3A_476 = vector.broadcast %max3A_475 : f32 to vector<16xf32>
    %max3A_477 = arith.maximumf %get3A_474, %max3A_476 : vector<16xf32>
    %bitcast_convert_type3A_478 = tpu.bitcast %max3A_477 : vector<16xf32> -> vector<16xi32>
    %shift_right_arithmetic3A_479 = arith.constant 1 : i32
    %shift_right_arithmetic3A_480 = vector.broadcast %shift_right_arithmetic3A_479 : i32 to vector<16xi32>
    %shift_right_arithmetic3A_481 = arith.shrsi %bitcast_convert_type3A_478, %shift_right_arithmetic3A_480 : vector<16xi32>
    %sub3A_482 = arith.constant 1597463007 : i32
    %sub3A_483 = vector.broadcast %sub3A_482 : i32 to vector<16xi32>
    %sub3A_484 = arith.subi %sub3A_483, %shift_right_arithmetic3A_481 : vector<16xi32>
    %bitcast_convert_type3A_485 = tpu.bitcast %sub3A_484 : vector<16xi32> -> vector<16xf32>
    %mul3A_486 = arith.constant 5.000000e-01 : f32
    %mul3A_487 = vector.broadcast %mul3A_486 : f32 to vector<16xf32>
    %mul3A_488 = arith.mulf %mul3A_487, %max3A_477 : vector<16xf32>
    %mul3A_489 = arith.mulf %mul3A_488, %bitcast_convert_type3A_485 : vector<16xf32>
    %mul3A_490 = arith.mulf %mul3A_489, %bitcast_convert_type3A_485 : vector<16xf32>
    %sub3A_491 = arith.constant 1.500000e+00 : f32
    %sub3A_492 = vector.broadcast %sub3A_491 : f32 to vector<16xf32>
    %sub3A_493 = arith.subf %sub3A_492, %mul3A_490 : vector<16xf32>
    %mul3A_494 = arith.mulf %bitcast_convert_type3A_485, %sub3A_493 : vector<16xf32>
    %mul3A_495 = arith.mulf %mul3A_488, %mul3A_494 : vector<16xf32>
    %mul3A_496 = arith.mulf %mul3A_495, %mul3A_494 : vector<16xf32>
    %sub3A_497 = arith.constant 1.500000e+00 : f32
    %sub3A_498 = vector.broadcast %sub3A_497 : f32 to vector<16xf32>
    %sub3A_499 = arith.subf %sub3A_498, %mul3A_496 : vector<16xf32>
    %mul3A_500 = arith.mulf %mul3A_494, %sub3A_499 : vector<16xf32>
    %mul3A_501 = arith.mulf %mul3A_488, %mul3A_500 : vector<16xf32>
    %mul3A_502 = arith.mulf %mul3A_501, %mul3A_500 : vector<16xf32>
    %sub3A_503 = arith.constant 1.500000e+00 : f32
    %sub3A_504 = vector.broadcast %sub3A_503 : f32 to vector<16xf32>
    %sub3A_505 = arith.subf %sub3A_504, %mul3A_502 : vector<16xf32>
    %mul3A_506 = arith.mulf %mul3A_500, %sub3A_505 : vector<16xf32>
    %mul3A_507 = arith.mulf %max3A_477, %mul3A_506 : vector<16xf32>
    %neg3A_508 = arith.constant 0.000000e+00 : f32
    %neg3A_509 = vector.broadcast %neg3A_508 : f32 to vector<16xf32>
    %neg3A_510 = arith.subf %neg3A_509, %mul3A_507 : vector<16xf32>
    %swap3A_511 = arith.constant 80 : index
    %swap3A_512 = tpu.vector_load %arg20[%swap3A_511] {strides = array<i32>} : memref<512xf32, #tpu.memory_space<vmem>>, vector<16xf32>,
    %swap3A_513 = vector.shape_cast %swap3A_512 : vector<16xf32> to vector<16xf32>
    %swap3A_514 = vector.shape_cast %neg3A_510 : vector<16xf32> to vector<16xf32>
    tpu.vector_store %arg20[%swap3A_511], %swap3A_514 {strides = array<i32>} : memref<512xf32, #tpu.memory_space<vmem>>, vector<16xf32>,
    %get3A_515 = arith.constant 96 : index
    %get3A_516 = tpu.vector_load %arg19[%get3A_515] {strides = array<i32>} : memref<512xf32, #tpu.memory_space<vmem>>, vector<16xf32>,
    %get3A_517 = vector.shape_cast %get3A_516 : vector<16xf32> to vector<16xf32>
    %max3A_518 = arith.constant 1.000000e-30 : f32
    %max3A_519 = vector.broadcast %max3A_518 : f32 to vector<16xf32>
    %max3A_520 = arith.maximumf %get3A_517, %max3A_519 : vector<16xf32>
    %bitcast_convert_type3A_521 = tpu.bitcast %max3A_520 : vector<16xf32> -> vector<16xi32>
    %shift_right_arithmetic3A_522 = arith.constant 1 : i32
    %shift_right_arithmetic3A_523 = vector.broadcast %shift_right_arithmetic3A_522 : i32 to vector<16xi32>
    %shift_right_arithmetic3A_524 = arith.shrsi %bitcast_convert_type3A_521, %shift_right_arithmetic3A_523 : vector<16xi32>
    %sub3A_525 = arith.constant 1597463007 : i32
    %sub3A_526 = vector.broadcast %sub3A_525 : i32 to vector<16xi32>
    %sub3A_527 = arith.subi %sub3A_526, %shift_right_arithmetic3A_524 : vector<16xi32>
    %bitcast_convert_type3A_528 = tpu.bitcast %sub3A_527 : vector<16xi32> -> vector<16xf32>
    %mul3A_529 = arith.constant 5.000000e-01 : f32
    %mul3A_530 = vector.broadcast %mul3A_529 : f32 to vector<16xf32>
    %mul3A_531 = arith.mulf %mul3A_530, %max3A_520 : vector<16xf32>
    %mul3A_532 = arith.mulf %mul3A_531, %bitcast_convert_type3A_528 : vector<16xf32>
    %mul3A_533 = arith.mulf %mul3A_532, %bitcast_convert_type3A_528 : vector<16xf32>
    %sub3A_534 = arith.constant 1.500000e+00 : f32
    %sub3A_535 = vector.broadcast %sub3A_534 : f32 to vector<16xf32>
    %sub3A_536 = arith.subf %sub3A_535, %mul3A_533 : vector<16xf32>
    %mul3A_537 = arith.mulf %bitcast_convert_type3A_528, %sub3A_536 : vector<16xf32>
    %mul3A_538 = arith.mulf %mul3A_531, %mul3A_537 : vector<16xf32>
    %mul3A_539 = arith.mulf %mul3A_538, %mul3A_537 : vector<16xf32>
    %sub3A_540 = arith.constant 1.500000e+00 : f32
    %sub3A_541 = vector.broadcast %sub3A_540 : f32 to vector<16xf32>
    %sub3A_542 = arith.subf %sub3A_541, %mul3A_539 : vector<16xf32>
    %mul3A_543 = arith.mulf %mul3A_537, %sub3A_542 : vector<16xf32>
    %mul3A_544 = arith.mulf %mul3A_531, %mul3A_543 : vector<16xf32>
    %mul3A_545 = arith.mulf %mul3A_544, %mul3A_543 : vector<16xf32>
    %sub3A_546 = arith.constant 1.500000e+00 : f32
    %sub3A_547 = vector.broadcast %sub3A_546 : f32 to vector<16xf32>
    %sub3A_548 = arith.subf %sub3A_547, %mul3A_545 : vector<16xf32>
    %mul3A_549 = arith.mulf %mul3A_543, %sub3A_548 : vector<16xf32>
    %mul3A_550 = arith.mulf %max3A_520, %mul3A_549 : vector<16xf32>
    %neg3A_551 = arith.constant 0.000000e+00 : f32
    %neg3A_552 = vector.broadcast %neg3A_551 : f32 to vector<16xf32>
    %neg3A_553 = arith.subf %neg3A_552, %mul3A_550 : vector<16xf32>
    %swap3A_554 = arith.constant 96 : index
    %swap3A_555 = tpu.vector_load %arg20[%swap3A_554] {strides = array<i32>} : memref<512xf32, #tpu.memory_space<vmem>>, vector<16xf32>,
    %swap3A_556 = vector.shape_cast %swap3A_555 : vector<16xf32> to vector<16xf32>
    %swap3A_557 = vector.shape_cast %neg3A_553 : vector<16xf32> to vector<16xf32>
    tpu.vector_store %arg20[%swap3A_554], %swap3A_557 {strides = array<i32>} : memref<512xf32, #tpu.memory_space<vmem>>, vector<16xf32>,
    %get3A_558 = arith.constant 112 : index
    %get3A_559 = tpu.vector_load %arg19[%get3A_558] {strides = array<i32>} : memref<512xf32, #tpu.memory_space<vmem>>, vector<16xf32>,
    %get3A_560 = vector.shape_cast %get3A_559 : vector<16xf32> to vector<16xf32>
    %max3A_561 = arith.constant 1.000000e-30 : f32
    %max3A_562 = vector.broadcast %max3A_561 : f32 to vector<16xf32>
    %max3A_563 = arith.maximumf %get3A_560, %max3A_562 : vector<16xf32>
    %bitcast_convert_type3A_564 = tpu.bitcast %max3A_563 : vector<16xf32> -> vector<16xi32>
    %shift_right_arithmetic3A_565 = arith.constant 1 : i32
    %shift_right_arithmetic3A_566 = vector.broadcast %shift_right_arithmetic3A_565 : i32 to vector<16xi32>
    %shift_right_arithmetic3A_567 = arith.shrsi %bitcast_convert_type3A_564, %shift_right_arithmetic3A_566 : vector<16xi32>
    %sub3A_568 = arith.constant 1597463007 : i32
    %sub3A_569 = vector.broadcast %sub3A_568 : i32 to vector<16xi32>
    %sub3A_570 = arith.subi %sub3A_569, %shift_right_arithmetic3A_567 : vector<16xi32>
    %bitcast_convert_type3A_571 = tpu.bitcast %sub3A_570 : vector<16xi32> -> vector<16xf32>
    %mul3A_572 = arith.constant 5.000000e-01 : f32
    %mul3A_573 = vector.broadcast %mul3A_572 : f32 to vector<16xf32>
    %mul3A_574 = arith.mulf %mul3A_573, %max3A_563 : vector<16xf32>
    %mul3A_575 = arith.mulf %mul3A_574, %bitcast_convert_type3A_571 : vector<16xf32>
    %mul3A_576 = arith.mulf %mul3A_575, %bitcast_convert_type3A_571 : vector<16xf32>
    %sub3A_577 = arith.constant 1.500000e+00 : f32
    %sub3A_578 = vector.broadcast %sub3A_577 : f32 to vector<16xf32>
    %sub3A_579 = arith.subf %sub3A_578, %mul3A_576 : vector<16xf32>
    %mul3A_580 = arith.mulf %bitcast_convert_type3A_571, %sub3A_579 : vector<16xf32>
    %mul3A_581 = arith.mulf %mul3A_574, %mul3A_580 : vector<16xf32>
    %mul3A_582 = arith.mulf %mul3A_581, %mul3A_580 : vector<16xf32>
    %sub3A_583 = arith.constant 1.500000e+00 : f32
    %sub3A_584 = vector.broadcast %sub3A_583 : f32 to vector<16xf32>
    %sub3A_585 = arith.subf %sub3A_584, %mul3A_582 : vector<16xf32>
    %mul3A_586 = arith.mulf %mul3A_580, %sub3A_585 : vector<16xf32>
    %mul3A_587 = arith.mulf %mul3A_574, %mul3A_586 : vector<16xf32>
    %mul3A_588 = arith.mulf %mul3A_587, %mul3A_586 : vector<16xf32>
    %sub3A_589 = arith.constant 1.500000e+00 : f32
    %sub3A_590 = vector.broadcast %sub3A_589 : f32 to vector<16xf32>
    %sub3A_591 = arith.subf %sub3A_590, %mul3A_588 : vector<16xf32>
    %mul3A_592 = arith.mulf %mul3A_586, %sub3A_591 : vector<16xf32>
    %mul3A_593 = arith.mulf %max3A_563, %mul3A_592 : vector<16xf32>
    %neg3A_594 = arith.constant 0.000000e+00 : f32
    %neg3A_595 = vector.broadcast %neg3A_594 : f32 to vector<16xf32>
    %neg3A_596 = arith.subf %neg3A_595, %mul3A_593 : vector<16xf32>
    %swap3A_597 = arith.constant 112 : index
    %swap3A_598 = tpu.vector_load %arg20[%swap3A_597] {strides = array<i32>} : memref<512xf32, #tpu.memory_space<vmem>>, vector<16xf32>,
    %swap3A_599 = vector.shape_cast %swap3A_598 : vector<16xf32> to vector<16xf32>
    %swap3A_600 = vector.shape_cast %neg3A_596 : vector<16xf32> to vector<16xf32>
    tpu.vector_store %arg20[%swap3A_597], %swap3A_600 {strides = array<i32>} : memref<512xf32, #tpu.memory_space<vmem>>, vector<16xf32>,
    %get3A_601 = arith.constant 128 : index
    %get3A_602 = tpu.vector_load %arg19[%get3A_601] {strides = array<i32>} : memref<512xf32, #tpu.memory_space<vmem>>, vector<16xf32>,
    %get3A_603 = vector.shape_cast %get3A_602 : vector<16xf32> to vector<16xf32>
    %max3A_604 = arith.constant 1.000000e-30 : f32
    %max3A_605 = vector.broadcast %max3A_604 : f32 to vector<16xf32>
    %max3A_606 = arith.maximumf %get3A_603, %max3A_605 : vector<16xf32>
    %bitcast_convert_type3A_607 = tpu.bitcast %max3A_606 : vector<16xf32> -> vector<16xi32>
    %shift_right_arithmetic3A_608 = arith.constant 1 : i32
    %shift_right_arithmetic3A_609 = vector.broadcast %shift_right_arithmetic3A_608 : i32 to vector<16xi32>
    %shift_right_arithmetic3A_610 = arith.shrsi %bitcast_convert_type3A_607, %shift_right_arithmetic3A_609 : vector<16xi32>
    %sub3A_611 = arith.constant 1597463007 : i32
    %sub3A_612 = vector.broadcast %sub3A_611 : i32 to vector<16xi32>
    %sub3A_613 = arith.subi %sub3A_612, %shift_right_arithmetic3A_610 : vector<16xi32>
    %bitcast_convert_type3A_614 = tpu.bitcast %sub3A_613 : vector<16xi32> -> vector<16xf32>
    %mul3A_615 = arith.constant 5.000000e-01 : f32
    %mul3A_616 = vector.broadcast %mul3A_615 : f32 to vector<16xf32>
    %mul3A_617 = arith.mulf %mul3A_616, %max3A_606 : vector<16xf32>
    %mul3A_618 = arith.mulf %mul3A_617, %bitcast_convert_type3A_614 : vector<16xf32>
    %mul3A_619 = arith.mulf %mul3A_618, %bitcast_convert_type3A_614 : vector<16xf32>
    %sub3A_620 = arith.constant 1.500000e+00 : f32
    %sub3A_621 = vector.broadcast %sub3A_620 : f32 to vector<16xf32>
    %sub3A_622 = arith.subf %sub3A_621, %mul3A_619 : vector<16xf32>
    %mul3A_623 = arith.mulf %bitcast_convert_type3A_614, %sub3A_622 : vector<16xf32>
    %mul3A_624 = arith.mulf %mul3A_617, %mul3A_623 : vector<16xf32>
    %mul3A_625 = arith.mulf %mul3A_624, %mul3A_623 : vector<16xf32>
    %sub3A_626 = arith.constant 1.500000e+00 : f32
    %sub3A_627 = vector.broadcast %sub3A_626 : f32 to vector<16xf32>
    %sub3A_628 = arith.subf %sub3A_627, %mul3A_625 : vector<16xf32>
    %mul3A_629 = arith.mulf %mul3A_623, %sub3A_628 : vector<16xf32>
    %mul3A_630 = arith.mulf %mul3A_617, %mul3A_629 : vector<16xf32>
    %mul3A_631 = arith.mulf %mul3A_630, %mul3A_629 : vector<16xf32>
    %sub3A_632 = arith.constant 1.500000e+00 : f32
    %sub3A_633 = vector.broadcast %sub3A_632 : f32 to vector<16xf32>
    %sub3A_634 = arith.subf %sub3A_633, %mul3A_631 : vector<16xf32>
    %mul3A_635 = arith.mulf %mul3A_629, %sub3A_634 : vector<16xf32>
    %mul3A_636 = arith.mulf %max3A_606, %mul3A_635 : vector<16xf32>
    %neg3A_637 = arith.constant 0.000000e+00 : f32
    %neg3A_638 = vector.broadcast %neg3A_637 : f32 to vector<16xf32>
    %neg3A_639 = arith.subf %neg3A_638, %mul3A_636 : vector<16xf32>
    %swap3A_640 = arith.constant 128 : index
    %swap3A_641 = tpu.vector_load %arg20[%swap3A_640] {strides = array<i32>} : memref<512xf32, #tpu.memory_space<vmem>>, vector<16xf32>,
    %swap3A_642 = vector.shape_cast %swap3A_641 : vector<16xf32> to vector<16xf32>
    %swap3A_643 = vector.shape_cast %neg3A_639 : vector<16xf32> to vector<16xf32>
    tpu.vector_store %arg20[%swap3A_640], %swap3A_643 {strides = array<i32>} : memref<512xf32, #tpu.memory_space<vmem>>, vector<16xf32>,
    %get3A_644 = arith.constant 144 : index
    %get3A_645 = tpu.vector_load %arg19[%get3A_644] {strides = array<i32>} : memref<512xf32, #tpu.memory_space<vmem>>, vector<16xf32>,
    %get3A_646 = vector.shape_cast %get3A_645 : vector<16xf32> to vector<16xf32>
    %max3A_647 = arith.constant 1.000000e-30 : f32
    %max3A_648 = vector.broadcast %max3A_647 : f32 to vector<16xf32>
    %max3A_649 = arith.maximumf %get3A_646, %max3A_648 : vector<16xf32>
    %bitcast_convert_type3A_650 = tpu.bitcast %max3A_649 : vector<16xf32> -> vector<16xi32>
    %shift_right_arithmetic3A_651 = arith.constant 1 : i32
    %shift_right_arithmetic3A_652 = vector.broadcast %shift_right_arithmetic3A_651 : i32 to vector<16xi32>
    %shift_right_arithmetic3A_653 = arith.shrsi %bitcast_convert_type3A_650, %shift_right_arithmetic3A_652 : vector<16xi32>
    %sub3A_654 = arith.constant 1597463007 : i32
    %sub3A_655 = vector.broadcast %sub3A_654 : i32 to vector<16xi32>
    %sub3A_656 = arith.subi %sub3A_655, %shift_right_arithmetic3A_653 : vector<16xi32>
    %bitcast_convert_type3A_657 = tpu.bitcast %sub3A_656 : vector<16xi32> -> vector<16xf32>
    %mul3A_658 = arith.constant 5.000000e-01 : f32
    %mul3A_659 = vector.broadcast %mul3A_658 : f32 to vector<16xf32>
    %mul3A_660 = arith.mulf %mul3A_659, %max3A_649 : vector<16xf32>
    %mul3A_661 = arith.mulf %mul3A_660, %bitcast_convert_type3A_657 : vector<16xf32>
    %mul3A_662 = arith.mulf %mul3A_661, %bitcast_convert_type3A_657 : vector<16xf32>
    %sub3A_663 = arith.constant 1.500000e+00 : f32
    %sub3A_664 = vector.broadcast %sub3A_663 : f32 to vector<16xf32>
    %sub3A_665 = arith.subf %sub3A_664, %mul3A_662 : vector<16xf32>
    %mul3A_666 = arith.mulf %bitcast_convert_type3A_657, %sub3A_665 : vector<16xf32>
    %mul3A_667 = arith.mulf %mul3A_660, %mul3A_666 : vector<16xf32>
    %mul3A_668 = arith.mulf %mul3A_667, %mul3A_666 : vector<16xf32>
    %sub3A_669 = arith.constant 1.500000e+00 : f32
    %sub3A_670 = vector.broadcast %sub3A_669 : f32 to vector<16xf32>
    %sub3A_671 = arith.subf %sub3A_670, %mul3A_668 : vector<16xf32>
    %mul3A_672 = arith.mulf %mul3A_666, %sub3A_671 : vector<16xf32>
    %mul3A_673 = arith.mulf %mul3A_660, %mul3A_672 : vector<16xf32>
    %mul3A_674 = arith.mulf %mul3A_673, %mul3A_672 : vector<16xf32>
    %sub3A_675 = arith.constant 1.500000e+00 : f32
    %sub3A_676 = vector.broadcast %sub3A_675 : f32 to vector<16xf32>
    %sub3A_677 = arith.subf %sub3A_676, %mul3A_674 : vector<16xf32>
    %mul3A_678 = arith.mulf %mul3A_672, %sub3A_677 : vector<16xf32>
    %mul3A_679 = arith.mulf %max3A_649, %mul3A_678 : vector<16xf32>
    %neg3A_680 = arith.constant 0.000000e+00 : f32
    %neg3A_681 = vector.broadcast %neg3A_680 : f32 to vector<16xf32>
    %neg3A_682 = arith.subf %neg3A_681, %mul3A_679 : vector<16xf32>
    %swap3A_683 = arith.constant 144 : index
    %swap3A_684 = tpu.vector_load %arg20[%swap3A_683] {strides = array<i32>} : memref<512xf32, #tpu.memory_space<vmem>>, vector<16xf32>,
    %swap3A_685 = vector.shape_cast %swap3A_684 : vector<16xf32> to vector<16xf32>
    %swap3A_686 = vector.shape_cast %neg3A_682 : vector<16xf32> to vector<16xf32>
    tpu.vector_store %arg20[%swap3A_683], %swap3A_686 {strides = array<i32>} : memref<512xf32, #tpu.memory_space<vmem>>, vector<16xf32>,
    %get3A_687 = arith.constant 160 : index
    %get3A_688 = tpu.vector_load %arg19[%get3A_687] {strides = array<i32>} : memref<512xf32, #tpu.memory_space<vmem>>, vector<16xf32>,
    %get3A_689 = vector.shape_cast %get3A_688 : vector<16xf32> to vector<16xf32>
    %max3A_690 = arith.constant 1.000000e-30 : f32
    %max3A_691 = vector.broadcast %max3A_690 : f32 to vector<16xf32>
    %max3A_692 = arith.maximumf %get3A_689, %max3A_691 : vector<16xf32>
    %bitcast_convert_type3A_693 = tpu.bitcast %max3A_692 : vector<16xf32> -> vector<16xi32>
    %shift_right_arithmetic3A_694 = arith.constant 1 : i32
    %shift_right_arithmetic3A_695 = vector.broadcast %shift_right_arithmetic3A_694 : i32 to vector<16xi32>
    %shift_right_arithmetic3A_696 = arith.shrsi %bitcast_convert_type3A_693, %shift_right_arithmetic3A_695 : vector<16xi32>
    %sub3A_697 = arith.constant 1597463007 : i32
    %sub3A_698 = vector.broadcast %sub3A_697 : i32 to vector<16xi32>
    %sub3A_699 = arith.subi %sub3A_698, %shift_right_arithmetic3A_696 : vector<16xi32>
    %bitcast_convert_type3A_700 = tpu.bitcast %sub3A_699 : vector<16xi32> -> vector<16xf32>
    %mul3A_701 = arith.constant 5.000000e-01 : f32
    %mul3A_702 = vector.broadcast %mul3A_701 : f32 to vector<16xf32>
    %mul3A_703 = arith.mulf %mul3A_702, %max3A_692 : vector<16xf32>
    %mul3A_704 = arith.mulf %mul3A_703, %bitcast_convert_type3A_700 : vector<16xf32>
    %mul3A_705 = arith.mulf %mul3A_704, %bitcast_convert_type3A_700 : vector<16xf32>
    %sub3A_706 = arith.constant 1.500000e+00 : f32
    %sub3A_707 = vector.broadcast %sub3A_706 : f32 to vector<16xf32>
    %sub3A_708 = arith.subf %sub3A_707, %mul3A_705 : vector<16xf32>
    %mul3A_709 = arith.mulf %bitcast_convert_type3A_700, %sub3A_708 : vector<16xf32>
    %mul3A_710 = arith.mulf %mul3A_703, %mul3A_709 : vector<16xf32>
    %mul3A_711 = arith.mulf %mul3A_710, %mul3A_709 : vector<16xf32>
    %sub3A_712 = arith.constant 1.500000e+00 : f32
    %sub3A_713 = vector.broadcast %sub3A_712 : f32 to vector<16xf32>
    %sub3A_714 = arith.subf %sub3A_713, %mul3A_711 : vector<16xf32>
    %mul3A_715 = arith.mulf %mul3A_709, %sub3A_714 : vector<16xf32>
    %mul3A_716 = arith.mulf %mul3A_703, %mul3A_715 : vector<16xf32>
    %mul3A_717 = arith.mulf %mul3A_716, %mul3A_715 : vector<16xf32>
    %sub3A_718 = arith.constant 1.500000e+00 : f32
    %sub3A_719 = vector.broadcast %sub3A_718 : f32 to vector<16xf32>
    %sub3A_720 = arith.subf %sub3A_719, %mul3A_717 : vector<16xf32>
    %mul3A_721 = arith.mulf %mul3A_715, %sub3A_720 : vector<16xf32>
    %mul3A_722 = arith.mulf %max3A_692, %mul3A_721 : vector<16xf32>
    %neg3A_723 = arith.constant 0.000000e+00 : f32
    %neg3A_724 = vector.broadcast %neg3A_723 : f32 to vector<16xf32>
    %neg3A_725 = arith.subf %neg3A_724, %mul3A_722 : vector<16xf32>
    %swap3A_726 = arith.constant 160 : index
    %swap3A_727 = tpu.vector_load %arg20[%swap3A_726] {strides = array<i32>} : memref<512xf32, #tpu.memory_space<vmem>>, vector<16xf32>,
    %swap3A_728 = vector.shape_cast %swap3A_727 : vector<16xf32> to vector<16xf32>
    %swap3A_729 = vector.shape_cast %neg3A_725 : vector<16xf32> to vector<16xf32>
    tpu.vector_store %arg20[%swap3A_726], %swap3A_729 {strides = array<i32>} : memref<512xf32, #tpu.memory_space<vmem>>, vector<16xf32>,
    %get3A_730 = arith.constant 176 : index
    %get3A_731 = tpu.vector_load %arg19[%get3A_730] {strides = array<i32>} : memref<512xf32, #tpu.memory_space<vmem>>, vector<16xf32>,
    %get3A_732 = vector.shape_cast %get3A_731 : vector<16xf32> to vector<16xf32>
    %max3A_733 = arith.constant 1.000000e-30 : f32
    %max3A_734 = vector.broadcast %max3A_733 : f32 to vector<16xf32>
    %max3A_735 = arith.maximumf %get3A_732, %max3A_734 : vector<16xf32>
    %bitcast_convert_type3A_736 = tpu.bitcast %max3A_735 : vector<16xf32> -> vector<16xi32>
    %shift_right_arithmetic3A_737 = arith.constant 1 : i32
    %shift_right_arithmetic3A_738 = vector.broadcast %shift_right_arithmetic3A_737 : i32 to vector<16xi32>
    %shift_right_arithmetic3A_739 = arith.shrsi %bitcast_convert_type3A_736, %shift_right_arithmetic3A_738 : vector<16xi32>
    %sub3A_740 = arith.constant 1597463007 : i32
    %sub3A_741 = vector.broadcast %sub3A_740 : i32 to vector<16xi32>
    %sub3A_742 = arith.subi %sub3A_741, %shift_right_arithmetic3A_739 : vector<16xi32>
    %bitcast_convert_type3A_743 = tpu.bitcast %sub3A_742 : vector<16xi32> -> vector<16xf32>
    %mul3A_744 = arith.constant 5.000000e-01 : f32
    %mul3A_745 = vector.broadcast %mul3A_744 : f32 to vector<16xf32>
    %mul3A_746 = arith.mulf %mul3A_745, %max3A_735 : vector<16xf32>
    %mul3A_747 = arith.mulf %mul3A_746, %bitcast_convert_type3A_743 : vector<16xf32>
    %mul3A_748 = arith.mulf %mul3A_747, %bitcast_convert_type3A_743 : vector<16xf32>
    %sub3A_749 = arith.constant 1.500000e+00 : f32
    %sub3A_750 = vector.broadcast %sub3A_749 : f32 to vector<16xf32>
    %sub3A_751 = arith.subf %sub3A_750, %mul3A_748 : vector<16xf32>
    %mul3A_752 = arith.mulf %bitcast_convert_type3A_743, %sub3A_751 : vector<16xf32>
    %mul3A_753 = arith.mulf %mul3A_746, %mul3A_752 : vector<16xf32>
    %mul3A_754 = arith.mulf %mul3A_753, %mul3A_752 : vector<16xf32>
    %sub3A_755 = arith.constant 1.500000e+00 : f32
    %sub3A_756 = vector.broadcast %sub3A_755 : f32 to vector<16xf32>
    %sub3A_757 = arith.subf %sub3A_756, %mul3A_754 : vector<16xf32>
    %mul3A_758 = arith.mulf %mul3A_752, %sub3A_757 : vector<16xf32>
    %mul3A_759 = arith.mulf %mul3A_746, %mul3A_758 : vector<16xf32>
    %mul3A_760 = arith.mulf %mul3A_759, %mul3A_758 : vector<16xf32>
    %sub3A_761 = arith.constant 1.500000e+00 : f32
    %sub3A_762 = vector.broadcast %sub3A_761 : f32 to vector<16xf32>
    %sub3A_763 = arith.subf %sub3A_762, %mul3A_760 : vector<16xf32>
    %mul3A_764 = arith.mulf %mul3A_758, %sub3A_763 : vector<16xf32>
    %mul3A_765 = arith.mulf %max3A_735, %mul3A_764 : vector<16xf32>
    %neg3A_766 = arith.constant 0.000000e+00 : f32
    %neg3A_767 = vector.broadcast %neg3A_766 : f32 to vector<16xf32>
    %neg3A_768 = arith.subf %neg3A_767, %mul3A_765 : vector<16xf32>
    %swap3A_769 = arith.constant 176 : index
    %swap3A_770 = tpu.vector_load %arg20[%swap3A_769] {strides = array<i32>} : memref<512xf32, #tpu.memory_space<vmem>>, vector<16xf32>,
    %swap3A_771 = vector.shape_cast %swap3A_770 : vector<16xf32> to vector<16xf32>
    %swap3A_772 = vector.shape_cast %neg3A_768 : vector<16xf32> to vector<16xf32>
    tpu.vector_store %arg20[%swap3A_769], %swap3A_772 {strides = array<i32>} : memref<512xf32, #tpu.memory_space<vmem>>, vector<16xf32>,
    %get3A_773 = arith.constant 192 : index
    %get3A_774 = tpu.vector_load %arg19[%get3A_773] {strides = array<i32>} : memref<512xf32, #tpu.memory_space<vmem>>, vector<16xf32>,
    %get3A_775 = vector.shape_cast %get3A_774 : vector<16xf32> to vector<16xf32>
    %max3A_776 = arith.constant 1.000000e-30 : f32
    %max3A_777 = vector.broadcast %max3A_776 : f32 to vector<16xf32>
    %max3A_778 = arith.maximumf %get3A_775, %max3A_777 : vector<16xf32>
    %bitcast_convert_type3A_779 = tpu.bitcast %max3A_778 : vector<16xf32> -> vector<16xi32>
    %shift_right_arithmetic3A_780 = arith.constant 1 : i32
    %shift_right_arithmetic3A_781 = vector.broadcast %shift_right_arithmetic3A_780 : i32 to vector<16xi32>
    %shift_right_arithmetic3A_782 = arith.shrsi %bitcast_convert_type3A_779, %shift_right_arithmetic3A_781 : vector<16xi32>
    %sub3A_783 = arith.constant 1597463007 : i32
    %sub3A_784 = vector.broadcast %sub3A_783 : i32 to vector<16xi32>
    %sub3A_785 = arith.subi %sub3A_784, %shift_right_arithmetic3A_782 : vector<16xi32>
    %bitcast_convert_type3A_786 = tpu.bitcast %sub3A_785 : vector<16xi32> -> vector<16xf32>
    %mul3A_787 = arith.constant 5.000000e-01 : f32
    %mul3A_788 = vector.broadcast %mul3A_787 : f32 to vector<16xf32>
    %mul3A_789 = arith.mulf %mul3A_788, %max3A_778 : vector<16xf32>
    %mul3A_790 = arith.mulf %mul3A_789, %bitcast_convert_type3A_786 : vector<16xf32>
    %mul3A_791 = arith.mulf %mul3A_790, %bitcast_convert_type3A_786 : vector<16xf32>
    %sub3A_792 = arith.constant 1.500000e+00 : f32
    %sub3A_793 = vector.broadcast %sub3A_792 : f32 to vector<16xf32>
    %sub3A_794 = arith.subf %sub3A_793, %mul3A_791 : vector<16xf32>
    %mul3A_795 = arith.mulf %bitcast_convert_type3A_786, %sub3A_794 : vector<16xf32>
    %mul3A_796 = arith.mulf %mul3A_789, %mul3A_795 : vector<16xf32>
    %mul3A_797 = arith.mulf %mul3A_796, %mul3A_795 : vector<16xf32>
    %sub3A_798 = arith.constant 1.500000e+00 : f32
    %sub3A_799 = vector.broadcast %sub3A_798 : f32 to vector<16xf32>
    %sub3A_800 = arith.subf %sub3A_799, %mul3A_797 : vector<16xf32>
    %mul3A_801 = arith.mulf %mul3A_795, %sub3A_800 : vector<16xf32>
    %mul3A_802 = arith.mulf %mul3A_789, %mul3A_801 : vector<16xf32>
    %mul3A_803 = arith.mulf %mul3A_802, %mul3A_801 : vector<16xf32>
    %sub3A_804 = arith.constant 1.500000e+00 : f32
    %sub3A_805 = vector.broadcast %sub3A_804 : f32 to vector<16xf32>
    %sub3A_806 = arith.subf %sub3A_805, %mul3A_803 : vector<16xf32>
    %mul3A_807 = arith.mulf %mul3A_801, %sub3A_806 : vector<16xf32>
    %mul3A_808 = arith.mulf %max3A_778, %mul3A_807 : vector<16xf32>
    %neg3A_809 = arith.constant 0.000000e+00 : f32
    %neg3A_810 = vector.broadcast %neg3A_809 : f32 to vector<16xf32>
    %neg3A_811 = arith.subf %neg3A_810, %mul3A_808 : vector<16xf32>
    %swap3A_812 = arith.constant 192 : index
    %swap3A_813 = tpu.vector_load %arg20[%swap3A_812] {strides = array<i32>} : memref<512xf32, #tpu.memory_space<vmem>>, vector<16xf32>,
    %swap3A_814 = vector.shape_cast %swap3A_813 : vector<16xf32> to vector<16xf32>
    %swap3A_815 = vector.shape_cast %neg3A_811 : vector<16xf32> to vector<16xf32>
    tpu.vector_store %arg20[%swap3A_812], %swap3A_815 {strides = array<i32>} : memref<512xf32, #tpu.memory_space<vmem>>, vector<16xf32>,
    %get3A_816 = arith.constant 208 : index
    %get3A_817 = tpu.vector_load %arg19[%get3A_816] {strides = array<i32>} : memref<512xf32, #tpu.memory_space<vmem>>, vector<16xf32>,
    %get3A_818 = vector.shape_cast %get3A_817 : vector<16xf32> to vector<16xf32>
    %max3A_819 = arith.constant 1.000000e-30 : f32
    %max3A_820 = vector.broadcast %max3A_819 : f32 to vector<16xf32>
    %max3A_821 = arith.maximumf %get3A_818, %max3A_820 : vector<16xf32>
    %bitcast_convert_type3A_822 = tpu.bitcast %max3A_821 : vector<16xf32> -> vector<16xi32>
    %shift_right_arithmetic3A_823 = arith.constant 1 : i32
    %shift_right_arithmetic3A_824 = vector.broadcast %shift_right_arithmetic3A_823 : i32 to vector<16xi32>
    %shift_right_arithmetic3A_825 = arith.shrsi %bitcast_convert_type3A_822, %shift_right_arithmetic3A_824 : vector<16xi32>
    %sub3A_826 = arith.constant 1597463007 : i32
    %sub3A_827 = vector.broadcast %sub3A_826 : i32 to vector<16xi32>
    %sub3A_828 = arith.subi %sub3A_827, %shift_right_arithmetic3A_825 : vector<16xi32>
    %bitcast_convert_type3A_829 = tpu.bitcast %sub3A_828 : vector<16xi32> -> vector<16xf32>
    %mul3A_830 = arith.constant 5.000000e-01 : f32
    %mul3A_831 = vector.broadcast %mul3A_830 : f32 to vector<16xf32>
    %mul3A_832 = arith.mulf %mul3A_831, %max3A_821 : vector<16xf32>
    %mul3A_833 = arith.mulf %mul3A_832, %bitcast_convert_type3A_829 : vector<16xf32>
    %mul3A_834 = arith.mulf %mul3A_833, %bitcast_convert_type3A_829 : vector<16xf32>
    %sub3A_835 = arith.constant 1.500000e+00 : f32
    %sub3A_836 = vector.broadcast %sub3A_835 : f32 to vector<16xf32>
    %sub3A_837 = arith.subf %sub3A_836, %mul3A_834 : vector<16xf32>
    %mul3A_838 = arith.mulf %bitcast_convert_type3A_829, %sub3A_837 : vector<16xf32>
    %mul3A_839 = arith.mulf %mul3A_832, %mul3A_838 : vector<16xf32>
    %mul3A_840 = arith.mulf %mul3A_839, %mul3A_838 : vector<16xf32>
    %sub3A_841 = arith.constant 1.500000e+00 : f32
    %sub3A_842 = vector.broadcast %sub3A_841 : f32 to vector<16xf32>
    %sub3A_843 = arith.subf %sub3A_842, %mul3A_840 : vector<16xf32>
    %mul3A_844 = arith.mulf %mul3A_838, %sub3A_843 : vector<16xf32>
    %mul3A_845 = arith.mulf %mul3A_832, %mul3A_844 : vector<16xf32>
    %mul3A_846 = arith.mulf %mul3A_845, %mul3A_844 : vector<16xf32>
    %sub3A_847 = arith.constant 1.500000e+00 : f32
    %sub3A_848 = vector.broadcast %sub3A_847 : f32 to vector<16xf32>
    %sub3A_849 = arith.subf %sub3A_848, %mul3A_846 : vector<16xf32>
    %mul3A_850 = arith.mulf %mul3A_844, %sub3A_849 : vector<16xf32>
    %mul3A_851 = arith.mulf %max3A_821, %mul3A_850 : vector<16xf32>
    %neg3A_852 = arith.constant 0.000000e+00 : f32
    %neg3A_853 = vector.broadcast %neg3A_852 : f32 to vector<16xf32>
    %neg3A_854 = arith.subf %neg3A_853, %mul3A_851 : vector<16xf32>
    %swap3A_855 = arith.constant 208 : index
    %swap3A_856 = tpu.vector_load %arg20[%swap3A_855] {strides = array<i32>} : memref<512xf32, #tpu.memory_space<vmem>>, vector<16xf32>,
    %swap3A_857 = vector.shape_cast %swap3A_856 : vector<16xf32> to vector<16xf32>
    %swap3A_858 = vector.shape_cast %neg3A_854 : vector<16xf32> to vector<16xf32>
    tpu.vector_store %arg20[%swap3A_855], %swap3A_858 {strides = array<i32>} : memref<512xf32, #tpu.memory_space<vmem>>, vector<16xf32>,
    %get3A_859 = arith.constant 224 : index
    %get3A_860 = tpu.vector_load %arg19[%get3A_859] {strides = array<i32>} : memref<512xf32, #tpu.memory_space<vmem>>, vector<16xf32>,
    %get3A_861 = vector.shape_cast %get3A_860 : vector<16xf32> to vector<16xf32>
    %max3A_862 = arith.constant 1.000000e-30 : f32
    %max3A_863 = vector.broadcast %max3A_862 : f32 to vector<16xf32>
    %max3A_864 = arith.maximumf %get3A_861, %max3A_863 : vector<16xf32>
    %bitcast_convert_type3A_865 = tpu.bitcast %max3A_864 : vector<16xf32> -> vector<16xi32>
    %shift_right_arithmetic3A_866 = arith.constant 1 : i32
    %shift_right_arithmetic3A_867 = vector.broadcast %shift_right_arithmetic3A_866 : i32 to vector<16xi32>
    %shift_right_arithmetic3A_868 = arith.shrsi %bitcast_convert_type3A_865, %shift_right_arithmetic3A_867 : vector<16xi32>
    %sub3A_869 = arith.constant 1597463007 : i32
    %sub3A_870 = vector.broadcast %sub3A_869 : i32 to vector<16xi32>
    %sub3A_871 = arith.subi %sub3A_870, %shift_right_arithmetic3A_868 : vector<16xi32>
    %bitcast_convert_type3A_872 = tpu.bitcast %sub3A_871 : vector<16xi32> -> vector<16xf32>
    %mul3A_873 = arith.constant 5.000000e-01 : f32
    %mul3A_874 = vector.broadcast %mul3A_873 : f32 to vector<16xf32>
    %mul3A_875 = arith.mulf %mul3A_874, %max3A_864 : vector<16xf32>
    %mul3A_876 = arith.mulf %mul3A_875, %bitcast_convert_type3A_872 : vector<16xf32>
    %mul3A_877 = arith.mulf %mul3A_876, %bitcast_convert_type3A_872 : vector<16xf32>
    %sub3A_878 = arith.constant 1.500000e+00 : f32
    %sub3A_879 = vector.broadcast %sub3A_878 : f32 to vector<16xf32>
    %sub3A_880 = arith.subf %sub3A_879, %mul3A_877 : vector<16xf32>
    %mul3A_881 = arith.mulf %bitcast_convert_type3A_872, %sub3A_880 : vector<16xf32>
    %mul3A_882 = arith.mulf %mul3A_875, %mul3A_881 : vector<16xf32>
    %mul3A_883 = arith.mulf %mul3A_882, %mul3A_881 : vector<16xf32>
    %sub3A_884 = arith.constant 1.500000e+00 : f32
    %sub3A_885 = vector.broadcast %sub3A_884 : f32 to vector<16xf32>
    %sub3A_886 = arith.subf %sub3A_885, %mul3A_883 : vector<16xf32>
    %mul3A_887 = arith.mulf %mul3A_881, %sub3A_886 : vector<16xf32>
    %mul3A_888 = arith.mulf %mul3A_875, %mul3A_887 : vector<16xf32>
    %mul3A_889 = arith.mulf %mul3A_888, %mul3A_887 : vector<16xf32>
    %sub3A_890 = arith.constant 1.500000e+00 : f32
    %sub3A_891 = vector.broadcast %sub3A_890 : f32 to vector<16xf32>
    %sub3A_892 = arith.subf %sub3A_891, %mul3A_889 : vector<16xf32>
    %mul3A_893 = arith.mulf %mul3A_887, %sub3A_892 : vector<16xf32>
    %mul3A_894 = arith.mulf %max3A_864, %mul3A_893 : vector<16xf32>
    %neg3A_895 = arith.constant 0.000000e+00 : f32
    %neg3A_896 = vector.broadcast %neg3A_895 : f32 to vector<16xf32>
    %neg3A_897 = arith.subf %neg3A_896, %mul3A_894 : vector<16xf32>
    %swap3A_898 = arith.constant 224 : index
    %swap3A_899 = tpu.vector_load %arg20[%swap3A_898] {strides = array<i32>} : memref<512xf32, #tpu.memory_space<vmem>>, vector<16xf32>,
    %swap3A_900 = vector.shape_cast %swap3A_899 : vector<16xf32> to vector<16xf32>
    %swap3A_901 = vector.shape_cast %neg3A_897 : vector<16xf32> to vector<16xf32>
    tpu.vector_store %arg20[%swap3A_898], %swap3A_901 {strides = array<i32>} : memref<512xf32, #tpu.memory_space<vmem>>, vector<16xf32>,
    %get3A_902 = arith.constant 240 : index
    %get3A_903 = tpu.vector_load %arg19[%get3A_902] {strides = array<i32>} : memref<512xf32, #tpu.memory_space<vmem>>, vector<16xf32>,
    %get3A_904 = vector.shape_cast %get3A_903 : vector<16xf32> to vector<16xf32>
    %max3A_905 = arith.constant 1.000000e-30 : f32
    %max3A_906 = vector.broadcast %max3A_905 : f32 to vector<16xf32>
    %max3A_907 = arith.maximumf %get3A_904, %max3A_906 : vector<16xf32>
    %bitcast_convert_type3A_908 = tpu.bitcast %max3A_907 : vector<16xf32> -> vector<16xi32>
    %shift_right_arithmetic3A_909 = arith.constant 1 : i32
    %shift_right_arithmetic3A_910 = vector.broadcast %shift_right_arithmetic3A_909 : i32 to vector<16xi32>
    %shift_right_arithmetic3A_911 = arith.shrsi %bitcast_convert_type3A_908, %shift_right_arithmetic3A_910 : vector<16xi32>
    %sub3A_912 = arith.constant 1597463007 : i32
    %sub3A_913 = vector.broadcast %sub3A_912 : i32 to vector<16xi32>
    %sub3A_914 = arith.subi %sub3A_913, %shift_right_arithmetic3A_911 : vector<16xi32>
    %bitcast_convert_type3A_915 = tpu.bitcast %sub3A_914 : vector<16xi32> -> vector<16xf32>
    %mul3A_916 = arith.constant 5.000000e-01 : f32
    %mul3A_917 = vector.broadcast %mul3A_916 : f32 to vector<16xf32>
    %mul3A_918 = arith.mulf %mul3A_917, %max3A_907 : vector<16xf32>
    %mul3A_919 = arith.mulf %mul3A_918, %bitcast_convert_type3A_915 : vector<16xf32>
    %mul3A_920 = arith.mulf %mul3A_919, %bitcast_convert_type3A_915 : vector<16xf32>
    %sub3A_921 = arith.constant 1.500000e+00 : f32
    %sub3A_922 = vector.broadcast %sub3A_921 : f32 to vector<16xf32>
    %sub3A_923 = arith.subf %sub3A_922, %mul3A_920 : vector<16xf32>
    %mul3A_924 = arith.mulf %bitcast_convert_type3A_915, %sub3A_923 : vector<16xf32>
    %mul3A_925 = arith.mulf %mul3A_918, %mul3A_924 : vector<16xf32>
    %mul3A_926 = arith.mulf %mul3A_925, %mul3A_924 : vector<16xf32>
    %sub3A_927 = arith.constant 1.500000e+00 : f32
    %sub3A_928 = vector.broadcast %sub3A_927 : f32 to vector<16xf32>
    %sub3A_929 = arith.subf %sub3A_928, %mul3A_926 : vector<16xf32>
    %mul3A_930 = arith.mulf %mul3A_924, %sub3A_929 : vector<16xf32>
    %mul3A_931 = arith.mulf %mul3A_918, %mul3A_930 : vector<16xf32>
    %mul3A_932 = arith.mulf %mul3A_931, %mul3A_930 : vector<16xf32>
    %sub3A_933 = arith.constant 1.500000e+00 : f32
    %sub3A_934 = vector.broadcast %sub3A_933 : f32 to vector<16xf32>
    %sub3A_935 = arith.subf %sub3A_934, %mul3A_932 : vector<16xf32>
    %mul3A_936 = arith.mulf %mul3A_930, %sub3A_935 : vector<16xf32>
    %mul3A_937 = arith.mulf %max3A_907, %mul3A_936 : vector<16xf32>
    %neg3A_938 = arith.constant 0.000000e+00 : f32
    %neg3A_939 = vector.broadcast %neg3A_938 : f32 to vector<16xf32>
    %neg3A_940 = arith.subf %neg3A_939, %mul3A_937 : vector<16xf32>
    %swap3A_941 = arith.constant 240 : index
    %swap3A_942 = tpu.vector_load %arg20[%swap3A_941] {strides = array<i32>} : memref<512xf32, #tpu.memory_space<vmem>>, vector<16xf32>,
    %swap3A_943 = vector.shape_cast %swap3A_942 : vector<16xf32> to vector<16xf32>
    %swap3A_944 = vector.shape_cast %neg3A_940 : vector<16xf32> to vector<16xf32>
    tpu.vector_store %arg20[%swap3A_941], %swap3A_944 {strides = array<i32>} : memref<512xf32, #tpu.memory_space<vmem>>, vector<16xf32>,
    %get3A_945 = arith.constant 256 : index
    %get3A_946 = tpu.vector_load %arg19[%get3A_945] {strides = array<i32>} : memref<512xf32, #tpu.memory_space<vmem>>, vector<16xf32>,
    %get3A_947 = vector.shape_cast %get3A_946 : vector<16xf32> to vector<16xf32>
    %max3A_948 = arith.constant 1.000000e-30 : f32
    %max3A_949 = vector.broadcast %max3A_948 : f32 to vector<16xf32>
    %max3A_950 = arith.maximumf %get3A_947, %max3A_949 : vector<16xf32>
    %bitcast_convert_type3A_951 = tpu.bitcast %max3A_950 : vector<16xf32> -> vector<16xi32>
    %shift_right_arithmetic3A_952 = arith.constant 1 : i32
    %shift_right_arithmetic3A_953 = vector.broadcast %shift_right_arithmetic3A_952 : i32 to vector<16xi32>
    %shift_right_arithmetic3A_954 = arith.shrsi %bitcast_convert_type3A_951, %shift_right_arithmetic3A_953 : vector<16xi32>
    %sub3A_955 = arith.constant 1597463007 : i32
    %sub3A_956 = vector.broadcast %sub3A_955 : i32 to vector<16xi32>
    %sub3A_957 = arith.subi %sub3A_956, %shift_right_arithmetic3A_954 : vector<16xi32>
    %bitcast_convert_type3A_958 = tpu.bitcast %sub3A_957 : vector<16xi32> -> vector<16xf32>
    %mul3A_959 = arith.constant 5.000000e-01 : f32
    %mul3A_960 = vector.broadcast %mul3A_959 : f32 to vector<16xf32>
    %mul3A_961 = arith.mulf %mul3A_960, %max3A_950 : vector<16xf32>
    %mul3A_962 = arith.mulf %mul3A_961, %bitcast_convert_type3A_958 : vector<16xf32>
    %mul3A_963 = arith.mulf %mul3A_962, %bitcast_convert_type3A_958 : vector<16xf32>
    %sub3A_964 = arith.constant 1.500000e+00 : f32
    %sub3A_965 = vector.broadcast %sub3A_964 : f32 to vector<16xf32>
    %sub3A_966 = arith.subf %sub3A_965, %mul3A_963 : vector<16xf32>
    %mul3A_967 = arith.mulf %bitcast_convert_type3A_958, %sub3A_966 : vector<16xf32>
    %mul3A_968 = arith.mulf %mul3A_961, %mul3A_967 : vector<16xf32>
    %mul3A_969 = arith.mulf %mul3A_968, %mul3A_967 : vector<16xf32>
    %sub3A_970 = arith.constant 1.500000e+00 : f32
    %sub3A_971 = vector.broadcast %sub3A_970 : f32 to vector<16xf32>
    %sub3A_972 = arith.subf %sub3A_971, %mul3A_969 : vector<16xf32>
    %mul3A_973 = arith.mulf %mul3A_967, %sub3A_972 : vector<16xf32>
    %mul3A_974 = arith.mulf %mul3A_961, %mul3A_973 : vector<16xf32>
    %mul3A_975 = arith.mulf %mul3A_974, %mul3A_973 : vector<16xf32>
    %sub3A_976 = arith.constant 1.500000e+00 : f32
    %sub3A_977 = vector.broadcast %sub3A_976 : f32 to vector<16xf32>
    %sub3A_978 = arith.subf %sub3A_977, %mul3A_975 : vector<16xf32>
    %mul3A_979 = arith.mulf %mul3A_973, %sub3A_978 : vector<16xf32>
    %mul3A_980 = arith.mulf %max3A_950, %mul3A_979 : vector<16xf32>
    %neg3A_981 = arith.constant 0.000000e+00 : f32
    %neg3A_982 = vector.broadcast %neg3A_981 : f32 to vector<16xf32>
    %neg3A_983 = arith.subf %neg3A_982, %mul3A_980 : vector<16xf32>
    %swap3A_984 = arith.constant 256 : index
    %swap3A_985 = tpu.vector_load %arg20[%swap3A_984] {strides = array<i32>} : memref<512xf32, #tpu.memory_space<vmem>>, vector<16xf32>,
    %swap3A_986 = vector.shape_cast %swap3A_985 : vector<16xf32> to vector<16xf32>
    %swap3A_987 = vector.shape_cast %neg3A_983 : vector<16xf32> to vector<16xf32>
    tpu.vector_store %arg20[%swap3A_984], %swap3A_987 {strides = array<i32>} : memref<512xf32, #tpu.memory_space<vmem>>, vector<16xf32>,
    %get3A_988 = arith.constant 272 : index
    %get3A_989 = tpu.vector_load %arg19[%get3A_988] {strides = array<i32>} : memref<512xf32, #tpu.memory_space<vmem>>, vector<16xf32>,
    %get3A_990 = vector.shape_cast %get3A_989 : vector<16xf32> to vector<16xf32>
    %max3A_991 = arith.constant 1.000000e-30 : f32
    %max3A_992 = vector.broadcast %max3A_991 : f32 to vector<16xf32>
    %max3A_993 = arith.maximumf %get3A_990, %max3A_992 : vector<16xf32>
    %bitcast_convert_type3A_994 = tpu.bitcast %max3A_993 : vector<16xf32> -> vector<16xi32>
    %shift_right_arithmetic3A_995 = arith.constant 1 : i32
    %shift_right_arithmetic3A_996 = vector.broadcast %shift_right_arithmetic3A_995 : i32 to vector<16xi32>
    %shift_right_arithmetic3A_997 = arith.shrsi %bitcast_convert_type3A_994, %shift_right_arithmetic3A_996 : vector<16xi32>
    %sub3A_998 = arith.constant 1597463007 : i32
    %sub3A_999 = vector.broadcast %sub3A_998 : i32 to vector<16xi32>
    %sub3A_1000 = arith.subi %sub3A_999, %shift_right_arithmetic3A_997 : vector<16xi32>
    %bitcast_convert_type3A_1001 = tpu.bitcast %sub3A_1000 : vector<16xi32> -> vector<16xf32>
    %mul3A_1002 = arith.constant 5.000000e-01 : f32
    %mul3A_1003 = vector.broadcast %mul3A_1002 : f32 to vector<16xf32>
    %mul3A_1004 = arith.mulf %mul3A_1003, %max3A_993 : vector<16xf32>
    %mul3A_1005 = arith.mulf %mul3A_1004, %bitcast_convert_type3A_1001 : vector<16xf32>
    %mul3A_1006 = arith.mulf %mul3A_1005, %bitcast_convert_type3A_1001 : vector<16xf32>
    %sub3A_1007 = arith.constant 1.500000e+00 : f32
    %sub3A_1008 = vector.broadcast %sub3A_1007 : f32 to vector<16xf32>
    %sub3A_1009 = arith.subf %sub3A_1008, %mul3A_1006 : vector<16xf32>
    %mul3A_1010 = arith.mulf %bitcast_convert_type3A_1001, %sub3A_1009 : vector<16xf32>
    %mul3A_1011 = arith.mulf %mul3A_1004, %mul3A_1010 : vector<16xf32>
    %mul3A_1012 = arith.mulf %mul3A_1011, %mul3A_1010 : vector<16xf32>
    %sub3A_1013 = arith.constant 1.500000e+00 : f32
    %sub3A_1014 = vector.broadcast %sub3A_1013 : f32 to vector<16xf32>
    %sub3A_1015 = arith.subf %sub3A_1014, %mul3A_1012 : vector<16xf32>
    %mul3A_1016 = arith.mulf %mul3A_1010, %sub3A_1015 : vector<16xf32>
    %mul3A_1017 = arith.mulf %mul3A_1004, %mul3A_1016 : vector<16xf32>
    %mul3A_1018 = arith.mulf %mul3A_1017, %mul3A_1016 : vector<16xf32>
    %sub3A_1019 = arith.constant 1.500000e+00 : f32
    %sub3A_1020 = vector.broadcast %sub3A_1019 : f32 to vector<16xf32>
    %sub3A_1021 = arith.subf %sub3A_1020, %mul3A_1018 : vector<16xf32>
    %mul3A_1022 = arith.mulf %mul3A_1016, %sub3A_1021 : vector<16xf32>
    %mul3A_1023 = arith.mulf %max3A_993, %mul3A_1022 : vector<16xf32>
    %neg3A_1024 = arith.constant 0.000000e+00 : f32
    %neg3A_1025 = vector.broadcast %neg3A_1024 : f32 to vector<16xf32>
    %neg3A_1026 = arith.subf %neg3A_1025, %mul3A_1023 : vector<16xf32>
    %swap3A_1027 = arith.constant 272 : index
    %swap3A_1028 = tpu.vector_load %arg20[%swap3A_1027] {strides = array<i32>} : memref<512xf32, #tpu.memory_space<vmem>>, vector<16xf32>,
    %swap3A_1029 = vector.shape_cast %swap3A_1028 : vector<16xf32> to vector<16xf32>
    %swap3A_1030 = vector.shape_cast %neg3A_1026 : vector<16xf32> to vector<16xf32>
    tpu.vector_store %arg20[%swap3A_1027], %swap3A_1030 {strides = array<i32>} : memref<512xf32, #tpu.memory_space<vmem>>, vector<16xf32>,
    %get3A_1031 = arith.constant 288 : index
    %get3A_1032 = tpu.vector_load %arg19[%get3A_1031] {strides = array<i32>} : memref<512xf32, #tpu.memory_space<vmem>>, vector<16xf32>,
    %get3A_1033 = vector.shape_cast %get3A_1032 : vector<16xf32> to vector<16xf32>
    %max3A_1034 = arith.constant 1.000000e-30 : f32
    %max3A_1035 = vector.broadcast %max3A_1034 : f32 to vector<16xf32>
    %max3A_1036 = arith.maximumf %get3A_1033, %max3A_1035 : vector<16xf32>
    %bitcast_convert_type3A_1037 = tpu.bitcast %max3A_1036 : vector<16xf32> -> vector<16xi32>
    %shift_right_arithmetic3A_1038 = arith.constant 1 : i32
    %shift_right_arithmetic3A_1039 = vector.broadcast %shift_right_arithmetic3A_1038 : i32 to vector<16xi32>
    %shift_right_arithmetic3A_1040 = arith.shrsi %bitcast_convert_type3A_1037, %shift_right_arithmetic3A_1039 : vector<16xi32>
    %sub3A_1041 = arith.constant 1597463007 : i32
    %sub3A_1042 = vector.broadcast %sub3A_1041 : i32 to vector<16xi32>
    %sub3A_1043 = arith.subi %sub3A_1042, %shift_right_arithmetic3A_1040 : vector<16xi32>
    %bitcast_convert_type3A_1044 = tpu.bitcast %sub3A_1043 : vector<16xi32> -> vector<16xf32>
    %mul3A_1045 = arith.constant 5.000000e-01 : f32
    %mul3A_1046 = vector.broadcast %mul3A_1045 : f32 to vector<16xf32>
    %mul3A_1047 = arith.mulf %mul3A_1046, %max3A_1036 : vector<16xf32>
    %mul3A_1048 = arith.mulf %mul3A_1047, %bitcast_convert_type3A_1044 : vector<16xf32>
    %mul3A_1049 = arith.mulf %mul3A_1048, %bitcast_convert_type3A_1044 : vector<16xf32>
    %sub3A_1050 = arith.constant 1.500000e+00 : f32
    %sub3A_1051 = vector.broadcast %sub3A_1050 : f32 to vector<16xf32>
    %sub3A_1052 = arith.subf %sub3A_1051, %mul3A_1049 : vector<16xf32>
    %mul3A_1053 = arith.mulf %bitcast_convert_type3A_1044, %sub3A_1052 : vector<16xf32>
    %mul3A_1054 = arith.mulf %mul3A_1047, %mul3A_1053 : vector<16xf32>
    %mul3A_1055 = arith.mulf %mul3A_1054, %mul3A_1053 : vector<16xf32>
    %sub3A_1056 = arith.constant 1.500000e+00 : f32
    %sub3A_1057 = vector.broadcast %sub3A_1056 : f32 to vector<16xf32>
    %sub3A_1058 = arith.subf %sub3A_1057, %mul3A_1055 : vector<16xf32>
    %mul3A_1059 = arith.mulf %mul3A_1053, %sub3A_1058 : vector<16xf32>
    %mul3A_1060 = arith.mulf %mul3A_1047, %mul3A_1059 : vector<16xf32>
    %mul3A_1061 = arith.mulf %mul3A_1060, %mul3A_1059 : vector<16xf32>
    %sub3A_1062 = arith.constant 1.500000e+00 : f32
    %sub3A_1063 = vector.broadcast %sub3A_1062 : f32 to vector<16xf32>
    %sub3A_1064 = arith.subf %sub3A_1063, %mul3A_1061 : vector<16xf32>
    %mul3A_1065 = arith.mulf %mul3A_1059, %sub3A_1064 : vector<16xf32>
    %mul3A_1066 = arith.mulf %max3A_1036, %mul3A_1065 : vector<16xf32>
    %neg3A_1067 = arith.constant 0.000000e+00 : f32
    %neg3A_1068 = vector.broadcast %neg3A_1067 : f32 to vector<16xf32>
    %neg3A_1069 = arith.subf %neg3A_1068, %mul3A_1066 : vector<16xf32>
    %swap3A_1070 = arith.constant 288 : index
    %swap3A_1071 = tpu.vector_load %arg20[%swap3A_1070] {strides = array<i32>} : memref<512xf32, #tpu.memory_space<vmem>>, vector<16xf32>,
    %swap3A_1072 = vector.shape_cast %swap3A_1071 : vector<16xf32> to vector<16xf32>
    %swap3A_1073 = vector.shape_cast %neg3A_1069 : vector<16xf32> to vector<16xf32>
    tpu.vector_store %arg20[%swap3A_1070], %swap3A_1073 {strides = array<i32>} : memref<512xf32, #tpu.memory_space<vmem>>, vector<16xf32>,
    %get3A_1074 = arith.constant 304 : index
    %get3A_1075 = tpu.vector_load %arg19[%get3A_1074] {strides = array<i32>} : memref<512xf32, #tpu.memory_space<vmem>>, vector<16xf32>,
    %get3A_1076 = vector.shape_cast %get3A_1075 : vector<16xf32> to vector<16xf32>
    %max3A_1077 = arith.constant 1.000000e-30 : f32
    %max3A_1078 = vector.broadcast %max3A_1077 : f32 to vector<16xf32>
    %max3A_1079 = arith.maximumf %get3A_1076, %max3A_1078 : vector<16xf32>
    %bitcast_convert_type3A_1080 = tpu.bitcast %max3A_1079 : vector<16xf32> -> vector<16xi32>
    %shift_right_arithmetic3A_1081 = arith.constant 1 : i32
    %shift_right_arithmetic3A_1082 = vector.broadcast %shift_right_arithmetic3A_1081 : i32 to vector<16xi32>
    %shift_right_arithmetic3A_1083 = arith.shrsi %bitcast_convert_type3A_1080, %shift_right_arithmetic3A_1082 : vector<16xi32>
    %sub3A_1084 = arith.constant 1597463007 : i32
    %sub3A_1085 = vector.broadcast %sub3A_1084 : i32 to vector<16xi32>
    %sub3A_1086 = arith.subi %sub3A_1085, %shift_right_arithmetic3A_1083 : vector<16xi32>
    %bitcast_convert_type3A_1087 = tpu.bitcast %sub3A_1086 : vector<16xi32> -> vector<16xf32>
    %mul3A_1088 = arith.constant 5.000000e-01 : f32
    %mul3A_1089 = vector.broadcast %mul3A_1088 : f32 to vector<16xf32>
    %mul3A_1090 = arith.mulf %mul3A_1089, %max3A_1079 : vector<16xf32>
    %mul3A_1091 = arith.mulf %mul3A_1090, %bitcast_convert_type3A_1087 : vector<16xf32>
    %mul3A_1092 = arith.mulf %mul3A_1091, %bitcast_convert_type3A_1087 : vector<16xf32>
    %sub3A_1093 = arith.constant 1.500000e+00 : f32
    %sub3A_1094 = vector.broadcast %sub3A_1093 : f32 to vector<16xf32>
    %sub3A_1095 = arith.subf %sub3A_1094, %mul3A_1092 : vector<16xf32>
    %mul3A_1096 = arith.mulf %bitcast_convert_type3A_1087, %sub3A_1095 : vector<16xf32>
    %mul3A_1097 = arith.mulf %mul3A_1090, %mul3A_1096 : vector<16xf32>
    %mul3A_1098 = arith.mulf %mul3A_1097, %mul3A_1096 : vector<16xf32>
    %sub3A_1099 = arith.constant 1.500000e+00 : f32
    %sub3A_1100 = vector.broadcast %sub3A_1099 : f32 to vector<16xf32>
    %sub3A_1101 = arith.subf %sub3A_1100, %mul3A_1098 : vector<16xf32>
    %mul3A_1102 = arith.mulf %mul3A_1096, %sub3A_1101 : vector<16xf32>
    %mul3A_1103 = arith.mulf %mul3A_1090, %mul3A_1102 : vector<16xf32>
    %mul3A_1104 = arith.mulf %mul3A_1103, %mul3A_1102 : vector<16xf32>
    %sub3A_1105 = arith.constant 1.500000e+00 : f32
    %sub3A_1106 = vector.broadcast %sub3A_1105 : f32 to vector<16xf32>
    %sub3A_1107 = arith.subf %sub3A_1106, %mul3A_1104 : vector<16xf32>
    %mul3A_1108 = arith.mulf %mul3A_1102, %sub3A_1107 : vector<16xf32>
    %mul3A_1109 = arith.mulf %max3A_1079, %mul3A_1108 : vector<16xf32>
    %neg3A_1110 = arith.constant 0.000000e+00 : f32
    %neg3A_1111 = vector.broadcast %neg3A_1110 : f32 to vector<16xf32>
    %neg3A_1112 = arith.subf %neg3A_1111, %mul3A_1109 : vector<16xf32>
    %swap3A_1113 = arith.constant 304 : index
    %swap3A_1114 = tpu.vector_load %arg20[%swap3A_1113] {strides = array<i32>} : memref<512xf32, #tpu.memory_space<vmem>>, vector<16xf32>,
    %swap3A_1115 = vector.shape_cast %swap3A_1114 : vector<16xf32> to vector<16xf32>
    %swap3A_1116 = vector.shape_cast %neg3A_1112 : vector<16xf32> to vector<16xf32>
    tpu.vector_store %arg20[%swap3A_1113], %swap3A_1116 {strides = array<i32>} : memref<512xf32, #tpu.memory_space<vmem>>, vector<16xf32>,
    %get3A_1117 = arith.constant 320 : index
    %get3A_1118 = tpu.vector_load %arg19[%get3A_1117] {strides = array<i32>} : memref<512xf32, #tpu.memory_space<vmem>>, vector<16xf32>,
    %get3A_1119 = vector.shape_cast %get3A_1118 : vector<16xf32> to vector<16xf32>
    %max3A_1120 = arith.constant 1.000000e-30 : f32
    %max3A_1121 = vector.broadcast %max3A_1120 : f32 to vector<16xf32>
    %max3A_1122 = arith.maximumf %get3A_1119, %max3A_1121 : vector<16xf32>
    %bitcast_convert_type3A_1123 = tpu.bitcast %max3A_1122 : vector<16xf32> -> vector<16xi32>
    %shift_right_arithmetic3A_1124 = arith.constant 1 : i32
    %shift_right_arithmetic3A_1125 = vector.broadcast %shift_right_arithmetic3A_1124 : i32 to vector<16xi32>
    %shift_right_arithmetic3A_1126 = arith.shrsi %bitcast_convert_type3A_1123, %shift_right_arithmetic3A_1125 : vector<16xi32>
    %sub3A_1127 = arith.constant 1597463007 : i32
    %sub3A_1128 = vector.broadcast %sub3A_1127 : i32 to vector<16xi32>
    %sub3A_1129 = arith.subi %sub3A_1128, %shift_right_arithmetic3A_1126 : vector<16xi32>
    %bitcast_convert_type3A_1130 = tpu.bitcast %sub3A_1129 : vector<16xi32> -> vector<16xf32>
    %mul3A_1131 = arith.constant 5.000000e-01 : f32
    %mul3A_1132 = vector.broadcast %mul3A_1131 : f32 to vector<16xf32>
    %mul3A_1133 = arith.mulf %mul3A_1132, %max3A_1122 : vector<16xf32>
    %mul3A_1134 = arith.mulf %mul3A_1133, %bitcast_convert_type3A_1130 : vector<16xf32>
    %mul3A_1135 = arith.mulf %mul3A_1134, %bitcast_convert_type3A_1130 : vector<16xf32>
    %sub3A_1136 = arith.constant 1.500000e+00 : f32
    %sub3A_1137 = vector.broadcast %sub3A_1136 : f32 to vector<16xf32>
    %sub3A_1138 = arith.subf %sub3A_1137, %mul3A_1135 : vector<16xf32>
    %mul3A_1139 = arith.mulf %bitcast_convert_type3A_1130, %sub3A_1138 : vector<16xf32>
    %mul3A_1140 = arith.mulf %mul3A_1133, %mul3A_1139 : vector<16xf32>
    %mul3A_1141 = arith.mulf %mul3A_1140, %mul3A_1139 : vector<16xf32>
    %sub3A_1142 = arith.constant 1.500000e+00 : f32
    %sub3A_1143 = vector.broadcast %sub3A_1142 : f32 to vector<16xf32>
    %sub3A_1144 = arith.subf %sub3A_1143, %mul3A_1141 : vector<16xf32>
    %mul3A_1145 = arith.mulf %mul3A_1139, %sub3A_1144 : vector<16xf32>
    %mul3A_1146 = arith.mulf %mul3A_1133, %mul3A_1145 : vector<16xf32>
    %mul3A_1147 = arith.mulf %mul3A_1146, %mul3A_1145 : vector<16xf32>
    %sub3A_1148 = arith.constant 1.500000e+00 : f32
    %sub3A_1149 = vector.broadcast %sub3A_1148 : f32 to vector<16xf32>
    %sub3A_1150 = arith.subf %sub3A_1149, %mul3A_1147 : vector<16xf32>
    %mul3A_1151 = arith.mulf %mul3A_1145, %sub3A_1150 : vector<16xf32>
    %mul3A_1152 = arith.mulf %max3A_1122, %mul3A_1151 : vector<16xf32>
    %neg3A_1153 = arith.constant 0.000000e+00 : f32
    %neg3A_1154 = vector.broadcast %neg3A_1153 : f32 to vector<16xf32>
    %neg3A_1155 = arith.subf %neg3A_1154, %mul3A_1152 : vector<16xf32>
    %swap3A_1156 = arith.constant 320 : index
    %swap3A_1157 = tpu.vector_load %arg20[%swap3A_1156] {strides = array<i32>} : memref<512xf32, #tpu.memory_space<vmem>>, vector<16xf32>,
    %swap3A_1158 = vector.shape_cast %swap3A_1157 : vector<16xf32> to vector<16xf32>
    %swap3A_1159 = vector.shape_cast %neg3A_1155 : vector<16xf32> to vector<16xf32>
    tpu.vector_store %arg20[%swap3A_1156], %swap3A_1159 {strides = array<i32>} : memref<512xf32, #tpu.memory_space<vmem>>, vector<16xf32>,
    %get3A_1160 = arith.constant 336 : index
    %get3A_1161 = tpu.vector_load %arg19[%get3A_1160] {strides = array<i32>} : memref<512xf32, #tpu.memory_space<vmem>>, vector<16xf32>,
    %get3A_1162 = vector.shape_cast %get3A_1161 : vector<16xf32> to vector<16xf32>
    %max3A_1163 = arith.constant 1.000000e-30 : f32
    %max3A_1164 = vector.broadcast %max3A_1163 : f32 to vector<16xf32>
    %max3A_1165 = arith.maximumf %get3A_1162, %max3A_1164 : vector<16xf32>
    %bitcast_convert_type3A_1166 = tpu.bitcast %max3A_1165 : vector<16xf32> -> vector<16xi32>
    %shift_right_arithmetic3A_1167 = arith.constant 1 : i32
    %shift_right_arithmetic3A_1168 = vector.broadcast %shift_right_arithmetic3A_1167 : i32 to vector<16xi32>
    %shift_right_arithmetic3A_1169 = arith.shrsi %bitcast_convert_type3A_1166, %shift_right_arithmetic3A_1168 : vector<16xi32>
    %sub3A_1170 = arith.constant 1597463007 : i32
    %sub3A_1171 = vector.broadcast %sub3A_1170 : i32 to vector<16xi32>
    %sub3A_1172 = arith.subi %sub3A_1171, %shift_right_arithmetic3A_1169 : vector<16xi32>
    %bitcast_convert_type3A_1173 = tpu.bitcast %sub3A_1172 : vector<16xi32> -> vector<16xf32>
    %mul3A_1174 = arith.constant 5.000000e-01 : f32
    %mul3A_1175 = vector.broadcast %mul3A_1174 : f32 to vector<16xf32>
    %mul3A_1176 = arith.mulf %mul3A_1175, %max3A_1165 : vector<16xf32>
    %mul3A_1177 = arith.mulf %mul3A_1176, %bitcast_convert_type3A_1173 : vector<16xf32>
    %mul3A_1178 = arith.mulf %mul3A_1177, %bitcast_convert_type3A_1173 : vector<16xf32>
    %sub3A_1179 = arith.constant 1.500000e+00 : f32
    %sub3A_1180 = vector.broadcast %sub3A_1179 : f32 to vector<16xf32>
    %sub3A_1181 = arith.subf %sub3A_1180, %mul3A_1178 : vector<16xf32>
    %mul3A_1182 = arith.mulf %bitcast_convert_type3A_1173, %sub3A_1181 : vector<16xf32>
    %mul3A_1183 = arith.mulf %mul3A_1176, %mul3A_1182 : vector<16xf32>
    %mul3A_1184 = arith.mulf %mul3A_1183, %mul3A_1182 : vector<16xf32>
    %sub3A_1185 = arith.constant 1.500000e+00 : f32
    %sub3A_1186 = vector.broadcast %sub3A_1185 : f32 to vector<16xf32>
    %sub3A_1187 = arith.subf %sub3A_1186, %mul3A_1184 : vector<16xf32>
    %mul3A_1188 = arith.mulf %mul3A_1182, %sub3A_1187 : vector<16xf32>
    %mul3A_1189 = arith.mulf %mul3A_1176, %mul3A_1188 : vector<16xf32>
    %mul3A_1190 = arith.mulf %mul3A_1189, %mul3A_1188 : vector<16xf32>
    %sub3A_1191 = arith.constant 1.500000e+00 : f32
    %sub3A_1192 = vector.broadcast %sub3A_1191 : f32 to vector<16xf32>
    %sub3A_1193 = arith.subf %sub3A_1192, %mul3A_1190 : vector<16xf32>
    %mul3A_1194 = arith.mulf %mul3A_1188, %sub3A_1193 : vector<16xf32>
    %mul3A_1195 = arith.mulf %max3A_1165, %mul3A_1194 : vector<16xf32>
    %neg3A_1196 = arith.constant 0.000000e+00 : f32
    %neg3A_1197 = vector.broadcast %neg3A_1196 : f32 to vector<16xf32>
    %neg3A_1198 = arith.subf %neg3A_1197, %mul3A_1195 : vector<16xf32>
    %swap3A_1199 = arith.constant 336 : index
    %swap3A_1200 = tpu.vector_load %arg20[%swap3A_1199] {strides = array<i32>} : memref<512xf32, #tpu.memory_space<vmem>>, vector<16xf32>,
    %swap3A_1201 = vector.shape_cast %swap3A_1200 : vector<16xf32> to vector<16xf32>
    %swap3A_1202 = vector.shape_cast %neg3A_1198 : vector<16xf32> to vector<16xf32>
    tpu.vector_store %arg20[%swap3A_1199], %swap3A_1202 {strides = array<i32>} : memref<512xf32, #tpu.memory_space<vmem>>, vector<16xf32>,
    %get3A_1203 = arith.constant 352 : index
    %get3A_1204 = tpu.vector_load %arg19[%get3A_1203] {strides = array<i32>} : memref<512xf32, #tpu.memory_space<vmem>>, vector<16xf32>,
    %get3A_1205 = vector.shape_cast %get3A_1204 : vector<16xf32> to vector<16xf32>
    %max3A_1206 = arith.constant 1.000000e-30 : f32
    %max3A_1207 = vector.broadcast %max3A_1206 : f32 to vector<16xf32>
    %max3A_1208 = arith.maximumf %get3A_1205, %max3A_1207 : vector<16xf32>
    %bitcast_convert_type3A_1209 = tpu.bitcast %max3A_1208 : vector<16xf32> -> vector<16xi32>
    %shift_right_arithmetic3A_1210 = arith.constant 1 : i32
    %shift_right_arithmetic3A_1211 = vector.broadcast %shift_right_arithmetic3A_1210 : i32 to vector<16xi32>
    %shift_right_arithmetic3A_1212 = arith.shrsi %bitcast_convert_type3A_1209, %shift_right_arithmetic3A_1211 : vector<16xi32>
    %sub3A_1213 = arith.constant 1597463007 : i32
    %sub3A_1214 = vector.broadcast %sub3A_1213 : i32 to vector<16xi32>
    %sub3A_1215 = arith.subi %sub3A_1214, %shift_right_arithmetic3A_1212 : vector<16xi32>
    %bitcast_convert_type3A_1216 = tpu.bitcast %sub3A_1215 : vector<16xi32> -> vector<16xf32>
    %mul3A_1217 = arith.constant 5.000000e-01 : f32
    %mul3A_1218 = vector.broadcast %mul3A_1217 : f32 to vector<16xf32>
    %mul3A_1219 = arith.mulf %mul3A_1218, %max3A_1208 : vector<16xf32>
    %mul3A_1220 = arith.mulf %mul3A_1219, %bitcast_convert_type3A_1216 : vector<16xf32>
    %mul3A_1221 = arith.mulf %mul3A_1220, %bitcast_convert_type3A_1216 : vector<16xf32>
    %sub3A_1222 = arith.constant 1.500000e+00 : f32
    %sub3A_1223 = vector.broadcast %sub3A_1222 : f32 to vector<16xf32>
    %sub3A_1224 = arith.subf %sub3A_1223, %mul3A_1221 : vector<16xf32>
    %mul3A_1225 = arith.mulf %bitcast_convert_type3A_1216, %sub3A_1224 : vector<16xf32>
    %mul3A_1226 = arith.mulf %mul3A_1219, %mul3A_1225 : vector<16xf32>
    %mul3A_1227 = arith.mulf %mul3A_1226, %mul3A_1225 : vector<16xf32>
    %sub3A_1228 = arith.constant 1.500000e+00 : f32
    %sub3A_1229 = vector.broadcast %sub3A_1228 : f32 to vector<16xf32>
    %sub3A_1230 = arith.subf %sub3A_1229, %mul3A_1227 : vector<16xf32>
    %mul3A_1231 = arith.mulf %mul3A_1225, %sub3A_1230 : vector<16xf32>
    %mul3A_1232 = arith.mulf %mul3A_1219, %mul3A_1231 : vector<16xf32>
    %mul3A_1233 = arith.mulf %mul3A_1232, %mul3A_1231 : vector<16xf32>
    %sub3A_1234 = arith.constant 1.500000e+00 : f32
    %sub3A_1235 = vector.broadcast %sub3A_1234 : f32 to vector<16xf32>
    %sub3A_1236 = arith.subf %sub3A_1235, %mul3A_1233 : vector<16xf32>
    %mul3A_1237 = arith.mulf %mul3A_1231, %sub3A_1236 : vector<16xf32>
    %mul3A_1238 = arith.mulf %max3A_1208, %mul3A_1237 : vector<16xf32>
    %neg3A_1239 = arith.constant 0.000000e+00 : f32
    %neg3A_1240 = vector.broadcast %neg3A_1239 : f32 to vector<16xf32>
    %neg3A_1241 = arith.subf %neg3A_1240, %mul3A_1238 : vector<16xf32>
    %swap3A_1242 = arith.constant 352 : index
    %swap3A_1243 = tpu.vector_load %arg20[%swap3A_1242] {strides = array<i32>} : memref<512xf32, #tpu.memory_space<vmem>>, vector<16xf32>,
    %swap3A_1244 = vector.shape_cast %swap3A_1243 : vector<16xf32> to vector<16xf32>
    %swap3A_1245 = vector.shape_cast %neg3A_1241 : vector<16xf32> to vector<16xf32>
    tpu.vector_store %arg20[%swap3A_1242], %swap3A_1245 {strides = array<i32>} : memref<512xf32, #tpu.memory_space<vmem>>, vector<16xf32>,
    %get3A_1246 = arith.constant 368 : index
    %get3A_1247 = tpu.vector_load %arg19[%get3A_1246] {strides = array<i32>} : memref<512xf32, #tpu.memory_space<vmem>>, vector<16xf32>,
    %get3A_1248 = vector.shape_cast %get3A_1247 : vector<16xf32> to vector<16xf32>
    %max3A_1249 = arith.constant 1.000000e-30 : f32
    %max3A_1250 = vector.broadcast %max3A_1249 : f32 to vector<16xf32>
    %max3A_1251 = arith.maximumf %get3A_1248, %max3A_1250 : vector<16xf32>
    %bitcast_convert_type3A_1252 = tpu.bitcast %max3A_1251 : vector<16xf32> -> vector<16xi32>
    %shift_right_arithmetic3A_1253 = arith.constant 1 : i32
    %shift_right_arithmetic3A_1254 = vector.broadcast %shift_right_arithmetic3A_1253 : i32 to vector<16xi32>
    %shift_right_arithmetic3A_1255 = arith.shrsi %bitcast_convert_type3A_1252, %shift_right_arithmetic3A_1254 : vector<16xi32>
    %sub3A_1256 = arith.constant 1597463007 : i32
    %sub3A_1257 = vector.broadcast %sub3A_1256 : i32 to vector<16xi32>
    %sub3A_1258 = arith.subi %sub3A_1257, %shift_right_arithmetic3A_1255 : vector<16xi32>
    %bitcast_convert_type3A_1259 = tpu.bitcast %sub3A_1258 : vector<16xi32> -> vector<16xf32>
    %mul3A_1260 = arith.constant 5.000000e-01 : f32
    %mul3A_1261 = vector.broadcast %mul3A_1260 : f32 to vector<16xf32>
    %mul3A_1262 = arith.mulf %mul3A_1261, %max3A_1251 : vector<16xf32>
    %mul3A_1263 = arith.mulf %mul3A_1262, %bitcast_convert_type3A_1259 : vector<16xf32>
    %mul3A_1264 = arith.mulf %mul3A_1263, %bitcast_convert_type3A_1259 : vector<16xf32>
    %sub3A_1265 = arith.constant 1.500000e+00 : f32
    %sub3A_1266 = vector.broadcast %sub3A_1265 : f32 to vector<16xf32>
    %sub3A_1267 = arith.subf %sub3A_1266, %mul3A_1264 : vector<16xf32>
    %mul3A_1268 = arith.mulf %bitcast_convert_type3A_1259, %sub3A_1267 : vector<16xf32>
    %mul3A_1269 = arith.mulf %mul3A_1262, %mul3A_1268 : vector<16xf32>
    %mul3A_1270 = arith.mulf %mul3A_1269, %mul3A_1268 : vector<16xf32>
    %sub3A_1271 = arith.constant 1.500000e+00 : f32
    %sub3A_1272 = vector.broadcast %sub3A_1271 : f32 to vector<16xf32>
    %sub3A_1273 = arith.subf %sub3A_1272, %mul3A_1270 : vector<16xf32>
    %mul3A_1274 = arith.mulf %mul3A_1268, %sub3A_1273 : vector<16xf32>
    %mul3A_1275 = arith.mulf %mul3A_1262, %mul3A_1274 : vector<16xf32>
    %mul3A_1276 = arith.mulf %mul3A_1275, %mul3A_1274 : vector<16xf32>
    %sub3A_1277 = arith.constant 1.500000e+00 : f32
    %sub3A_1278 = vector.broadcast %sub3A_1277 : f32 to vector<16xf32>
    %sub3A_1279 = arith.subf %sub3A_1278, %mul3A_1276 : vector<16xf32>
    %mul3A_1280 = arith.mulf %mul3A_1274, %sub3A_1279 : vector<16xf32>
    %mul3A_1281 = arith.mulf %max3A_1251, %mul3A_1280 : vector<16xf32>
    %neg3A_1282 = arith.constant 0.000000e+00 : f32
    %neg3A_1283 = vector.broadcast %neg3A_1282 : f32 to vector<16xf32>
    %neg3A_1284 = arith.subf %neg3A_1283, %mul3A_1281 : vector<16xf32>
    %swap3A_1285 = arith.constant 368 : index
    %swap3A_1286 = tpu.vector_load %arg20[%swap3A_1285] {strides = array<i32>} : memref<512xf32, #tpu.memory_space<vmem>>, vector<16xf32>,
    %swap3A_1287 = vector.shape_cast %swap3A_1286 : vector<16xf32> to vector<16xf32>
    %swap3A_1288 = vector.shape_cast %neg3A_1284 : vector<16xf32> to vector<16xf32>
    tpu.vector_store %arg20[%swap3A_1285], %swap3A_1288 {strides = array<i32>} : memref<512xf32, #tpu.memory_space<vmem>>, vector<16xf32>,
    %get3A_1289 = arith.constant 384 : index
    %get3A_1290 = tpu.vector_load %arg19[%get3A_1289] {strides = array<i32>} : memref<512xf32, #tpu.memory_space<vmem>>, vector<16xf32>,
    %get3A_1291 = vector.shape_cast %get3A_1290 : vector<16xf32> to vector<16xf32>
    %max3A_1292 = arith.constant 1.000000e-30 : f32
    %max3A_1293 = vector.broadcast %max3A_1292 : f32 to vector<16xf32>
    %max3A_1294 = arith.maximumf %get3A_1291, %max3A_1293 : vector<16xf32>
    %bitcast_convert_type3A_1295 = tpu.bitcast %max3A_1294 : vector<16xf32> -> vector<16xi32>
    %shift_right_arithmetic3A_1296 = arith.constant 1 : i32
    %shift_right_arithmetic3A_1297 = vector.broadcast %shift_right_arithmetic3A_1296 : i32 to vector<16xi32>
    %shift_right_arithmetic3A_1298 = arith.shrsi %bitcast_convert_type3A_1295, %shift_right_arithmetic3A_1297 : vector<16xi32>
    %sub3A_1299 = arith.constant 1597463007 : i32
    %sub3A_1300 = vector.broadcast %sub3A_1299 : i32 to vector<16xi32>
    %sub3A_1301 = arith.subi %sub3A_1300, %shift_right_arithmetic3A_1298 : vector<16xi32>
    %bitcast_convert_type3A_1302 = tpu.bitcast %sub3A_1301 : vector<16xi32> -> vector<16xf32>
    %mul3A_1303 = arith.constant 5.000000e-01 : f32
    %mul3A_1304 = vector.broadcast %mul3A_1303 : f32 to vector<16xf32>
    %mul3A_1305 = arith.mulf %mul3A_1304, %max3A_1294 : vector<16xf32>
    %mul3A_1306 = arith.mulf %mul3A_1305, %bitcast_convert_type3A_1302 : vector<16xf32>
    %mul3A_1307 = arith.mulf %mul3A_1306, %bitcast_convert_type3A_1302 : vector<16xf32>
    %sub3A_1308 = arith.constant 1.500000e+00 : f32
    %sub3A_1309 = vector.broadcast %sub3A_1308 : f32 to vector<16xf32>
    %sub3A_1310 = arith.subf %sub3A_1309, %mul3A_1307 : vector<16xf32>
    %mul3A_1311 = arith.mulf %bitcast_convert_type3A_1302, %sub3A_1310 : vector<16xf32>
    %mul3A_1312 = arith.mulf %mul3A_1305, %mul3A_1311 : vector<16xf32>
    %mul3A_1313 = arith.mulf %mul3A_1312, %mul3A_1311 : vector<16xf32>
    %sub3A_1314 = arith.constant 1.500000e+00 : f32
    %sub3A_1315 = vector.broadcast %sub3A_1314 : f32 to vector<16xf32>
    %sub3A_1316 = arith.subf %sub3A_1315, %mul3A_1313 : vector<16xf32>
    %mul3A_1317 = arith.mulf %mul3A_1311, %sub3A_1316 : vector<16xf32>
    %mul3A_1318 = arith.mulf %mul3A_1305, %mul3A_1317 : vector<16xf32>
    %mul3A_1319 = arith.mulf %mul3A_1318, %mul3A_1317 : vector<16xf32>
    %sub3A_1320 = arith.constant 1.500000e+00 : f32
    %sub3A_1321 = vector.broadcast %sub3A_1320 : f32 to vector<16xf32>
    %sub3A_1322 = arith.subf %sub3A_1321, %mul3A_1319 : vector<16xf32>
    %mul3A_1323 = arith.mulf %mul3A_1317, %sub3A_1322 : vector<16xf32>
    %mul3A_1324 = arith.mulf %max3A_1294, %mul3A_1323 : vector<16xf32>
    %neg3A_1325 = arith.constant 0.000000e+00 : f32
    %neg3A_1326 = vector.broadcast %neg3A_1325 : f32 to vector<16xf32>
    %neg3A_1327 = arith.subf %neg3A_1326, %mul3A_1324 : vector<16xf32>
    %swap3A_1328 = arith.constant 384 : index
    %swap3A_1329 = tpu.vector_load %arg20[%swap3A_1328] {strides = array<i32>} : memref<512xf32, #tpu.memory_space<vmem>>, vector<16xf32>,
    %swap3A_1330 = vector.shape_cast %swap3A_1329 : vector<16xf32> to vector<16xf32>
    %swap3A_1331 = vector.shape_cast %neg3A_1327 : vector<16xf32> to vector<16xf32>
    tpu.vector_store %arg20[%swap3A_1328], %swap3A_1331 {strides = array<i32>} : memref<512xf32, #tpu.memory_space<vmem>>, vector<16xf32>,
    %get3A_1332 = arith.constant 400 : index
    %get3A_1333 = tpu.vector_load %arg19[%get3A_1332] {strides = array<i32>} : memref<512xf32, #tpu.memory_space<vmem>>, vector<16xf32>,
    %get3A_1334 = vector.shape_cast %get3A_1333 : vector<16xf32> to vector<16xf32>
    %max3A_1335 = arith.constant 1.000000e-30 : f32
    %max3A_1336 = vector.broadcast %max3A_1335 : f32 to vector<16xf32>
    %max3A_1337 = arith.maximumf %get3A_1334, %max3A_1336 : vector<16xf32>
    %bitcast_convert_type3A_1338 = tpu.bitcast %max3A_1337 : vector<16xf32> -> vector<16xi32>
    %shift_right_arithmetic3A_1339 = arith.constant 1 : i32
    %shift_right_arithmetic3A_1340 = vector.broadcast %shift_right_arithmetic3A_1339 : i32 to vector<16xi32>
    %shift_right_arithmetic3A_1341 = arith.shrsi %bitcast_convert_type3A_1338, %shift_right_arithmetic3A_1340 : vector<16xi32>
    %sub3A_1342 = arith.constant 1597463007 : i32
    %sub3A_1343 = vector.broadcast %sub3A_1342 : i32 to vector<16xi32>
    %sub3A_1344 = arith.subi %sub3A_1343, %shift_right_arithmetic3A_1341 : vector<16xi32>
    %bitcast_convert_type3A_1345 = tpu.bitcast %sub3A_1344 : vector<16xi32> -> vector<16xf32>
    %mul3A_1346 = arith.constant 5.000000e-01 : f32
    %mul3A_1347 = vector.broadcast %mul3A_1346 : f32 to vector<16xf32>
    %mul3A_1348 = arith.mulf %mul3A_1347, %max3A_1337 : vector<16xf32>
    %mul3A_1349 = arith.mulf %mul3A_1348, %bitcast_convert_type3A_1345 : vector<16xf32>
    %mul3A_1350 = arith.mulf %mul3A_1349, %bitcast_convert_type3A_1345 : vector<16xf32>
    %sub3A_1351 = arith.constant 1.500000e+00 : f32
    %sub3A_1352 = vector.broadcast %sub3A_1351 : f32 to vector<16xf32>
    %sub3A_1353 = arith.subf %sub3A_1352, %mul3A_1350 : vector<16xf32>
    %mul3A_1354 = arith.mulf %bitcast_convert_type3A_1345, %sub3A_1353 : vector<16xf32>
    %mul3A_1355 = arith.mulf %mul3A_1348, %mul3A_1354 : vector<16xf32>
    %mul3A_1356 = arith.mulf %mul3A_1355, %mul3A_1354 : vector<16xf32>
    %sub3A_1357 = arith.constant 1.500000e+00 : f32
    %sub3A_1358 = vector.broadcast %sub3A_1357 : f32 to vector<16xf32>
    %sub3A_1359 = arith.subf %sub3A_1358, %mul3A_1356 : vector<16xf32>
    %mul3A_1360 = arith.mulf %mul3A_1354, %sub3A_1359 : vector<16xf32>
    %mul3A_1361 = arith.mulf %mul3A_1348, %mul3A_1360 : vector<16xf32>
    %mul3A_1362 = arith.mulf %mul3A_1361, %mul3A_1360 : vector<16xf32>
    %sub3A_1363 = arith.constant 1.500000e+00 : f32
    %sub3A_1364 = vector.broadcast %sub3A_1363 : f32 to vector<16xf32>
    %sub3A_1365 = arith.subf %sub3A_1364, %mul3A_1362 : vector<16xf32>
    %mul3A_1366 = arith.mulf %mul3A_1360, %sub3A_1365 : vector<16xf32>
    %mul3A_1367 = arith.mulf %max3A_1337, %mul3A_1366 : vector<16xf32>
    %neg3A_1368 = arith.constant 0.000000e+00 : f32
    %neg3A_1369 = vector.broadcast %neg3A_1368 : f32 to vector<16xf32>
    %neg3A_1370 = arith.subf %neg3A_1369, %mul3A_1367 : vector<16xf32>
    %swap3A_1371 = arith.constant 400 : index
    %swap3A_1372 = tpu.vector_load %arg20[%swap3A_1371] {strides = array<i32>} : memref<512xf32, #tpu.memory_space<vmem>>, vector<16xf32>,
    %swap3A_1373 = vector.shape_cast %swap3A_1372 : vector<16xf32> to vector<16xf32>
    %swap3A_1374 = vector.shape_cast %neg3A_1370 : vector<16xf32> to vector<16xf32>
    tpu.vector_store %arg20[%swap3A_1371], %swap3A_1374 {strides = array<i32>} : memref<512xf32, #tpu.memory_space<vmem>>, vector<16xf32>,
    %get3A_1375 = arith.constant 416 : index
    %get3A_1376 = tpu.vector_load %arg19[%get3A_1375] {strides = array<i32>} : memref<512xf32, #tpu.memory_space<vmem>>, vector<16xf32>,
    %get3A_1377 = vector.shape_cast %get3A_1376 : vector<16xf32> to vector<16xf32>
    %max3A_1378 = arith.constant 1.000000e-30 : f32
    %max3A_1379 = vector.broadcast %max3A_1378 : f32 to vector<16xf32>
    %max3A_1380 = arith.maximumf %get3A_1377, %max3A_1379 : vector<16xf32>
    %bitcast_convert_type3A_1381 = tpu.bitcast %max3A_1380 : vector<16xf32> -> vector<16xi32>
    %shift_right_arithmetic3A_1382 = arith.constant 1 : i32
    %shift_right_arithmetic3A_1383 = vector.broadcast %shift_right_arithmetic3A_1382 : i32 to vector<16xi32>
    %shift_right_arithmetic3A_1384 = arith.shrsi %bitcast_convert_type3A_1381, %shift_right_arithmetic3A_1383 : vector<16xi32>
    %sub3A_1385 = arith.constant 1597463007 : i32
    %sub3A_1386 = vector.broadcast %sub3A_1385 : i32 to vector<16xi32>
    %sub3A_1387 = arith.subi %sub3A_1386, %shift_right_arithmetic3A_1384 : vector<16xi32>
    %bitcast_convert_type3A_1388 = tpu.bitcast %sub3A_1387 : vector<16xi32> -> vector<16xf32>
    %mul3A_1389 = arith.constant 5.000000e-01 : f32
    %mul3A_1390 = vector.broadcast %mul3A_1389 : f32 to vector<16xf32>
    %mul3A_1391 = arith.mulf %mul3A_1390, %max3A_1380 : vector<16xf32>
    %mul3A_1392 = arith.mulf %mul3A_1391, %bitcast_convert_type3A_1388 : vector<16xf32>
    %mul3A_1393 = arith.mulf %mul3A_1392, %bitcast_convert_type3A_1388 : vector<16xf32>
    %sub3A_1394 = arith.constant 1.500000e+00 : f32
    %sub3A_1395 = vector.broadcast %sub3A_1394 : f32 to vector<16xf32>
    %sub3A_1396 = arith.subf %sub3A_1395, %mul3A_1393 : vector<16xf32>
    %mul3A_1397 = arith.mulf %bitcast_convert_type3A_1388, %sub3A_1396 : vector<16xf32>
    %mul3A_1398 = arith.mulf %mul3A_1391, %mul3A_1397 : vector<16xf32>
    %mul3A_1399 = arith.mulf %mul3A_1398, %mul3A_1397 : vector<16xf32>
    %sub3A_1400 = arith.constant 1.500000e+00 : f32
    %sub3A_1401 = vector.broadcast %sub3A_1400 : f32 to vector<16xf32>
    %sub3A_1402 = arith.subf %sub3A_1401, %mul3A_1399 : vector<16xf32>
    %mul3A_1403 = arith.mulf %mul3A_1397, %sub3A_1402 : vector<16xf32>
    %mul3A_1404 = arith.mulf %mul3A_1391, %mul3A_1403 : vector<16xf32>
    %mul3A_1405 = arith.mulf %mul3A_1404, %mul3A_1403 : vector<16xf32>
    %sub3A_1406 = arith.constant 1.500000e+00 : f32
    %sub3A_1407 = vector.broadcast %sub3A_1406 : f32 to vector<16xf32>
    %sub3A_1408 = arith.subf %sub3A_1407, %mul3A_1405 : vector<16xf32>
    %mul3A_1409 = arith.mulf %mul3A_1403, %sub3A_1408 : vector<16xf32>
    %mul3A_1410 = arith.mulf %max3A_1380, %mul3A_1409 : vector<16xf32>
    %neg3A_1411 = arith.constant 0.000000e+00 : f32
    %neg3A_1412 = vector.broadcast %neg3A_1411 : f32 to vector<16xf32>
    %neg3A_1413 = arith.subf %neg3A_1412, %mul3A_1410 : vector<16xf32>
    %swap3A_1414 = arith.constant 416 : index
    %swap3A_1415 = tpu.vector_load %arg20[%swap3A_1414] {strides = array<i32>} : memref<512xf32, #tpu.memory_space<vmem>>, vector<16xf32>,
    %swap3A_1416 = vector.shape_cast %swap3A_1415 : vector<16xf32> to vector<16xf32>
    %swap3A_1417 = vector.shape_cast %neg3A_1413 : vector<16xf32> to vector<16xf32>
    tpu.vector_store %arg20[%swap3A_1414], %swap3A_1417 {strides = array<i32>} : memref<512xf32, #tpu.memory_space<vmem>>, vector<16xf32>,
    %get3A_1418 = arith.constant 432 : index
    %get3A_1419 = tpu.vector_load %arg19[%get3A_1418] {strides = array<i32>} : memref<512xf32, #tpu.memory_space<vmem>>, vector<16xf32>,
    %get3A_1420 = vector.shape_cast %get3A_1419 : vector<16xf32> to vector<16xf32>
    %max3A_1421 = arith.constant 1.000000e-30 : f32
    %max3A_1422 = vector.broadcast %max3A_1421 : f32 to vector<16xf32>
    %max3A_1423 = arith.maximumf %get3A_1420, %max3A_1422 : vector<16xf32>
    %bitcast_convert_type3A_1424 = tpu.bitcast %max3A_1423 : vector<16xf32> -> vector<16xi32>
    %shift_right_arithmetic3A_1425 = arith.constant 1 : i32
    %shift_right_arithmetic3A_1426 = vector.broadcast %shift_right_arithmetic3A_1425 : i32 to vector<16xi32>
    %shift_right_arithmetic3A_1427 = arith.shrsi %bitcast_convert_type3A_1424, %shift_right_arithmetic3A_1426 : vector<16xi32>
    %sub3A_1428 = arith.constant 1597463007 : i32
    %sub3A_1429 = vector.broadcast %sub3A_1428 : i32 to vector<16xi32>
    %sub3A_1430 = arith.subi %sub3A_1429, %shift_right_arithmetic3A_1427 : vector<16xi32>
    %bitcast_convert_type3A_1431 = tpu.bitcast %sub3A_1430 : vector<16xi32> -> vector<16xf32>
    %mul3A_1432 = arith.constant 5.000000e-01 : f32
    %mul3A_1433 = vector.broadcast %mul3A_1432 : f32 to vector<16xf32>
    %mul3A_1434 = arith.mulf %mul3A_1433, %max3A_1423 : vector<16xf32>
    %mul3A_1435 = arith.mulf %mul3A_1434, %bitcast_convert_type3A_1431 : vector<16xf32>
    %mul3A_1436 = arith.mulf %mul3A_1435, %bitcast_convert_type3A_1431 : vector<16xf32>
    %sub3A_1437 = arith.constant 1.500000e+00 : f32
    %sub3A_1438 = vector.broadcast %sub3A_1437 : f32 to vector<16xf32>
    %sub3A_1439 = arith.subf %sub3A_1438, %mul3A_1436 : vector<16xf32>
    %mul3A_1440 = arith.mulf %bitcast_convert_type3A_1431, %sub3A_1439 : vector<16xf32>
    %mul3A_1441 = arith.mulf %mul3A_1434, %mul3A_1440 : vector<16xf32>
    %mul3A_1442 = arith.mulf %mul3A_1441, %mul3A_1440 : vector<16xf32>
    %sub3A_1443 = arith.constant 1.500000e+00 : f32
    %sub3A_1444 = vector.broadcast %sub3A_1443 : f32 to vector<16xf32>
    %sub3A_1445 = arith.subf %sub3A_1444, %mul3A_1442 : vector<16xf32>
    %mul3A_1446 = arith.mulf %mul3A_1440, %sub3A_1445 : vector<16xf32>
    %mul3A_1447 = arith.mulf %mul3A_1434, %mul3A_1446 : vector<16xf32>
    %mul3A_1448 = arith.mulf %mul3A_1447, %mul3A_1446 : vector<16xf32>
    %sub3A_1449 = arith.constant 1.500000e+00 : f32
    %sub3A_1450 = vector.broadcast %sub3A_1449 : f32 to vector<16xf32>
    %sub3A_1451 = arith.subf %sub3A_1450, %mul3A_1448 : vector<16xf32>
    %mul3A_1452 = arith.mulf %mul3A_1446, %sub3A_1451 : vector<16xf32>
    %mul3A_1453 = arith.mulf %max3A_1423, %mul3A_1452 : vector<16xf32>
    %neg3A_1454 = arith.constant 0.000000e+00 : f32
    %neg3A_1455 = vector.broadcast %neg3A_1454 : f32 to vector<16xf32>
    %neg3A_1456 = arith.subf %neg3A_1455, %mul3A_1453 : vector<16xf32>
    %swap3A_1457 = arith.constant 432 : index
    %swap3A_1458 = tpu.vector_load %arg20[%swap3A_1457] {strides = array<i32>} : memref<512xf32, #tpu.memory_space<vmem>>, vector<16xf32>,
    %swap3A_1459 = vector.shape_cast %swap3A_1458 : vector<16xf32> to vector<16xf32>
    %swap3A_1460 = vector.shape_cast %neg3A_1456 : vector<16xf32> to vector<16xf32>
    tpu.vector_store %arg20[%swap3A_1457], %swap3A_1460 {strides = array<i32>} : memref<512xf32, #tpu.memory_space<vmem>>, vector<16xf32>,
    %get3A_1461 = arith.constant 448 : index
    %get3A_1462 = tpu.vector_load %arg19[%get3A_1461] {strides = array<i32>} : memref<512xf32, #tpu.memory_space<vmem>>, vector<16xf32>,
    %get3A_1463 = vector.shape_cast %get3A_1462 : vector<16xf32> to vector<16xf32>
    %max3A_1464 = arith.constant 1.000000e-30 : f32
    %max3A_1465 = vector.broadcast %max3A_1464 : f32 to vector<16xf32>
    %max3A_1466 = arith.maximumf %get3A_1463, %max3A_1465 : vector<16xf32>
    %bitcast_convert_type3A_1467 = tpu.bitcast %max3A_1466 : vector<16xf32> -> vector<16xi32>
    %shift_right_arithmetic3A_1468 = arith.constant 1 : i32
    %shift_right_arithmetic3A_1469 = vector.broadcast %shift_right_arithmetic3A_1468 : i32 to vector<16xi32>
    %shift_right_arithmetic3A_1470 = arith.shrsi %bitcast_convert_type3A_1467, %shift_right_arithmetic3A_1469 : vector<16xi32>
    %sub3A_1471 = arith.constant 1597463007 : i32
    %sub3A_1472 = vector.broadcast %sub3A_1471 : i32 to vector<16xi32>
    %sub3A_1473 = arith.subi %sub3A_1472, %shift_right_arithmetic3A_1470 : vector<16xi32>
    %bitcast_convert_type3A_1474 = tpu.bitcast %sub3A_1473 : vector<16xi32> -> vector<16xf32>
    %mul3A_1475 = arith.constant 5.000000e-01 : f32
    %mul3A_1476 = vector.broadcast %mul3A_1475 : f32 to vector<16xf32>
    %mul3A_1477 = arith.mulf %mul3A_1476, %max3A_1466 : vector<16xf32>
    %mul3A_1478 = arith.mulf %mul3A_1477, %bitcast_convert_type3A_1474 : vector<16xf32>
    %mul3A_1479 = arith.mulf %mul3A_1478, %bitcast_convert_type3A_1474 : vector<16xf32>
    %sub3A_1480 = arith.constant 1.500000e+00 : f32
    %sub3A_1481 = vector.broadcast %sub3A_1480 : f32 to vector<16xf32>
    %sub3A_1482 = arith.subf %sub3A_1481, %mul3A_1479 : vector<16xf32>
    %mul3A_1483 = arith.mulf %bitcast_convert_type3A_1474, %sub3A_1482 : vector<16xf32>
    %mul3A_1484 = arith.mulf %mul3A_1477, %mul3A_1483 : vector<16xf32>
    %mul3A_1485 = arith.mulf %mul3A_1484, %mul3A_1483 : vector<16xf32>
    %sub3A_1486 = arith.constant 1.500000e+00 : f32
    %sub3A_1487 = vector.broadcast %sub3A_1486 : f32 to vector<16xf32>
    %sub3A_1488 = arith.subf %sub3A_1487, %mul3A_1485 : vector<16xf32>
    %mul3A_1489 = arith.mulf %mul3A_1483, %sub3A_1488 : vector<16xf32>
    %mul3A_1490 = arith.mulf %mul3A_1477, %mul3A_1489 : vector<16xf32>
    %mul3A_1491 = arith.mulf %mul3A_1490, %mul3A_1489 : vector<16xf32>
    %sub3A_1492 = arith.constant 1.500000e+00 : f32
    %sub3A_1493 = vector.broadcast %sub3A_1492 : f32 to vector<16xf32>
    %sub3A_1494 = arith.subf %sub3A_1493, %mul3A_1491 : vector<16xf32>
    %mul3A_1495 = arith.mulf %mul3A_1489, %sub3A_1494 : vector<16xf32>
    %mul3A_1496 = arith.mulf %max3A_1466, %mul3A_1495 : vector<16xf32>
    %neg3A_1497 = arith.constant 0.000000e+00 : f32
    %neg3A_1498 = vector.broadcast %neg3A_1497 : f32 to vector<16xf32>
    %neg3A_1499 = arith.subf %neg3A_1498, %mul3A_1496 : vector<16xf32>
    %swap3A_1500 = arith.constant 448 : index
    %swap3A_1501 = tpu.vector_load %arg20[%swap3A_1500] {strides = array<i32>} : memref<512xf32, #tpu.memory_space<vmem>>, vector<16xf32>,
    %swap3A_1502 = vector.shape_cast %swap3A_1501 : vector<16xf32> to vector<16xf32>
    %swap3A_1503 = vector.shape_cast %neg3A_1499 : vector<16xf32> to vector<16xf32>
    tpu.vector_store %arg20[%swap3A_1500], %swap3A_1503 {strides = array<i32>} : memref<512xf32, #tpu.memory_space<vmem>>, vector<16xf32>,
    %get3A_1504 = arith.constant 464 : index
    %get3A_1505 = tpu.vector_load %arg19[%get3A_1504] {strides = array<i32>} : memref<512xf32, #tpu.memory_space<vmem>>, vector<16xf32>,
    %get3A_1506 = vector.shape_cast %get3A_1505 : vector<16xf32> to vector<16xf32>
    %max3A_1507 = arith.constant 1.000000e-30 : f32
    %max3A_1508 = vector.broadcast %max3A_1507 : f32 to vector<16xf32>
    %max3A_1509 = arith.maximumf %get3A_1506, %max3A_1508 : vector<16xf32>
    %bitcast_convert_type3A_1510 = tpu.bitcast %max3A_1509 : vector<16xf32> -> vector<16xi32>
    %shift_right_arithmetic3A_1511 = arith.constant 1 : i32
    %shift_right_arithmetic3A_1512 = vector.broadcast %shift_right_arithmetic3A_1511 : i32 to vector<16xi32>
    %shift_right_arithmetic3A_1513 = arith.shrsi %bitcast_convert_type3A_1510, %shift_right_arithmetic3A_1512 : vector<16xi32>
    %sub3A_1514 = arith.constant 1597463007 : i32
    %sub3A_1515 = vector.broadcast %sub3A_1514 : i32 to vector<16xi32>
    %sub3A_1516 = arith.subi %sub3A_1515, %shift_right_arithmetic3A_1513 : vector<16xi32>
    %bitcast_convert_type3A_1517 = tpu.bitcast %sub3A_1516 : vector<16xi32> -> vector<16xf32>
    %mul3A_1518 = arith.constant 5.000000e-01 : f32
    %mul3A_1519 = vector.broadcast %mul3A_1518 : f32 to vector<16xf32>
    %mul3A_1520 = arith.mulf %mul3A_1519, %max3A_1509 : vector<16xf32>
    %mul3A_1521 = arith.mulf %mul3A_1520, %bitcast_convert_type3A_1517 : vector<16xf32>
    %mul3A_1522 = arith.mulf %mul3A_1521, %bitcast_convert_type3A_1517 : vector<16xf32>
    %sub3A_1523 = arith.constant 1.500000e+00 : f32
    %sub3A_1524 = vector.broadcast %sub3A_1523 : f32 to vector<16xf32>
    %sub3A_1525 = arith.subf %sub3A_1524, %mul3A_1522 : vector<16xf32>
    %mul3A_1526 = arith.mulf %bitcast_convert_type3A_1517, %sub3A_1525 : vector<16xf32>
    %mul3A_1527 = arith.mulf %mul3A_1520, %mul3A_1526 : vector<16xf32>
    %mul3A_1528 = arith.mulf %mul3A_1527, %mul3A_1526 : vector<16xf32>
    %sub3A_1529 = arith.constant 1.500000e+00 : f32
    %sub3A_1530 = vector.broadcast %sub3A_1529 : f32 to vector<16xf32>
    %sub3A_1531 = arith.subf %sub3A_1530, %mul3A_1528 : vector<16xf32>
    %mul3A_1532 = arith.mulf %mul3A_1526, %sub3A_1531 : vector<16xf32>
    %mul3A_1533 = arith.mulf %mul3A_1520, %mul3A_1532 : vector<16xf32>
    %mul3A_1534 = arith.mulf %mul3A_1533, %mul3A_1532 : vector<16xf32>
    %sub3A_1535 = arith.constant 1.500000e+00 : f32
    %sub3A_1536 = vector.broadcast %sub3A_1535 : f32 to vector<16xf32>
    %sub3A_1537 = arith.subf %sub3A_1536, %mul3A_1534 : vector<16xf32>
    %mul3A_1538 = arith.mulf %mul3A_1532, %sub3A_1537 : vector<16xf32>
    %mul3A_1539 = arith.mulf %max3A_1509, %mul3A_1538 : vector<16xf32>
    %neg3A_1540 = arith.constant 0.000000e+00 : f32
    %neg3A_1541 = vector.broadcast %neg3A_1540 : f32 to vector<16xf32>
    %neg3A_1542 = arith.subf %neg3A_1541, %mul3A_1539 : vector<16xf32>
    %swap3A_1543 = arith.constant 464 : index
    %swap3A_1544 = tpu.vector_load %arg20[%swap3A_1543] {strides = array<i32>} : memref<512xf32, #tpu.memory_space<vmem>>, vector<16xf32>,
    %swap3A_1545 = vector.shape_cast %swap3A_1544 : vector<16xf32> to vector<16xf32>
    %swap3A_1546 = vector.shape_cast %neg3A_1542 : vector<16xf32> to vector<16xf32>
    tpu.vector_store %arg20[%swap3A_1543], %swap3A_1546 {strides = array<i32>} : memref<512xf32, #tpu.memory_space<vmem>>, vector<16xf32>,
    %get3A_1547 = arith.constant 480 : index
    %get3A_1548 = tpu.vector_load %arg19[%get3A_1547] {strides = array<i32>} : memref<512xf32, #tpu.memory_space<vmem>>, vector<16xf32>,
    %get3A_1549 = vector.shape_cast %get3A_1548 : vector<16xf32> to vector<16xf32>
    %max3A_1550 = arith.constant 1.000000e-30 : f32
    %max3A_1551 = vector.broadcast %max3A_1550 : f32 to vector<16xf32>
    %max3A_1552 = arith.maximumf %get3A_1549, %max3A_1551 : vector<16xf32>
    %bitcast_convert_type3A_1553 = tpu.bitcast %max3A_1552 : vector<16xf32> -> vector<16xi32>
    %shift_right_arithmetic3A_1554 = arith.constant 1 : i32
    %shift_right_arithmetic3A_1555 = vector.broadcast %shift_right_arithmetic3A_1554 : i32 to vector<16xi32>
    %shift_right_arithmetic3A_1556 = arith.shrsi %bitcast_convert_type3A_1553, %shift_right_arithmetic3A_1555 : vector<16xi32>
    %sub3A_1557 = arith.constant 1597463007 : i32
    %sub3A_1558 = vector.broadcast %sub3A_1557 : i32 to vector<16xi32>
    %sub3A_1559 = arith.subi %sub3A_1558, %shift_right_arithmetic3A_1556 : vector<16xi32>
    %bitcast_convert_type3A_1560 = tpu.bitcast %sub3A_1559 : vector<16xi32> -> vector<16xf32>
    %mul3A_1561 = arith.constant 5.000000e-01 : f32
    %mul3A_1562 = vector.broadcast %mul3A_1561 : f32 to vector<16xf32>
    %mul3A_1563 = arith.mulf %mul3A_1562, %max3A_1552 : vector<16xf32>
    %mul3A_1564 = arith.mulf %mul3A_1563, %bitcast_convert_type3A_1560 : vector<16xf32>
    %mul3A_1565 = arith.mulf %mul3A_1564, %bitcast_convert_type3A_1560 : vector<16xf32>
    %sub3A_1566 = arith.constant 1.500000e+00 : f32
    %sub3A_1567 = vector.broadcast %sub3A_1566 : f32 to vector<16xf32>
    %sub3A_1568 = arith.subf %sub3A_1567, %mul3A_1565 : vector<16xf32>
    %mul3A_1569 = arith.mulf %bitcast_convert_type3A_1560, %sub3A_1568 : vector<16xf32>
    %mul3A_1570 = arith.mulf %mul3A_1563, %mul3A_1569 : vector<16xf32>
    %mul3A_1571 = arith.mulf %mul3A_1570, %mul3A_1569 : vector<16xf32>
    %sub3A_1572 = arith.constant 1.500000e+00 : f32
    %sub3A_1573 = vector.broadcast %sub3A_1572 : f32 to vector<16xf32>
    %sub3A_1574 = arith.subf %sub3A_1573, %mul3A_1571 : vector<16xf32>
    %mul3A_1575 = arith.mulf %mul3A_1569, %sub3A_1574 : vector<16xf32>
    %mul3A_1576 = arith.mulf %mul3A_1563, %mul3A_1575 : vector<16xf32>
    %mul3A_1577 = arith.mulf %mul3A_1576, %mul3A_1575 : vector<16xf32>
    %sub3A_1578 = arith.constant 1.500000e+00 : f32
    %sub3A_1579 = vector.broadcast %sub3A_1578 : f32 to vector<16xf32>
    %sub3A_1580 = arith.subf %sub3A_1579, %mul3A_1577 : vector<16xf32>
    %mul3A_1581 = arith.mulf %mul3A_1575, %sub3A_1580 : vector<16xf32>
    %mul3A_1582 = arith.mulf %max3A_1552, %mul3A_1581 : vector<16xf32>
    %neg3A_1583 = arith.constant 0.000000e+00 : f32
    %neg3A_1584 = vector.broadcast %neg3A_1583 : f32 to vector<16xf32>
    %neg3A_1585 = arith.subf %neg3A_1584, %mul3A_1582 : vector<16xf32>
    %swap3A_1586 = arith.constant 480 : index
    %swap3A_1587 = tpu.vector_load %arg20[%swap3A_1586] {strides = array<i32>} : memref<512xf32, #tpu.memory_space<vmem>>, vector<16xf32>,
    %swap3A_1588 = vector.shape_cast %swap3A_1587 : vector<16xf32> to vector<16xf32>
    %swap3A_1589 = vector.shape_cast %neg3A_1585 : vector<16xf32> to vector<16xf32>
    tpu.vector_store %arg20[%swap3A_1586], %swap3A_1589 {strides = array<i32>} : memref<512xf32, #tpu.memory_space<vmem>>, vector<16xf32>,
    %get3A_1590 = arith.constant 496 : index
    %get3A_1591 = tpu.vector_load %arg19[%get3A_1590] {strides = array<i32>} : memref<512xf32, #tpu.memory_space<vmem>>, vector<16xf32>,
    %get3A_1592 = vector.shape_cast %get3A_1591 : vector<16xf32> to vector<16xf32>
    %max3A_1593 = arith.constant 1.000000e-30 : f32
    %max3A_1594 = vector.broadcast %max3A_1593 : f32 to vector<16xf32>
    %max3A_1595 = arith.maximumf %get3A_1592, %max3A_1594 : vector<16xf32>
    %bitcast_convert_type3A_1596 = tpu.bitcast %max3A_1595 : vector<16xf32> -> vector<16xi32>
    %shift_right_arithmetic3A_1597 = arith.constant 1 : i32
    %shift_right_arithmetic3A_1598 = vector.broadcast %shift_right_arithmetic3A_1597 : i32 to vector<16xi32>
    %shift_right_arithmetic3A_1599 = arith.shrsi %bitcast_convert_type3A_1596, %shift_right_arithmetic3A_1598 : vector<16xi32>
    %sub3A_1600 = arith.constant 1597463007 : i32
    %sub3A_1601 = vector.broadcast %sub3A_1600 : i32 to vector<16xi32>
    %sub3A_1602 = arith.subi %sub3A_1601, %shift_right_arithmetic3A_1599 : vector<16xi32>
    %bitcast_convert_type3A_1603 = tpu.bitcast %sub3A_1602 : vector<16xi32> -> vector<16xf32>
    %mul3A_1604 = arith.constant 5.000000e-01 : f32
    %mul3A_1605 = vector.broadcast %mul3A_1604 : f32 to vector<16xf32>
    %mul3A_1606 = arith.mulf %mul3A_1605, %max3A_1595 : vector<16xf32>
    %mul3A_1607 = arith.mulf %mul3A_1606, %bitcast_convert_type3A_1603 : vector<16xf32>
    %mul3A_1608 = arith.mulf %mul3A_1607, %bitcast_convert_type3A_1603 : vector<16xf32>
    %sub3A_1609 = arith.constant 1.500000e+00 : f32
    %sub3A_1610 = vector.broadcast %sub3A_1609 : f32 to vector<16xf32>
    %sub3A_1611 = arith.subf %sub3A_1610, %mul3A_1608 : vector<16xf32>
    %mul3A_1612 = arith.mulf %bitcast_convert_type3A_1603, %sub3A_1611 : vector<16xf32>
    %mul3A_1613 = arith.mulf %mul3A_1606, %mul3A_1612 : vector<16xf32>
    %mul3A_1614 = arith.mulf %mul3A_1613, %mul3A_1612 : vector<16xf32>
    %sub3A_1615 = arith.constant 1.500000e+00 : f32
    %sub3A_1616 = vector.broadcast %sub3A_1615 : f32 to vector<16xf32>
    %sub3A_1617 = arith.subf %sub3A_1616, %mul3A_1614 : vector<16xf32>
    %mul3A_1618 = arith.mulf %mul3A_1612, %sub3A_1617 : vector<16xf32>
    %mul3A_1619 = arith.mulf %mul3A_1606, %mul3A_1618 : vector<16xf32>
    %mul3A_1620 = arith.mulf %mul3A_1619, %mul3A_1618 : vector<16xf32>
    %sub3A_1621 = arith.constant 1.500000e+00 : f32
    %sub3A_1622 = vector.broadcast %sub3A_1621 : f32 to vector<16xf32>
    %sub3A_1623 = arith.subf %sub3A_1622, %mul3A_1620 : vector<16xf32>
    %mul3A_1624 = arith.mulf %mul3A_1618, %sub3A_1623 : vector<16xf32>
    %mul3A_1625 = arith.mulf %max3A_1595, %mul3A_1624 : vector<16xf32>
    %neg3A_1626 = arith.constant 0.000000e+00 : f32
    %neg3A_1627 = vector.broadcast %neg3A_1626 : f32 to vector<16xf32>
    %neg3A_1628 = arith.subf %neg3A_1627, %mul3A_1625 : vector<16xf32>
    %swap3A_1629 = arith.constant 496 : index
    %swap3A_1630 = tpu.vector_load %arg20[%swap3A_1629] {strides = array<i32>} : memref<512xf32, #tpu.memory_space<vmem>>, vector<16xf32>,
    %swap3A_1631 = vector.shape_cast %swap3A_1630 : vector<16xf32> to vector<16xf32>
    %swap3A_1632 = vector.shape_cast %neg3A_1628 : vector<16xf32> to vector<16xf32>
    tpu.vector_store %arg20[%swap3A_1629], %swap3A_1632 {strides = array<i32>} : memref<512xf32, #tpu.memory_space<vmem>>, vector<16xf32>,
    "tpu.region"() ({
      %run_scoped3A = tpu.sem_alloc : memref<!tpu.dma_semaphore, #tpu.memory_space<semaphore_mem>>
      %dma_start3A_1633 = tpu.memref_slice %arg7[%mul3A_2] : memref<16384xf32, #tpu.memory_space<hbm>> -> memref<512xf32, #tpu.memory_space<hbm>>
      %dma_start3A_1634 = tpu.memref_slice %arg7[%mul3A_2] : memref<16384xf32, #tpu.memory_space<hbm>> -> memref<512xf32, #tpu.memory_space<hbm>>
      tpu.enqueue_dma source(%arg20 : memref<512xf32, #tpu.memory_space<vmem>>) target(%dma_start3A_1634 : memref<512xf32, #tpu.memory_space<hbm>>) target_semaphore(%run_scoped3A : memref<!tpu.dma_semaphore, #tpu.memory_space<semaphore_mem>>)
      %dma_wait3A_1635 = tpu.memref_slice %arg7[%mul3A_2] : memref<16384xf32, #tpu.memory_space<hbm>> -> memref<512xf32, #tpu.memory_space<hbm>>
      %dma_wait3A_1636 = tpu.memref_slice %arg7[%mul3A_2] : memref<16384xf32, #tpu.memory_space<hbm>> -> memref<512xf32, #tpu.memory_space<hbm>>
      tpu.wait_dma2 semaphore(%run_scoped3A : memref<!tpu.dma_semaphore, #tpu.memory_space<semaphore_mem>>) src(%arg20 : memref<512xf32, #tpu.memory_space<vmem>>) dst(%dma_wait3A_1636 : memref<512xf32, #tpu.memory_space<hbm>>)
      tpu.yield
    }) : () -> ()
    return
  }
}

</mosaic_0001>

<sc_bundles>
// kernel: _run.3.cloned.1.call-start
scs
__scs_entry_jumppad:
0x0: {  	(pc) =	sbr.rel $0x88, $3  }
0x1: {  	(tag) =	ssettag $0x0;
	lr =	simm.s32 $0x1  }
0x2: {  	[smem:$0x3F9C] =	sst lr;
	_ =	strace $0xD0000000  }
0x3: {  	_ = 	snop  }
0x4: {  	_ = 	snop  }
0x5: {  	_ = 	snop  }
0x6: {  	_ = 	snop  }
0x7: {  	_ = 	snop  }
__scs_overlays_trampoline_lowered:
0x8: {  	[smem:$0x3FAB] =	sst s0  }
0x9: {  	[smem:$0x3FAC] =	sst s1  }
0xa: {  	[smem:$0x3FAD] =	sst s2  }
0xb: {  	[smem:$0x3FAE] =	sst s3  }
0xc: {  	[smem:$0x3FAF] =	sst s4  }
0xd: {  	[smem:$0x3FB0] =	sst s5  }
0xe: {  	[smem:$0x3FB1] =	sst s6  }
0xf: {  	[smem:$0x3FB2] =	sst s7  }
0x10: {  	[smem:$0x3FB3] =	sst s8  }
0x11: {  	[smem:$0x3FB4] =	sst s9;
	s0 =	simm.s32 @!p0 $0x0  }
0x12: {  	s1 =	sld [smem:$0x3F9A];
	s0 =	simm.s32 @p0 $0x1  }
0x13: {  	[smem:$0x3FB5] =	sst s0;
	s0 =	simm.s32 @!p1 $0x0  }
0x14: {  	s2 =	sld [smem:$0x3F99];
	s0 =	simm.s32 @p1 $0x1  }
0x15: {  	[smem:$0x3FB6] =	sst s0;
	s0 =	simm.s32 @!p2 $0x0  }
0x16: {  	s3 =	sld [smem:$0x3FDB];
	s0 =	simm.s32 @p2 $0x1  }
0x17: {  	s4 =	simm.s32 $0x1BF5;
	[smem:$0x3FB8] =	sst s0  }
0x18: {  	s0 =	sld [smem:$0x3F9B];
	_ =	swait.ge [sflag:s4], $0x0  }
0x19: {  	s7 =	sld [smem:$0x3F9C]  }
0x1a: {  	s8 =	sadd.s32 $0xFFFFE003, lr  }
0x1b: {  	s9 =	sadd.s32 $0xFFFFFEF7, lr;
	s5 =	simm.s32 $0xFFFFFFFF;
	p2 =	slt.u32 s8, $0xFFFFF086  }
0x1c: {  	p1 =	slt.u32 s9, $0xF7A;
	s5 =	simm.s32 @!p2 $0x0  }
0x1d: {  	s5 =	simm.s32 @p1 $0x1;
	p0 =	seq.s32 s7, s2  }
0x1e: {  	s7 =	smul.u32 @!p0 $0xF7A, s2;
	p2 =	seq.s32 @!p0 s5, $0x0  }
0x1f: {  	s9 =	smul.u32 $0xF7A, s1;
	s8 =	simm.s32 @!p0 $0x1BF5;
	p2 =	por !p2, p0  }
0x20: {  	[sflag:s8] =	ssyncset.s32 @!p0 $0xFFFFF086;
	s6 =	sadd.s32 @!p0 s3, s7;
	s7 =	simm.s32 @!p0 $0x108  }
0x21: {  	s3 =	sadd.s32 s3, s9;
	s6 =	sadd.s32 @!p0 $0x88, s6;
	s7 =	simm.s32 @p2 $0x1082  }
0x22: {  	[simem:s7], [sflag:s8] =	dma.local @!p0 [hbm:s6], $0xF7A  }
0x23: {  	s9 =	sor.u32 $0xD0000000, s2;
	s6 =	simm.s32 $0x108;
	_ =	swait.ge @!p0 [sflag:s8], $0x0  }
0x24: {  	s3 =	sadd.s32 $0x88, s3;
	s6 =	simm.s32 @!p1 $0x1082;
	[sflag:s4] =	ssyncset.s32 $0xFFFFF086  }
0x25: {  	[simem:s6], [sflag:s4] =	dma.local [hbm:s3], $0xF7A  }
0x26: {  	[smem:$0x3F9C] =	sst s1;
	(tag) =	ssettag s2;
	_ =	strace s9  }
0x27: {  	s1 =	sld [smem:$0x3FAC]  }
0x28: {  	s2 =	sld [smem:$0x3FAD]  }
0x29: {  	s4 =	sld [smem:$0x3FAF]  }
0x2a: {  	p0 =	seq.s32 s5, $0x0;
	s5 =	sld [smem:$0x3FB0]  }
0x2b: {  	s6 =	sld [smem:$0x3FB1]  }
0x2c: {  	s7 =	sld [smem:$0x3FB2]  }
0x2d: {  	s3 =	simm.s32 $0x108;
	s8 =	sld [smem:$0x3FB3]  }
0x2e: {  	s3 =	simm.s32 @!p0 $0x1082;
	s9 =	sld [smem:$0x3FB4]  }
0x2f: {  	lr =	sadd.s32 s0, s3;
	s0 =	sld [smem:$0x3FAB]  }
0x30: {  	s3 =	sld [smem:$0x3FAE]  }
0x31: {  	[smem:$0x3FB7] =	sst s10  }
0x32: {  	s10 =	sld [smem:$0x3FB5];
	_ =	sdelay $0x3  }
0x33: {  	p0 =	seq.s32 s10, $0x1;
	s10 =	sld [smem:$0x3FB7];
	_ =	sdelay $0x3  }
0x34: {  	[smem:$0x3FB7] =	sst s10  }
0x35: {  	s10 =	sld [smem:$0x3FB6];
	_ =	sdelay $0x3  }
0x36: {  	p1 =	seq.s32 s10, $0x1;
	s10 =	sld [smem:$0x3FB7];
	_ =	sdelay $0x3  }
0x37: {  	[smem:$0x3FB7] =	sst s10  }
0x38: {  	s10 =	sld [smem:$0x3FB8]  }
0x39: {  	_ = 	snop;
	(pc) =	sbr.ind lr, $3  }
0x3a: {  	_ = 	snop  }
0x3b: {  	_ = 	snop  }
0x3c: {  	p2 =	seq.s32 s10, $0x1;
	s10 =	sld [smem:$0x3FB7]  }
0x3d: {  	_ =	shalt  }
0x3e: {  	_ =	shalt  }
0x3f: {  	_ =	shalt  }
0x40: {  	_ =	shalt  }
0x41: {  	_ =	shalt  }
0x42: {  	_ =	shalt  }
0x43: {  	_ =	shalt  }
0x44: {  	_ =	shalt  }
0x45: {  	_ =	shalt  }
0x46: {  	_ =	shalt  }
0x47: {  	_ =	shalt  }
0x48: {  	_ =	shalt  }
0x49: {  	_ =	shalt  }
0x4a: {  	_ =	shalt  }
0x4b: {  	_ =	shalt  }
0x4c: {  	_ =	shalt  }
0x4d: {  	_ =	shalt  }
0x4e: {  	_ =	shalt  }
0x4f: {  	_ =	shalt  }
0x50: {  	_ =	shalt  }
0x51: {  	_ =	shalt  }
0x52: {  	_ =	shalt  }
0x53: {  	_ =	shalt  }
0x54: {  	_ =	shalt  }
0x55: {  	_ =	shalt  }
0x56: {  	_ =	shalt  }
0x57: {  	_ =	shalt  }
0x58: {  	_ =	shalt  }
0x59: {  	_ =	shalt  }
0x5a: {  	_ =	shalt  }
0x5b: {  	_ =	shalt  }
0x5c: {  	_ =	shalt  }
0x5d: {  	_ =	shalt  }
0x5e: {  	_ =	shalt  }
0x5f: {  	_ =	shalt  }
0x60: {  	_ =	shalt  }
0x61: {  	_ =	shalt  }
0x62: {  	_ =	shalt  }
0x63: {  	_ =	shalt  }
0x64: {  	_ =	shalt  }
0x65: {  	_ =	shalt  }
0x66: {  	_ =	shalt  }
0x67: {  	_ =	shalt  }
0x68: {  	_ =	shalt  }
0x69: {  	_ =	shalt  }
0x6a: {  	_ =	shalt  }
0x6b: {  	_ =	shalt  }
0x6c: {  	_ =	shalt  }
0x6d: {  	_ =	shalt  }
0x6e: {  	_ =	shalt  }
0x6f: {  	_ =	shalt  }
0x70: {  	_ =	shalt  }
0x71: {  	_ =	shalt  }
0x72: {  	_ =	shalt  }
0x73: {  	_ =	shalt  }
0x74: {  	_ =	shalt  }
0x75: {  	_ =	shalt  }
0x76: {  	_ =	shalt  }
0x77: {  	_ =	shalt  }
0x78: {  	_ =	shalt  }
0x79: {  	_ =	shalt  }
0x7a: {  	_ =	shalt  }
0x7b: {  	_ =	shalt  }
0x7c: {  	_ =	shalt  }
0x7d: {  	_ =	shalt  }
0x7e: {  	_ =	shalt  }
0x7f: {  	_ =	shalt  }
0x80: {  	_ =	shalt  }
0x81: {  	_ =	shalt  }
0x82: {  	_ =	shalt  }
0x83: {  	_ =	shalt  }
0x84: {  	_ =	shalt  }
0x85: {  	_ =	shalt  }
0x86: {  	_ =	shalt  }
0x87: {  	_ =	shalt  }
.Lfunc_end0:
.L_simem_size_0:
called_computation_lowered:
.L_overlay_start_0:
0x88: {  	s2 =	sld [smem:$0x3FD9]  }
0x89: {  	s3 =	sld [smem:$0x3FFE];
	_ =	sdelay $0x1  }
0x8a: {  	s1 =	srdreg.scid  }
0x8b: {  	s0 =	sand.u32 $0x1, s1  }
0x8c: {  	s18 =	sshll.u32 s0, $0xA;
	s2 =	sadd.s32 s3, s2  }
0x8d: {  	s2 =	sadd.s32 s2, s18  }
0x8e: {  	[smem:$0x3FC3] =	sst s2  }
0x8f: {  	_ = 	snop  }
0x90: {  	s2 =	sld [smem:$0x3FC9]  }
0x91: {  	s19 =	sld [smem:$0x3FC8]  }
0x92: {  	s4 =	sld [smem:$0x3FC7]  }
0x93: {  	s5 =	sld [smem:$0x3FC6]  }
0x94: {  	s6 =	sld [smem:$0x3FC5]  }
0x95: {  	s7 =	sld [smem:$0x3FD0];
	(tm) =	ssettm $0x1  }
0x96: {  	s8 =	sld [smem:$0x3FFB];
	_ =	sdelay $0x3  }
0x97: {  	_ =	strace s8  }
0x98: {  	s8 =	sld [smem:$0x3FFC];
	_ =	sdelay $0x3  }
0x99: {  	_ =	strace s8  }
0x9a: {  	s8 =	sld [smem:$0x3FFD];
	_ =	sdelay $0x3  }
0x9b: {  	_ =	strace s8  }
0x9c: {  	_ =	strace $0x8FFFFFFF  }
0x9d: {  	s20 =	sld [smem:$0x3FDB];
	_ =	sdelay $0x1  }
0x9e: {  	s9 =	simm.s32 $_scs_section_size  }
0x9f: {  	s10 =	simm.s32 $_size__tile_overlayer_lowered;
	s11 =	simm.s32 $_tile_overlayer_lowered  }
0xa0: {  	s23 =	simm.s32 $0x1BFF;
	s22 =	sshll.u32 s11, $0x1;
	s8 =	sadd.s32 s9, s20  }
0xa1: {  	s12 =	simm.s32 $0x0;
	s21 =	sshll.u32 s10, $0x1;
	s10 =	sadd.s32 s22, s8  }
0xa2: {  	[timem:s12], [sflag:s23] =	dma.local [hbm:s10], s21  }
0xa3: {  	_ =	swait.ge [sflag:s23], s21  }
0xa4: {  	s9 =	ssub.s32 $0x0, s21;
	[sflag:s23] =	ssyncset.done $0x0  }
0xa5: {  	[sflag:s23] =	ssyncadd.s32 s9;
	_ =	sdelay $0x1  }
0xa6: {  	s24 =	simm.s32 $0x1B8B  }
0xa7: {  	_ =	swait.ge [sflag:s24], $0x1  }
0xa8: {  	[sflag:s24] =	ssyncset.done $0x0  }
0xa9: {  	s25 =	simm.s32 $0x1B8E;
	[sflag:s24] =	ssyncadd.s32 $0xFFFFFFFF  }
0xaa: {  	s26 =	simm.s32 $execute0_lowered;
	[smem:$0x3FD2] =	sst s25  }
0xab: {  	s9 =	sshll.u32 s26, $0x1;
	_ =	strace $0x80000046;
	[dreg:$0x1] =	wrdreg $0xFFFFFFFF  }
0xac: {  	s28 =	simm.s32 $_size_execute0_lowered;
	s8 =	sadd.s32 s8, s9;
	[dreg:$0x0] =	wrdreg $0x0  }
0xad: {  	s9 =	sshll.u32 s28, $0x1;
	[dreg:$0x2] =	wrdreg s8  }
0xae: {  	[dreg:$0x3] =	wrdreg s9  }
0xaf: {  	[dreg:$0x4] =	wrdreg $0xC0  }
0xb0: {  	_ =	task [dreg:s12], $0x5FFFF  }
0xb1: {  	[dreg:$0x1] =	wrdreg $0xFFFFFFFF  }
0xb2: {  	[dreg:$0x0] =	wrdreg $0x60  }
0xb3: {  	[dreg:$0x2] =	wrdreg s2  }
0xb4: {  	[dreg:$0x3] =	wrdreg s19  }
0xb5: {  	[dreg:$0x4] =	wrdreg s4  }
0xb6: {  	[dreg:$0x5] =	wrdreg s5  }
0xb7: {  	[dreg:$0x6] =	wrdreg s6  }
0xb8: {  	[dreg:$0x7] =	wrdreg s7  }
0xb9: {  	[dreg:$0x8] =	wrdreg $0x1C6000  }
0xba: {  	[dreg:$0x9] =	wrdreg $0x9  }
0xbb: {  	_ =	task.clear_ibuf [dreg:s12], $0xAFFFF;
	_ =	strace $0x90000046  }
0xbc: {  	s29 =	simm.s32 $0x9;
	_ =	strace $0x80000048  }
0xbd: {  	_ =	swait.ge [sflag:s29], $0x1  }
0xbe: {  	[sflag:s29] =	ssyncadd.s32 $0xFFFFFFFF  }
0xbf: {  	_ =	strace $0x90000048  }
0xc0: {  	_ =	sfence  }
0xc1: {  	s30 =	sld [smem:$0x0];
	_ =	sdelay $0x2  }
0xc2: {  	s31 =	sshll.u32 s1, $0xD;
	s1 =	sshrl.u32 s1, $0x2  }
0xc3: {  	s3 =	sand.u32 $0x4000, s31;
	s1 =	sadd.s32 s1, s30  }
0xc4: {  	s0 =	sor.u32 s3, s0;
	s1 =	sshll.u32 s1, $0x11  }
0xc5: {  	s0 =	sor.u32 s1, s0  }
0xc6: {  	s0 =	sadd.s32 $0x8F2B, s0  }
0xc7: {  	[sflag:s0] =	ssyncadd.remote.s32 $0x1  }
0xc8: {  	_ =	sfence.sel $0xFFFF  }
0xc9: {  	[dreg:$0x0] =	wrdreg $0xFFFFFFFF;
	(pc) =	sbr.abs _section_cstart, $3  }
0xca: {  	[dreg:$0x1] =	wrdreg $0xFFFFFFFF  }
0xcb: {  	_ =	task.clear_ibuf [dreg:s12], $0x2FFFF;
	_ =	strace $0x9FFFFFFF  }
0xcc: {  	(tm) =	ssettm $0x7FFFFFFF  }
0xcd: {  	_ =	shalt  }
tec
execute0_lowered:
.L_overlay_start_1:
0x0: {  	(tag) =	ssettag $0x1  }
0x1: {  	s0 =	rddreg [dreg:$0x0]  }
0x2: {  	s4 =	rddreg [dreg:$0x1]  }
0x3: {  	s7 =	rddreg [dreg:$0x2]  }
0x4: {  	s1 =	rddreg [dreg:$0x3]  }
0x5: {  	s2 =	rddreg [dreg:$0x4]  }
0x6: {  	s12 =	rddreg [dreg:$0x5]  }
0x7: {  	s6 =	rddreg [dreg:$0x6]  }
0x8: {  	s5 =	srdreg.scid;
	s3 =	simm.s32 $0x0;
	s11 =	stileid.u32  }
0x9: {  	s15 =	simm.s32 $0x400;
	s16 =	simm.s32 $0x1;
	s17 =	simm.s32 $0x80  }
0xa: {  	s18 =	simm.s32 $0x600;
	s19 =	simm.s32 $0x4600;
	s20 =	simm.s32 $0x8600  }
0xb: {  	s21 =	simm.s32 $0x2;
	s22 =	simm.s32 $0xC600;
	s24 =	simm.s32 $0x10600  }
0xc: {  	s26 =	simm.s32 $0x14600;
	s28 =	simm.s32 $0x3;
	s25 =	simm.s32 $0x4  }
0xd: {  	s30 =	simm.s32 $0x5;
	s5 =	sand.u32 $0x1, s5;
	[smem:$0x7FF] =	sst s3  }
0xe: {  	s10 =	sshll.u32 s11, $0x7;
	s11 =	sshll.u32 s11, $0x9;
	s8 =	ssub.s32 $0x2, s5  }
0xf: {  	_ =	strace $0x80000047;
	s5 =	sshll.u32 s5, $0x6;
	s29 =	sand.u32 $0x1000, s11  }
0x10: {  	s31 =	sand.u32 $0x380, s10;
	s9 =	sshrl.u32 s8, $0x1;
	s14 =	sor.u32 s5, s10  }
0x11: {  	s13 =	ssub.s32 s8, s9;
	s5 =	sadd.s32 s0, s14;
	s8 =	sadd.s32 s29, s6  }
0x12: {  	s6 =	sadd.s32 s4, s14;
	s7 =	sadd.s32 s7, s14;
	s12 =	sadd.s32 s12, s14  }
0x13: {  	s0 =	simm.s32 $0x0;
	s8 =	sadd.s32 s31, s8;
	s13 =	smax.u32 s13, $0x1  }
0x14: {  	s9 =	sadd.s32 $0x400, s8;
	s10 =	sadd.s32 $0x800, s8;
	s11 =	sadd.s32 $0xC00, s8  }
.LBB2_1:
0x15: {  	[tilespmem:s3], [sflag:$0x1] =	stream.linear.gather [hbm4b:s5+s3], $0x200, $0x38;
	[tilespmem:$0x1CC00] =	vst v63  }
0x16: {  	s4 =	simm.s32 $0x200  }
0x17: {  	[tilespmem:s4], [sflag:$0x1] =	stream.linear.gather [hbm4b:s6+s3], $0x200, $0x38;
	[tilespmem:$0x1CC00] =	vst v63  }
0x18: {  	_ = 	snop  }
0x19: {  	[tilespmem:s15], [sflag:$0x1] =	stream.linear.gather [hbm4b:s7+s3], $0x200, $0x38;
	[tilespmem:$0x1CC00] =	vst v63  }
0x1a: {  	_ =	swait.ge [sflag:s16], $0x200  }
0x1b: {  	[sflag:s16] =	ssyncset.done $0x0  }
0x1c: {  	[sflag:s16] =	ssyncadd.s32 $0xFFFFFE00  }
0x1d: {  	_ =	swait.ge [sflag:s16], $0x200  }
0x1e: {  	[sflag:s16] =	ssyncset.done $0x0  }
0x1f: {  	[sflag:s16] =	ssyncadd.s32 $0xFFFFFE00  }
0x20: {  	_ =	swait.ge [sflag:s16], $0x200  }
0x21: {  	[sflag:s16] =	ssyncset.done $0x0  }
0x22: {  	[sflag:s16] =	ssyncadd.s32 $0xFFFFFE00  }
0x23: {  	[tilespmem:s18], [sflag:$0x2] =	stream.indirect.gather [hbm4b:s1+s17], $0x80, s3, s17, $0xb8;
	[tilespmem:$0x1CC00] =	vst v63  }
0x24: {  	_ = 	snop  }
0x25: {  	[tilespmem:s19], [sflag:$0x2] =	stream.indirect.gather [hbm4b:s2+s17], $0x80, s4, s17, $0xb8;
	[tilespmem:$0x1CC00] =	vst v63  }
0x26: {  	_ = 	snop  }
0x27: {  	[tilespmem:s20], [sflag:$0x2] =	stream.indirect.gather [hbm4b:s1+s17], $0x80, s15, s17, $0xb8;
	[tilespmem:$0x1CC00] =	vst v63  }
0x28: {  	_ =	swait.ge [sflag:s21], $0x4000  }
0x29: {  	[sflag:s21] =	ssyncset.done $0x0  }
0x2a: {  	[sflag:s21] =	ssyncadd.s32 $0xFFFFC000  }
0x2b: {  	_ =	swait.ge [sflag:s21], $0x4000  }
0x2c: {  	[sflag:s21] =	ssyncset.done $0x0  }
0x2d: {  	[sflag:s21] =	ssyncadd.s32 $0xFFFFC000  }
0x2e: {  	_ =	swait.ge [sflag:s21], $0x4000  }
0x2f: {  	[sflag:s21] =	ssyncset.done $0x0  }
0x30: {  	[sflag:s21] =	ssyncadd.s32 $0xFFFFC000  }
0x31: {  	[tilespmem:s22], [sflag:$0x3] =	stream.indirect.gather [hbm4b:s1+s17], $0x80, s17, s17, $0xb8;
	[tilespmem:$0x1CC00] =	vst v63  }
0x32: {  	s14 =	simm.s32 $0x280  }
0x33: {  	[tilespmem:s24], [sflag:$0x3] =	stream.indirect.gather [hbm4b:s2+s17], $0x80, s14, s17, $0xb8;
	[tilespmem:$0x1CC00] =	vst v63  }
0x34: {  	s23 =	simm.s32 $0x480  }
0x35: {  	[tilespmem:s26], [sflag:$0x3] =	stream.indirect.gather [hbm4b:s1+s17], $0x80, s23, s17, $0xb8;
	[tilespmem:$0x1CC00] =	vst v63  }
0x36: {  	s23 =	simm.s32 $0x0  }
0x37: {  	v1 =	vld [tilespmem:s23+$0x4670]  }
0x38: {  	v0 =	vld [tilespmem:s23+$0x4660]  }
0x39: {  	v2 =	vld [tilespmem:s23+$0x650]  }
0x3a: {  	v3 =	vld [tilespmem:s23+$0x620]  }
0x3b: {  	v4 =	vld [tilespmem:s23+$0x640]  }
0x3c: {  	v5 =	vld [tilespmem:s23+$0x660]  }
0x3d: {  	v6 =	vld [tilespmem:s23+$0x630]  }
0x3e: {  	v7 =	vld [tilespmem:s23+$0x8620]  }
0x3f: {  	v8 =	vld [tilespmem:s23+$0x4650]  }
0x40: {  	v9 =	vld [tilespmem:s23+$0x8650]  }
0x41: {  	v10 =	vld [tilespmem:s23+$0x4620]  }
0x42: {  	v11 =	vld [tilespmem:s23+$0x4640]  }
0x43: {  	v12 =	vld [tilespmem:s23+$0x8640]  }
0x44: {  	v13 =	vld [tilespmem:s23+$0x4630]  }
0x45: {  	v14 =	vld [tilespmem:s23+$0x600]  }
0x46: {  	v15 =	vld [tilespmem:s23+$0x4600]  }
0x47: {  	v16 =	vld [tilespmem:s23+$0x8630]  }
0x48: {  	v17 =	vld [tilespmem:s23+$0x670]  }
0x49: {  	v18 =	vld [tilespmem:s23+$0x8670]  }
0x4a: {  	v19 =	vld [tilespmem:s23+$0x8660]  }
0x4b: {  	v20 =	vld [tilespmem:s23+$0x4610]  }
0x4c: {  	v21 =	vld [tilespmem:s23+$0x8600]  }
0x4d: {  	v22 =	vld [tilespmem:s23+$0x610]  }
0x4e: {  	s4 =	simm.s32 $0x80;
	v23 =	vld [tilespmem:s23+$0x8610]  }
0x4f: {  	v24 =	vld [tilespmem:s4+$0x4670]  }
0x50: {  	v25 =	vld [tilespmem:s4+$0x4660]  }
0x51: {  	v26 =	vld [tilespmem:s4+$0x650]  }
0x52: {  	v27 =	vld [tilespmem:s4+$0x620]  }
0x53: {  	v28 =	vld [tilespmem:s4+$0x640]  }
0x54: {  	v29 =	vld [tilespmem:s4+$0x660]  }
0x55: {  	v30 =	vld [tilespmem:s4+$0x630]  }
0x56: {  	v31 =	vld [tilespmem:s4+$0x8620]  }
0x57: {  	v32 =	vld [tilespmem:s4+$0x4650]  }
0x58: {  	v33 =	vld [tilespmem:s4+$0x8650]  }
0x59: {  	v34 =	vld [tilespmem:s4+$0x4620]  }
0x5a: {  	v35 =	vld [tilespmem:s4+$0x4640]  }
0x5b: {  	v36 =	vld [tilespmem:s4+$0x8640]  }
0x5c: {  	v37 =	vld [tilespmem:s4+$0x4630];
	v14 =	vadd.f32 v15, v14;
	v15 =	vadd.f32 v20, v22  }
0x5d: {  	s29 =	simm.s32 $0x100;
	v57 =	vld [tilespmem:s4+$0x8630];
	v3 =	vadd.f32 v10, v3  }
0x5e: {  	v58 =	vld [tilespmem:s29+$0x8620];
	v14 =	vsub.f32 v14, v21;
	v15 =	vsub.f32 v15, v23  }
0x5f: {  	v59 =	vld [tilespmem:s29+$0x4650];
	v6 =	vadd.f32 v13, v6  }
0x60: {  	v20 =	vld [tilespmem:s4+$0x600];
	v3 =	vsub.f32 v3, v7;
	v13 =	vmul.f32 v14, v14;
	v14 =	vmul.f32 v15, v15  }
0x61: {  	v10 =	vld [tilespmem:s4+$0x4600];
	v4 =	vadd.f32 v11, v4  }
0x62: {  	v11 =	vld [tilespmem:s4+$0x8660];
	v6 =	vsub.f32 v6, v16;
	v3 =	vmul.f32 v3, v3;
	v13 =	vadd.f32 v14, v13  }
0x63: {  	v2 =	vadd.f32 v8, v2;
	v8 =	vld [tilespmem:s4+$0x610];
	v5 =	vadd.f32 v0, v5  }
0x64: {  	v0 =	vld [tilespmem:s29+$0x4670];
	v4 =	vsub.f32 v4, v12;
	v6 =	vmul.f32 v6, v6;
	v3 =	vadd.f32 v3, v13  }
0x65: {  	v1 =	vadd.f32 v1, v17;
	v17 =	vld [tilespmem:s29+$0x660]  }
0x66: {  	v7 =	vld [tilespmem:s4+$0x670];
	v2 =	vsub.f32 v2, v9;
	v4 =	vmul.f32 v4, v4;
	v3 =	vadd.f32 v6, v3  }
0x67: {  	v12 =	vld [tilespmem:s4+$0x8600]  }
0x68: {  	v5 =	vsub.f32 v5, v19;
	v19 =	vld [tilespmem:s29+$0x650];
	v2 =	vmul.f32 v2, v2;
	v3 =	vadd.f32 v4, v3  }
0x69: {  	v16 =	vld [tilespmem:s29+$0x640]  }
0x6a: {  	v1 =	vsub.f32 v1, v18;
	v18 =	vld [tilespmem:s29+$0x630];
	v5 =	vmul.f32 v5, v5;
	v2 =	vadd.f32 v2, v3  }
0x6b: {  	v15 =	vld [tilespmem:s4+$0x8670]  }
0x6c: {  	v1 =	vmul.f32 v1, v1;
	v14 =	vld [tilespmem:s4+$0x4610];
	v2 =	vadd.f32 v5, v2  }
0x6d: {  	v13 =	vld [tilespmem:s4+$0x8610]  }
0x6e: {  	v9 =	vadd.f32 v35, v28;
	v6 =	vld [tilespmem:s29+$0x4660];
	v1 =	vadd.f32 v1, v2  }
0x6f: {  	v4 =	vld [tilespmem:s29+$0x620]  }
0x70: {  	v28 =	vsub.f32 v9, v36;
	v3 =	vadd.f32 v34, v27;
	v2 =	vld [tilespmem:s29+$0x8650];
	[tilespmem:s23+$0x18600] =	vst v1  }
0x71: {  	v9 =	vadd.f32 v10, v20;
	v20 =	vadd.f32 v32, v26;
	v61 =	vld [tilespmem:s23+$0x18608]  }
0x72: {  	v60 =	vsub.f32 v3, v31;
	v3 =	vadd.f32 v37, v30;
	v10 =	vld [tilespmem:s29+$0x4620]  }
0x73: {  	v9 =	vsub.f32 v9, v12;
	v8 =	vadd.f32 v14, v8;
	v14 =	vld [tilespmem:s29+$0x4640]  }
0x74: {  	v21 =	vsub.f32 v3, v57;
	v3 =	vadd.f32 v24, v7;
	v7 =	vld [tilespmem:s29+$0x8640]  }
0x75: {  	v8 =	vsub.f32 v8, v13;
	v5 =	vadd.f32 v25, v29;
	v12 =	vld [tilespmem:s29+$0x4630]  }
0x76: {  	v3 =	vsub.f32 v3, v15;
	v62 =	vld [tilespmem:s29+$0x600];
	v15 =	vadd.f32 v1, v61  }
0x77: {  	v20 =	vsub.f32 v20, v33;
	v8 =	vmul.f32 v8, v8;
	v63 =	vld [tilespmem:s29+$0x4600];
	v1 =	vmul.f32 v9, v9  }
0x78: {  	v13 =	vsub.f32 v5, v11;
	v5 =	vadd.f32 v6, v17;
	v9 =	vld [tilespmem:s29+$0x8630];
	[tilespmem:s23+$0x18600] =	vst v15  }
0x79: {  	v10 =	vadd.f32 v10, v4;
	v6 =	vadd.f32 v8, v1;
	v8 =	vmul.f32 v60, v60;
	v17 =	vld [tilespmem:s23+$0x18604]  }
0x7a: {  	v21 =	vmul.f32 v21, v21;
	v14 =	vadd.f32 v14, v16;
	v16 =	vadd.f32 v12, v18;
	v11 =	vld [tilespmem:s29+$0x670]  }
0x7b: {  	v4 =	vmul.f32 v28, v28;
	v1 =	vsub.f32 v10, v58;
	v18 =	vadd.f32 v8, v6  }
0x7c: {  	v12 =	vsub.f32 v14, v7;
	v7 =	vadd.f32 v63, v62;
	v10 =	vld [tilespmem:s29+$0x8670];
	v6 =	vmul.f32 v20, v20  }
0x7d: {  	s31 =	simm.s32 $0x600;
	v14 =	vld [tilespmem:s29+$0x8660];
	v8 =	vmul.f32 v13, v13;
	v13 =	vadd.f32 v59, v19;
	v18 =	vadd.f32 v21, v18  }
.LBB2_2:
0x7e: {  	p0 =	sne.s32 s31, $0xFE00;
	v19 =	vsub.f32 v16, v9;
	v9 =	vadd.f32 v17, v15;
	s14 =	smov.u32 s31;
	s31 =	sadd.s32 $0x200, s31  }
0x7f: {  	v0 =	vadd.f32 v0, v11;
	v11 =	vadd.f32 v4, v18;
	v4 =	vmul.f32 v12, v12  }
0x80: {  	[tilespmem:s23+$0x18600] =	vst v9  }
0x81: {  	v0 =	vsub.f32 v0, v10;
	v6 =	vadd.f32 v6, v11;
	v10 =	vld [tilespmem:s23+$0x18602]  }
0x82: {  	v5 =	vsub.f32 v5, v14  }
0x83: {  	v2 =	vsub.f32 v13, v2;
	v12 =	vmul.f32 v3, v3;
	v11 =	vld [tilespmem:s29+$0x4610];
	v8 =	vadd.f32 v8, v6;
	v3 =	vmovc v0  }
0x84: {  	v13 =	vld [tilespmem:s29+$0x8600]  }
0x85: {  	v6 =	vmul.f32 v2, v2;
	v14 =	vld [tilespmem:s29+$0x610];
	v12 =	vadd.f32 v12, v8  }
0x86: {  	s14 =	sshra.s32 s14, $0x2;
	v15 =	vld [tilespmem:s29+$0x8610];
	v2 =	vadd.f32 v10, v9  }
0x87: {  	v0 =	vld [tilespmem:s14+$0x4670]  }
0x88: {  	v9 =	vld [tilespmem:s14+$0x4660];
	[tilespmem:s23+$0x18600] =	vst v2  }
0x89: {  	v10 =	vld [tilespmem:s23+$0x18601]  }
0x8a: {  	v8 =	vmul.f32 v5, v5;
	v18 =	vld [tilespmem:s14+$0x650]  }
0x8b: {  	v16 =	vld [tilespmem:s14+$0x620]  }
0x8c: {  	v17 =	vld [tilespmem:s14+$0x640]  }
0x8d: {  	v5 =	vld [tilespmem:s14+$0x660]  }
0x8e: {  	v20 =	vld [tilespmem:s14+$0x630];
	v2 =	vadd.f32 v10, v2  }
0x8f: {  	v10 =	vld [tilespmem:s14+$0x8620]  }
0x90: {  	v21 =	vld [tilespmem:s14+$0x4650];
	[tilespmem:s23+$0x18600] =	vst v2;
	s23 =	smov.u32 s4;
	s4 =	smov.u32 s29;
	s29 =	smov.u32 s14  }
0x91: {  	v2 =	vld [tilespmem:s29+$0x8650];
	[tilespmem:s23+$0x18600] =	vst v12  }
0x92: {  	v5 =	vadd.f32 v9, v5;
	v9 =	vld [tilespmem:s23+$0x18608]  }
0x93: {  	v22 =	vld [tilespmem:s29+$0x4620]  }
0x94: {  	v11 =	vadd.f32 v11, v14;
	v23 =	vld [tilespmem:s29+$0x4640]  }
0x95: {  	v7 =	vsub.f32 v7, v13;
	v14 =	vld [tilespmem:s29+$0x8640]  }
0x96: {  	v11 =	vsub.f32 v11, v15;
	v13 =	vld [tilespmem:s29+$0x4630]  }
0x97: {  	v24 =	vld [tilespmem:s29+$0x600];
	v15 =	vadd.f32 v12, v9  }
0x98: {  	v7 =	vmul.f32 v7, v7;
	v11 =	vmul.f32 v11, v11;
	v25 =	vld [tilespmem:s29+$0x4600];
	v12 =	vadd.f32 v22, v16  }
0x99: {  	v9 =	vld [tilespmem:s29+$0x8630];
	v22 =	vadd.f32 v23, v17;
	[tilespmem:s23+$0x18600] =	vst v15  }
.Ltmp0:
0x9a: {  	v7 =	vadd.f32 v11, v7;
	v23 =	vmul.f32 v1, v1;
	v1 =	vsub.f32 v12, v10;
	v17 =	vld [tilespmem:s23+$0x18604];
	(pc) =	sbr.rel @p0 .LBB2_2-.Ltmp0, $4  }
0x9b: {  	v16 =	vadd.f32 v13, v20;
	v12 =	vsub.f32 v22, v14;
	v11 =	vld [tilespmem:s29+$0x670]  }
0x9c: {  	v19 =	vmul.f32 v19, v19;
	v20 =	vadd.f32 v23, v7;
	v10 =	vld [tilespmem:s29+$0x8670]  }
0x9d: {  	v13 =	vadd.f32 v21, v18;
	v7 =	vadd.f32 v25, v24;
	v14 =	vld [tilespmem:s29+$0x8660]  }
0x9e: {  	v18 =	vadd.f32 v19, v20  }
0x9f: {  	v15 =	vadd.f32 v17, v15;
	_ =	sdelay $0x1  }
0xa0: {  	[tilespmem:s23+$0x18600] =	vst v15  }
0xa1: {  	v45 =	vld [tilespmem:s23+$0x18602];
	_ =	sdelay $0x3  }
0xa2: {  	v19 =	vld [tilespmem:s29+$0x4610]  }
0xa3: {  	v20 =	vld [tilespmem:s29+$0x8600];
	v15 =	vadd.f32 v45, v15  }
0xa4: {  	v21 =	vld [tilespmem:s29+$0x610]  }
0xa5: {  	v46 =	vld [tilespmem:s29+$0x8610];
	[tilespmem:s23+$0x18600] =	vst v15  }
0xa6: {  	v4 =	vadd.f32 v4, v18;
	v47 =	vld [tilespmem:s23+$0x18601];
	_ =	sdelay $0x1  }
0xa7: {  	v4 =	vadd.f32 v6, v4;
	_ =	sdelay $0x1  }
0xa8: {  	v3 =	vmul.f32 v3, v3;
	v4 =	vadd.f32 v8, v4  }
0xa9: {  	v48 =	vadd.f32 v47, v15  }
0xaa: {  	v3 =	vadd.f32 v3, v4  }
0xab: {  	[tilespmem:s23+$0x18600] =	vst v48  }
0xac: {  	[tilespmem:s4+$0x18600] =	vst v3  }
0xad: {  	v49 =	vld [tilespmem:s4+$0x18608];
	_ =	sdelay $0x4  }
0xae: {  	v3 =	vadd.f32 v3, v49;
	_ =	sdelay $0x1  }
0xaf: {  	[tilespmem:s4+$0x18600] =	vst v3  }
0xb0: {  	v50 =	vld [tilespmem:s4+$0x18604];
	_ =	sdelay $0x3  }
0xb1: {  	v51 =	vadd.f32 v19, v21  }
0xb2: {  	v3 =	vadd.f32 v50, v3  }
0xb3: {  	v52 =	vsub.f32 v7, v20;
	v6 =	vsub.f32 v51, v46  }
0xb4: {  	[tilespmem:s4+$0x18600] =	vst v3  }
0xb5: {  	v4 =	vmul.f32 v52, v52;
	v6 =	vmul.f32 v6, v6;
	v53 =	vld [tilespmem:s4+$0x18602];
	_ =	sdelay $0x1  }
0xb6: {  	v54 =	vsub.f32 v16, v9;
	v1 =	vmul.f32 v1, v1;
	v4 =	vadd.f32 v6, v4;
	_ =	sdelay $0x1  }
0xb7: {  	v55 =	vmul.f32 v54, v54;
	v1 =	vadd.f32 v1, v4  }
0xb8: {  	v3 =	vadd.f32 v53, v3  }
0xb9: {  	v56 =	vmul.f32 v12, v12;
	v2 =	vsub.f32 v13, v2;
	v1 =	vadd.f32 v55, v1  }
0xba: {  	v0 =	vadd.f32 v0, v11;
	[tilespmem:s4+$0x18600] =	vst v3  }
0xbb: {  	v2 =	vmul.f32 v2, v2;
	v57 =	vsub.f32 v5, v14;
	v1 =	vadd.f32 v56, v1;
	v58 =	vld [tilespmem:s4+$0x18601];
	_ =	sdelay $0x1  }
0xbc: {  	v0 =	vsub.f32 v0, v10;
	v4 =	vmul.f32 v57, v57;
	v1 =	vadd.f32 v2, v1;
	_ =	sdelay $0x1  }
0xbd: {  	v0 =	vmul.f32 v0, v0;
	v1 =	vadd.f32 v4, v1  }
0xbe: {  	v59 =	vadd.f32 v58, v3  }
0xbf: {  	v0 =	vadd.f32 v0, v1  }
0xc0: {  	[tilespmem:s4+$0x18600] =	vst v59  }
0xc1: {  	[tilespmem:s29+$0x18600] =	vst v0  }
0xc2: {  	v60 =	vld [tilespmem:s29+$0x18608];
	_ =	sdelay $0x4  }
0xc3: {  	v0 =	vadd.f32 v0, v60;
	_ =	sdelay $0x1  }
0xc4: {  	[tilespmem:s29+$0x18600] =	vst v0  }
0xc5: {  	v61 =	vld [tilespmem:s29+$0x18604];
	_ =	sdelay $0x4  }
0xc6: {  	v0 =	vadd.f32 v61, v0;
	_ =	sdelay $0x1  }
0xc7: {  	[tilespmem:s29+$0x18600] =	vst v0  }
0xc8: {  	v62 =	vld [tilespmem:s29+$0x18602];
	_ =	sdelay $0x4  }
0xc9: {  	v0 =	vadd.f32 v62, v0;
	_ =	sdelay $0x1  }
0xca: {  	[tilespmem:s29+$0x18600] =	vst v0  }
0xcb: {  	v63 =	vld [tilespmem:s29+$0x18601];
	_ =	sdelay $0x4  }
0xcc: {  	v0 =	vadd.f32 v63, v0;
	_ =	sdelay $0x1  }
0xcd: {  	s14 =	sadd.s32 $0x0, s8;
	s23 =	simm.s32 $0x4;
	s4 =	simm.s32 $0x18600;
	[tilespmem:s29+$0x18600] =	vst v0  }
0xce: {  	[spmem:s14] =	stream.linear.scatter [tilespmem:s4], [sflag:$0x4], $0x1, $0x38;
	[tilespmem:$0x1CC00] =	vst v63  }
.LBB2_4:
0xcf: {  	p0 =	sne.s32 s23, $0x1FC  }
.Ltmp1:
0xd0: {  	_ = 	snop;
	(pc) =	sbr.rel @p0 .LBB2_4-.Ltmp1, $4  }
0xd1: {  	_ = 	snop  }
0xd2: {  	s14 =	sshra.s32 s23, $0x2;
	s23 =	sadd.s32 $0x4, s23  }
0xd3: {  	s4 =	sadd.s32 $0x80, s4;
	s14 =	sadd.s32 s14, s8  }
0xd4: {  	[spmem:s14] =	stream.linear.scatter [tilespmem:s4], [sflag:$0x4], $0x1, $0x38;
	[tilespmem:$0x1CC00] =	vst v63  }
0xd5: {  	_ =	swait.ge [sflag:s28], $0x4000  }
0xd6: {  	[sflag:s28] =	ssyncset.done $0x0  }
0xd7: {  	[sflag:s28] =	ssyncadd.s32 $0xFFFFC000  }
0xd8: {  	_ =	swait.ge [sflag:s28], $0x4000  }
0xd9: {  	[sflag:s28] =	ssyncset.done $0x0  }
0xda: {  	[sflag:s28] =	ssyncadd.s32 $0xFFFFC000  }
0xdb: {  	_ =	swait.ge [sflag:s28], $0x4000  }
0xdc: {  	[sflag:s28] =	ssyncset.done $0x0  }
0xdd: {  	s4 =	simm.s32 $0x100;
	[sflag:s28] =	ssyncadd.s32 $0xFFFFC000  }
0xde: {  	[tilespmem:s18], [sflag:$0x2] =	stream.indirect.gather [hbm4b:s1+s17], $0x80, s4, s17, $0xb8;
	[tilespmem:$0x1CC00] =	vst v63  }
0xdf: {  	s14 =	simm.s32 $0x300  }
0xe0: {  	[tilespmem:s19], [sflag:$0x2] =	stream.indirect.gather [hbm4b:s2+s17], $0x80, s14, s17, $0xb8;
	[tilespmem:$0x1CC00] =	vst v63  }
0xe1: {  	s23 =	simm.s32 $0x500  }
0xe2: {  	[tilespmem:s20], [sflag:$0x2] =	stream.indirect.gather [hbm4b:s1+s17], $0x80, s23, s17, $0xb8;
	[tilespmem:$0x1CC00] =	vst v63  }
0xe3: {  	s23 =	simm.s32 $0x0  }
0xe4: {  	v1 =	vld [tilespmem:s23+$0x10670]  }
0xe5: {  	v0 =	vld [tilespmem:s23+$0x10660]  }
0xe6: {  	v2 =	vld [tilespmem:s23+$0xC650]  }
0xe7: {  	v3 =	vld [tilespmem:s23+$0xC620]  }
0xe8: {  	v4 =	vld [tilespmem:s23+$0xC640]  }
0xe9: {  	v5 =	vld [tilespmem:s23+$0xC660]  }
0xea: {  	v6 =	vld [tilespmem:s23+$0xC630]  }
0xeb: {  	v7 =	vld [tilespmem:s23+$0x14620]  }
0xec: {  	v8 =	vld [tilespmem:s23+$0x10650]  }
0xed: {  	v9 =	vld [tilespmem:s23+$0x14650]  }
0xee: {  	v10 =	vld [tilespmem:s23+$0x10620]  }
0xef: {  	v11 =	vld [tilespmem:s23+$0x10640]  }
0xf0: {  	v12 =	vld [tilespmem:s23+$0x14640]  }
0xf1: {  	v13 =	vld [tilespmem:s23+$0x10630]  }
0xf2: {  	v14 =	vld [tilespmem:s23+$0xC600]  }
0xf3: {  	v15 =	vld [tilespmem:s23+$0x10600]  }
0xf4: {  	v16 =	vld [tilespmem:s23+$0x14630]  }
0xf5: {  	v17 =	vld [tilespmem:s23+$0xC670]  }
0xf6: {  	v18 =	vld [tilespmem:s23+$0x14670]  }
0xf7: {  	v19 =	vld [tilespmem:s23+$0x14660]  }
0xf8: {  	v20 =	vld [tilespmem:s23+$0x10610]  }
0xf9: {  	v21 =	vld [tilespmem:s23+$0x14600]  }
0xfa: {  	v22 =	vld [tilespmem:s23+$0xC610]  }
0xfb: {  	s4 =	simm.s32 $0x80;
	v23 =	vld [tilespmem:s23+$0x14610]  }
0xfc: {  	v24 =	vld [tilespmem:s4+$0x10670]  }
0xfd: {  	v25 =	vld [tilespmem:s4+$0x10660]  }
0xfe: {  	v26 =	vld [tilespmem:s4+$0xC650]  }
0xff: {  	v27 =	vld [tilespmem:s4+$0xC620]  }
0x100: {  	v28 =	vld [tilespmem:s4+$0xC640]  }
0x101: {  	v29 =	vld [tilespmem:s4+$0xC660]  }
0x102: {  	v30 =	vld [tilespmem:s4+$0xC630]  }
0x103: {  	v31 =	vld [tilespmem:s4+$0x14620]  }
0x104: {  	v32 =	vld [tilespmem:s4+$0x10650]  }
0x105: {  	v33 =	vld [tilespmem:s4+$0x14650]  }
0x106: {  	v34 =	vld [tilespmem:s4+$0x10620]  }
0x107: {  	v35 =	vld [tilespmem:s4+$0x10640]  }
0x108: {  	v36 =	vld [tilespmem:s4+$0x14640]  }
0x109: {  	v37 =	vld [tilespmem:s4+$0x10630];
	v14 =	vadd.f32 v15, v14;
	v15 =	vadd.f32 v20, v22  }
0x10a: {  	s29 =	simm.s32 $0x100;
	v57 =	vld [tilespmem:s4+$0x14630];
	v3 =	vadd.f32 v10, v3  }
0x10b: {  	v58 =	vld [tilespmem:s29+$0x14620];
	v14 =	vsub.f32 v14, v21;
	v15 =	vsub.f32 v15, v23  }
0x10c: {  	v59 =	vld [tilespmem:s29+$0x10650];
	v6 =	vadd.f32 v13, v6  }
0x10d: {  	v20 =	vld [tilespmem:s4+$0xC600];
	v3 =	vsub.f32 v3, v7;
	v13 =	vmul.f32 v14, v14;
	v14 =	vmul.f32 v15, v15  }
0x10e: {  	v10 =	vld [tilespmem:s4+$0x10600];
	v4 =	vadd.f32 v11, v4  }
0x10f: {  	v11 =	vld [tilespmem:s4+$0x14660];
	v6 =	vsub.f32 v6, v16;
	v3 =	vmul.f32 v3, v3;
	v13 =	vadd.f32 v14, v13  }
0x110: {  	v2 =	vadd.f32 v8, v2;
	v8 =	vld [tilespmem:s4+$0xC610];
	v5 =	vadd.f32 v0, v5  }
0x111: {  	v0 =	vld [tilespmem:s29+$0x10670];
	v4 =	vsub.f32 v4, v12;
	v6 =	vmul.f32 v6, v6;
	v3 =	vadd.f32 v3, v13  }
0x112: {  	v1 =	vadd.f32 v1, v17;
	v17 =	vld [tilespmem:s29+$0xC660]  }
0x113: {  	v7 =	vld [tilespmem:s4+$0xC670];
	v2 =	vsub.f32 v2, v9;
	v4 =	vmul.f32 v4, v4;
	v3 =	vadd.f32 v6, v3  }
0x114: {  	v12 =	vld [tilespmem:s4+$0x14600]  }
0x115: {  	v5 =	vsub.f32 v5, v19;
	v19 =	vld [tilespmem:s29+$0xC650];
	v2 =	vmul.f32 v2, v2;
	v3 =	vadd.f32 v4, v3  }
0x116: {  	v16 =	vld [tilespmem:s29+$0xC640]  }
0x117: {  	v1 =	vsub.f32 v1, v18;
	v18 =	vld [tilespmem:s29+$0xC630];
	v5 =	vmul.f32 v5, v5;
	v2 =	vadd.f32 v2, v3  }
0x118: {  	v15 =	vld [tilespmem:s4+$0x14670]  }
0x119: {  	v1 =	vmul.f32 v1, v1;
	v14 =	vld [tilespmem:s4+$0x10610];
	v2 =	vadd.f32 v5, v2  }
0x11a: {  	v13 =	vld [tilespmem:s4+$0x14610]  }
0x11b: {  	v9 =	vadd.f32 v35, v28;
	v6 =	vld [tilespmem:s29+$0x10660];
	v1 =	vadd.f32 v1, v2  }
0x11c: {  	v4 =	vld [tilespmem:s29+$0xC620]  }
0x11d: {  	v28 =	vsub.f32 v9, v36;
	v3 =	vadd.f32 v34, v27;
	v2 =	vld [tilespmem:s29+$0x14650];
	[tilespmem:s23+$0x18600] =	vst v1  }
0x11e: {  	v9 =	vadd.f32 v10, v20;
	v20 =	vadd.f32 v32, v26;
	v61 =	vld [tilespmem:s23+$0x18608]  }
0x11f: {  	v60 =	vsub.f32 v3, v31;
	v3 =	vadd.f32 v37, v30;
	v10 =	vld [tilespmem:s29+$0x10620]  }
0x120: {  	v9 =	vsub.f32 v9, v12;
	v8 =	vadd.f32 v14, v8;
	v14 =	vld [tilespmem:s29+$0x10640]  }
0x121: {  	v21 =	vsub.f32 v3, v57;
	v3 =	vadd.f32 v24, v7;
	v7 =	vld [tilespmem:s29+$0x14640]  }
0x122: {  	v8 =	vsub.f32 v8, v13;
	v5 =	vadd.f32 v25, v29;
	v12 =	vld [tilespmem:s29+$0x10630]  }
0x123: {  	v3 =	vsub.f32 v3, v15;
	v62 =	vld [tilespmem:s29+$0xC600];
	v15 =	vadd.f32 v1, v61  }
0x124: {  	v20 =	vsub.f32 v20, v33;
	v8 =	vmul.f32 v8, v8;
	v63 =	vld [tilespmem:s29+$0x10600];
	v1 =	vmul.f32 v9, v9  }
0x125: {  	v13 =	vsub.f32 v5, v11;
	v5 =	vadd.f32 v6, v17;
	v9 =	vld [tilespmem:s29+$0x14630];
	[tilespmem:s23+$0x18600] =	vst v15  }
0x126: {  	v10 =	vadd.f32 v10, v4;
	v6 =	vadd.f32 v8, v1;
	v8 =	vmul.f32 v60, v60;
	v17 =	vld [tilespmem:s23+$0x18604]  }
0x127: {  	v21 =	vmul.f32 v21, v21;
	v14 =	vadd.f32 v14, v16;
	v16 =	vadd.f32 v12, v18;
	v11 =	vld [tilespmem:s29+$0xC670]  }
0x128: {  	v4 =	vmul.f32 v28, v28;
	v1 =	vsub.f32 v10, v58;
	v18 =	vadd.f32 v8, v6  }
0x129: {  	v12 =	vsub.f32 v14, v7;
	v7 =	vadd.f32 v63, v62;
	v10 =	vld [tilespmem:s29+$0x14670];
	v6 =	vmul.f32 v20, v20  }
0x12a: {  	s31 =	simm.s32 $0x600;
	v14 =	vld [tilespmem:s29+$0x14660];
	v8 =	vmul.f32 v13, v13;
	v13 =	vadd.f32 v59, v19;
	v18 =	vadd.f32 v21, v18  }
.LBB2_6:
0x12b: {  	p0 =	sne.s32 s31, $0xFE00;
	v19 =	vsub.f32 v16, v9;
	v9 =	vadd.f32 v17, v15;
	s14 =	smov.u32 s31;
	s31 =	sadd.s32 $0x200, s31  }
0x12c: {  	v0 =	vadd.f32 v0, v11;
	v11 =	vadd.f32 v4, v18;
	v4 =	vmul.f32 v12, v12  }
0x12d: {  	[tilespmem:s23+$0x18600] =	vst v9  }
0x12e: {  	v0 =	vsub.f32 v0, v10;
	v6 =	vadd.f32 v6, v11;
	v10 =	vld [tilespmem:s23+$0x18602]  }
0x12f: {  	v5 =	vsub.f32 v5, v14  }
0x130: {  	v2 =	vsub.f32 v13, v2;
	v12 =	vmul.f32 v3, v3;
	v11 =	vld [tilespmem:s29+$0x10610];
	v8 =	vadd.f32 v8, v6;
	v3 =	vmovc v0  }
0x131: {  	v13 =	vld [tilespmem:s29+$0x14600]  }
0x132: {  	v6 =	vmul.f32 v2, v2;
	v14 =	vld [tilespmem:s29+$0xC610];
	v12 =	vadd.f32 v12, v8  }
0x133: {  	s14 =	sshra.s32 s14, $0x2;
	v15 =	vld [tilespmem:s29+$0x14610];
	v2 =	vadd.f32 v10, v9  }
0x134: {  	v0 =	vld [tilespmem:s14+$0x10670]  }
0x135: {  	v9 =	vld [tilespmem:s14+$0x10660];
	[tilespmem:s23+$0x18600] =	vst v2  }
0x136: {  	v10 =	vld [tilespmem:s23+$0x18601]  }
0x137: {  	v8 =	vmul.f32 v5, v5;
	v18 =	vld [tilespmem:s14+$0xC650]  }
0x138: {  	v16 =	vld [tilespmem:s14+$0xC620]  }
0x139: {  	v17 =	vld [tilespmem:s14+$0xC640]  }
0x13a: {  	v5 =	vld [tilespmem:s14+$0xC660]  }
0x13b: {  	v20 =	vld [tilespmem:s14+$0xC630];
	v2 =	vadd.f32 v10, v2  }
0x13c: {  	v10 =	vld [tilespmem:s14+$0x14620]  }
0x13d: {  	v21 =	vld [tilespmem:s14+$0x10650];
	[tilespmem:s23+$0x18600] =	vst v2;
	s23 =	smov.u32 s4;
	s4 =	smov.u32 s29;
	s29 =	smov.u32 s14  }
0x13e: {  	v2 =	vld [tilespmem:s29+$0x14650];
	[tilespmem:s23+$0x18600] =	vst v12  }
0x13f: {  	v5 =	vadd.f32 v9, v5;
	v9 =	vld [tilespmem:s23+$0x18608]  }
0x140: {  	v22 =	vld [tilespmem:s29+$0x10620]  }
0x141: {  	v11 =	vadd.f32 v11, v14;
	v23 =	vld [tilespmem:s29+$0x10640]  }
0x142: {  	v7 =	vsub.f32 v7, v13;
	v14 =	vld [tilespmem:s29+$0x14640]  }
0x143: {  	v11 =	vsub.f32 v11, v15;
	v13 =	vld [tilespmem:s29+$0x10630]  }
0x144: {  	v24 =	vld [tilespmem:s29+$0xC600];
	v15 =	vadd.f32 v12, v9  }
0x145: {  	v7 =	vmul.f32 v7, v7;
	v11 =	vmul.f32 v11, v11;
	v25 =	vld [tilespmem:s29+$0x10600];
	v12 =	vadd.f32 v22, v16  }
0x146: {  	v9 =	vld [tilespmem:s29+$0x14630];
	v22 =	vadd.f32 v23, v17;
	[tilespmem:s23+$0x18600] =	vst v15  }
.Ltmp2:
0x147: {  	v7 =	vadd.f32 v11, v7;
	v23 =	vmul.f32 v1, v1;
	v1 =	vsub.f32 v12, v10;
	v17 =	vld [tilespmem:s23+$0x18604];
	(pc) =	sbr.rel @p0 .LBB2_6-.Ltmp2, $4  }
0x148: {  	v16 =	vadd.f32 v13, v20;
	v12 =	vsub.f32 v22, v14;
	v11 =	vld [tilespmem:s29+$0xC670]  }
0x149: {  	v19 =	vmul.f32 v19, v19;
	v20 =	vadd.f32 v23, v7;
	v10 =	vld [tilespmem:s29+$0x14670]  }
0x14a: {  	v13 =	vadd.f32 v21, v18;
	v7 =	vadd.f32 v25, v24;
	v14 =	vld [tilespmem:s29+$0x14660]  }
0x14b: {  	v18 =	vadd.f32 v19, v20  }
0x14c: {  	v15 =	vadd.f32 v17, v15;
	_ =	sdelay $0x1  }
0x14d: {  	[tilespmem:s23+$0x18600] =	vst v15  }
0x14e: {  	v45 =	vld [tilespmem:s23+$0x18602];
	_ =	sdelay $0x3  }
0x14f: {  	v19 =	vld [tilespmem:s29+$0x10610]  }
0x150: {  	v20 =	vld [tilespmem:s29+$0x14600];
	v15 =	vadd.f32 v45, v15  }
0x151: {  	v21 =	vld [tilespmem:s29+$0xC610]  }
0x152: {  	v46 =	vld [tilespmem:s29+$0x14610];
	[tilespmem:s23+$0x18600] =	vst v15  }
0x153: {  	v4 =	vadd.f32 v4, v18;
	v47 =	vld [tilespmem:s23+$0x18601];
	_ =	sdelay $0x1  }
0x154: {  	v4 =	vadd.f32 v6, v4;
	_ =	sdelay $0x1  }
0x155: {  	v3 =	vmul.f32 v3, v3;
	v4 =	vadd.f32 v8, v4  }
0x156: {  	v48 =	vadd.f32 v47, v15  }
0x157: {  	v3 =	vadd.f32 v3, v4  }
0x158: {  	[tilespmem:s23+$0x18600] =	vst v48  }
0x159: {  	[tilespmem:s4+$0x18600] =	vst v3  }
0x15a: {  	v49 =	vld [tilespmem:s4+$0x18608];
	_ =	sdelay $0x4  }
0x15b: {  	v3 =	vadd.f32 v3, v49;
	_ =	sdelay $0x1  }
0x15c: {  	[tilespmem:s4+$0x18600] =	vst v3  }
0x15d: {  	v50 =	vld [tilespmem:s4+$0x18604];
	_ =	sdelay $0x3  }
0x15e: {  	v51 =	vadd.f32 v19, v21  }
0x15f: {  	v3 =	vadd.f32 v50, v3  }
0x160: {  	v52 =	vsub.f32 v7, v20;
	v6 =	vsub.f32 v51, v46  }
0x161: {  	[tilespmem:s4+$0x18600] =	vst v3  }
0x162: {  	v4 =	vmul.f32 v52, v52;
	v6 =	vmul.f32 v6, v6;
	v53 =	vld [tilespmem:s4+$0x18602];
	_ =	sdelay $0x1  }
0x163: {  	v54 =	vsub.f32 v16, v9;
	v1 =	vmul.f32 v1, v1;
	v4 =	vadd.f32 v6, v4;
	_ =	sdelay $0x1  }
0x164: {  	v55 =	vmul.f32 v54, v54;
	v1 =	vadd.f32 v1, v4  }
0x165: {  	v3 =	vadd.f32 v53, v3  }
0x166: {  	v56 =	vmul.f32 v12, v12;
	v2 =	vsub.f32 v13, v2;
	v1 =	vadd.f32 v55, v1  }
0x167: {  	v0 =	vadd.f32 v0, v11;
	[tilespmem:s4+$0x18600] =	vst v3  }
0x168: {  	v2 =	vmul.f32 v2, v2;
	v57 =	vsub.f32 v5, v14;
	v1 =	vadd.f32 v56, v1;
	v58 =	vld [tilespmem:s4+$0x18601];
	_ =	sdelay $0x1  }
0x169: {  	v0 =	vsub.f32 v0, v10;
	v4 =	vmul.f32 v57, v57;
	v1 =	vadd.f32 v2, v1;
	_ =	sdelay $0x1  }
0x16a: {  	v0 =	vmul.f32 v0, v0;
	v1 =	vadd.f32 v4, v1  }
0x16b: {  	v59 =	vadd.f32 v58, v3  }
0x16c: {  	v0 =	vadd.f32 v0, v1  }
0x16d: {  	[tilespmem:s4+$0x18600] =	vst v59  }
0x16e: {  	[tilespmem:s29+$0x18600] =	vst v0  }
0x16f: {  	v60 =	vld [tilespmem:s29+$0x18608];
	_ =	sdelay $0x4  }
0x170: {  	v0 =	vadd.f32 v0, v60;
	_ =	sdelay $0x1  }
0x171: {  	[tilespmem:s29+$0x18600] =	vst v0  }
0x172: {  	v61 =	vld [tilespmem:s29+$0x18604];
	_ =	sdelay $0x4  }
0x173: {  	v0 =	vadd.f32 v61, v0;
	_ =	sdelay $0x1  }
0x174: {  	[tilespmem:s29+$0x18600] =	vst v0  }
0x175: {  	v62 =	vld [tilespmem:s29+$0x18602];
	_ =	sdelay $0x4  }
0x176: {  	v0 =	vadd.f32 v62, v0;
	_ =	sdelay $0x1  }
0x177: {  	[tilespmem:s29+$0x18600] =	vst v0  }
0x178: {  	v63 =	vld [tilespmem:s29+$0x18601];
	_ =	sdelay $0x4  }
0x179: {  	v0 =	vadd.f32 v63, v0;
	_ =	sdelay $0x1  }
0x17a: {  	s14 =	sadd.s32 $0x0, s9;
	s23 =	simm.s32 $0x4;
	s4 =	simm.s32 $0x18600;
	[tilespmem:s29+$0x18600] =	vst v0  }
0x17b: {  	[spmem:s14] =	stream.linear.scatter [tilespmem:s4], [sflag:$0x4], $0x1, $0x38;
	[tilespmem:$0x1CC00] =	vst v63  }
.LBB2_8:
0x17c: {  	p0 =	sne.s32 s23, $0x1FC  }
.Ltmp3:
0x17d: {  	_ = 	snop;
	(pc) =	sbr.rel @p0 .LBB2_8-.Ltmp3, $4  }
0x17e: {  	_ = 	snop  }
0x17f: {  	s14 =	sshra.s32 s23, $0x2;
	s23 =	sadd.s32 $0x4, s23  }
0x180: {  	s4 =	sadd.s32 $0x80, s4;
	s14 =	sadd.s32 s14, s9  }
0x181: {  	[spmem:s14] =	stream.linear.scatter [tilespmem:s4], [sflag:$0x4], $0x1, $0x38;
	[tilespmem:$0x1CC00] =	vst v63  }
0x182: {  	_ =	swait.ge [sflag:s21], $0x4000  }
0x183: {  	[sflag:s21] =	ssyncset.done $0x0  }
0x184: {  	[sflag:s21] =	ssyncadd.s32 $0xFFFFC000  }
0x185: {  	_ =	swait.ge [sflag:s21], $0x4000  }
0x186: {  	[sflag:s21] =	ssyncset.done $0x0  }
0x187: {  	[sflag:s21] =	ssyncadd.s32 $0xFFFFC000  }
0x188: {  	_ =	swait.ge [sflag:s21], $0x4000  }
0x189: {  	[sflag:s21] =	ssyncset.done $0x0  }
0x18a: {  	s4 =	simm.s32 $0x180;
	[sflag:s21] =	ssyncadd.s32 $0xFFFFC000  }
0x18b: {  	[tilespmem:s22], [sflag:$0x3] =	stream.indirect.gather [hbm4b:s1+s17], $0x80, s4, s17, $0xb8;
	[tilespmem:$0x1CC00] =	vst v63  }
0x18c: {  	s14 =	simm.s32 $0x380  }
0x18d: {  	[tilespmem:s24], [sflag:$0x3] =	stream.indirect.gather [hbm4b:s2+s17], $0x80, s14, s17, $0xb8;
	[tilespmem:$0x1CC00] =	vst v63  }
0x18e: {  	s23 =	simm.s32 $0x580  }
0x18f: {  	[tilespmem:s26], [sflag:$0x3] =	stream.indirect.gather [hbm4b:s1+s17], $0x80, s23, s17, $0xb8;
	[tilespmem:$0x1CC00] =	vst v63  }
0x190: {  	s23 =	simm.s32 $0x0  }
0x191: {  	v1 =	vld [tilespmem:s23+$0x4670]  }
0x192: {  	v0 =	vld [tilespmem:s23+$0x4660]  }
0x193: {  	v2 =	vld [tilespmem:s23+$0x650]  }
0x194: {  	v3 =	vld [tilespmem:s23+$0x620]  }
0x195: {  	v4 =	vld [tilespmem:s23+$0x640]  }
0x196: {  	v5 =	vld [tilespmem:s23+$0x660]  }
0x197: {  	v6 =	vld [tilespmem:s23+$0x630]  }
0x198: {  	v7 =	vld [tilespmem:s23+$0x8620]  }
0x199: {  	v8 =	vld [tilespmem:s23+$0x4650]  }
0x19a: {  	v9 =	vld [tilespmem:s23+$0x8650]  }
0x19b: {  	v10 =	vld [tilespmem:s23+$0x4620]  }
0x19c: {  	v11 =	vld [tilespmem:s23+$0x4640]  }
0x19d: {  	v12 =	vld [tilespmem:s23+$0x8640]  }
0x19e: {  	v13 =	vld [tilespmem:s23+$0x4630]  }
0x19f: {  	v14 =	vld [tilespmem:s23+$0x600]  }
0x1a0: {  	v15 =	vld [tilespmem:s23+$0x4600]  }
0x1a1: {  	v16 =	vld [tilespmem:s23+$0x8630]  }
0x1a2: {  	v17 =	vld [tilespmem:s23+$0x670]  }
0x1a3: {  	v18 =	vld [tilespmem:s23+$0x8670]  }
0x1a4: {  	v19 =	vld [tilespmem:s23+$0x8660]  }
0x1a5: {  	v20 =	vld [tilespmem:s23+$0x4610]  }
0x1a6: {  	v21 =	vld [tilespmem:s23+$0x8600]  }
0x1a7: {  	v22 =	vld [tilespmem:s23+$0x610]  }
0x1a8: {  	s4 =	simm.s32 $0x80;
	v23 =	vld [tilespmem:s23+$0x8610]  }
0x1a9: {  	v24 =	vld [tilespmem:s4+$0x4670]  }
0x1aa: {  	v25 =	vld [tilespmem:s4+$0x4660]  }
0x1ab: {  	v26 =	vld [tilespmem:s4+$0x650]  }
0x1ac: {  	v27 =	vld [tilespmem:s4+$0x620]  }
0x1ad: {  	v28 =	vld [tilespmem:s4+$0x640]  }
0x1ae: {  	v29 =	vld [tilespmem:s4+$0x660]  }
0x1af: {  	v30 =	vld [tilespmem:s4+$0x630]  }
0x1b0: {  	v31 =	vld [tilespmem:s4+$0x8620]  }
0x1b1: {  	v32 =	vld [tilespmem:s4+$0x4650]  }
0x1b2: {  	v33 =	vld [tilespmem:s4+$0x8650]  }
0x1b3: {  	v34 =	vld [tilespmem:s4+$0x4620]  }
0x1b4: {  	v35 =	vld [tilespmem:s4+$0x4640]  }
0x1b5: {  	v36 =	vld [tilespmem:s4+$0x8640]  }
0x1b6: {  	v37 =	vld [tilespmem:s4+$0x4630];
	v14 =	vadd.f32 v15, v14;
	v15 =	vadd.f32 v20, v22  }
0x1b7: {  	s29 =	simm.s32 $0x100;
	v57 =	vld [tilespmem:s4+$0x8630];
	v3 =	vadd.f32 v10, v3  }
0x1b8: {  	v58 =	vld [tilespmem:s29+$0x8620];
	v14 =	vsub.f32 v14, v21;
	v15 =	vsub.f32 v15, v23  }
0x1b9: {  	v59 =	vld [tilespmem:s29+$0x4650];
	v6 =	vadd.f32 v13, v6  }
0x1ba: {  	v20 =	vld [tilespmem:s4+$0x600];
	v3 =	vsub.f32 v3, v7;
	v13 =	vmul.f32 v14, v14;
	v14 =	vmul.f32 v15, v15  }
0x1bb: {  	v10 =	vld [tilespmem:s4+$0x4600];
	v4 =	vadd.f32 v11, v4  }
0x1bc: {  	v11 =	vld [tilespmem:s4+$0x8660];
	v6 =	vsub.f32 v6, v16;
	v3 =	vmul.f32 v3, v3;
	v13 =	vadd.f32 v14, v13  }
0x1bd: {  	v2 =	vadd.f32 v8, v2;
	v8 =	vld [tilespmem:s4+$0x610];
	v5 =	vadd.f32 v0, v5  }
0x1be: {  	v0 =	vld [tilespmem:s29+$0x4670];
	v4 =	vsub.f32 v4, v12;
	v6 =	vmul.f32 v6, v6;
	v3 =	vadd.f32 v3, v13  }
0x1bf: {  	v1 =	vadd.f32 v1, v17;
	v17 =	vld [tilespmem:s29+$0x660]  }
0x1c0: {  	v7 =	vld [tilespmem:s4+$0x670];
	v2 =	vsub.f32 v2, v9;
	v4 =	vmul.f32 v4, v4;
	v3 =	vadd.f32 v6, v3  }
0x1c1: {  	v12 =	vld [tilespmem:s4+$0x8600]  }
0x1c2: {  	v5 =	vsub.f32 v5, v19;
	v19 =	vld [tilespmem:s29+$0x650];
	v2 =	vmul.f32 v2, v2;
	v3 =	vadd.f32 v4, v3  }
0x1c3: {  	v16 =	vld [tilespmem:s29+$0x640]  }
0x1c4: {  	v1 =	vsub.f32 v1, v18;
	v18 =	vld [tilespmem:s29+$0x630];
	v5 =	vmul.f32 v5, v5;
	v2 =	vadd.f32 v2, v3  }
0x1c5: {  	v15 =	vld [tilespmem:s4+$0x8670]  }
0x1c6: {  	v1 =	vmul.f32 v1, v1;
	v14 =	vld [tilespmem:s4+$0x4610];
	v2 =	vadd.f32 v5, v2  }
0x1c7: {  	v13 =	vld [tilespmem:s4+$0x8610]  }
0x1c8: {  	v9 =	vadd.f32 v35, v28;
	v6 =	vld [tilespmem:s29+$0x4660];
	v1 =	vadd.f32 v1, v2  }
0x1c9: {  	v4 =	vld [tilespmem:s29+$0x620]  }
0x1ca: {  	v28 =	vsub.f32 v9, v36;
	v3 =	vadd.f32 v34, v27;
	v2 =	vld [tilespmem:s29+$0x8650];
	[tilespmem:s23+$0x18600] =	vst v1  }
0x1cb: {  	v9 =	vadd.f32 v10, v20;
	v20 =	vadd.f32 v32, v26;
	v61 =	vld [tilespmem:s23+$0x18608]  }
0x1cc: {  	v60 =	vsub.f32 v3, v31;
	v3 =	vadd.f32 v37, v30;
	v10 =	vld [tilespmem:s29+$0x4620]  }
0x1cd: {  	v9 =	vsub.f32 v9, v12;
	v8 =	vadd.f32 v14, v8;
	v14 =	vld [tilespmem:s29+$0x4640]  }
0x1ce: {  	v21 =	vsub.f32 v3, v57;
	v3 =	vadd.f32 v24, v7;
	v7 =	vld [tilespmem:s29+$0x8640]  }
0x1cf: {  	v8 =	vsub.f32 v8, v13;
	v5 =	vadd.f32 v25, v29;
	v12 =	vld [tilespmem:s29+$0x4630]  }
0x1d0: {  	v3 =	vsub.f32 v3, v15;
	v62 =	vld [tilespmem:s29+$0x600];
	v15 =	vadd.f32 v1, v61  }
0x1d1: {  	v20 =	vsub.f32 v20, v33;
	v8 =	vmul.f32 v8, v8;
	v63 =	vld [tilespmem:s29+$0x4600];
	v1 =	vmul.f32 v9, v9  }
0x1d2: {  	v13 =	vsub.f32 v5, v11;
	v5 =	vadd.f32 v6, v17;
	v9 =	vld [tilespmem:s29+$0x8630];
	[tilespmem:s23+$0x18600] =	vst v15  }
0x1d3: {  	v10 =	vadd.f32 v10, v4;
	v6 =	vadd.f32 v8, v1;
	v8 =	vmul.f32 v60, v60;
	v17 =	vld [tilespmem:s23+$0x18604]  }
0x1d4: {  	v21 =	vmul.f32 v21, v21;
	v14 =	vadd.f32 v14, v16;
	v16 =	vadd.f32 v12, v18;
	v11 =	vld [tilespmem:s29+$0x670]  }
0x1d5: {  	v4 =	vmul.f32 v28, v28;
	v1 =	vsub.f32 v10, v58;
	v18 =	vadd.f32 v8, v6  }
0x1d6: {  	v12 =	vsub.f32 v14, v7;
	v7 =	vadd.f32 v63, v62;
	v10 =	vld [tilespmem:s29+$0x8670];
	v6 =	vmul.f32 v20, v20  }
0x1d7: {  	s31 =	simm.s32 $0x600;
	v14 =	vld [tilespmem:s29+$0x8660];
	v8 =	vmul.f32 v13, v13;
	v13 =	vadd.f32 v59, v19;
	v18 =	vadd.f32 v21, v18  }
.LBB2_10:
0x1d8: {  	p0 =	sne.s32 s31, $0xFE00;
	v19 =	vsub.f32 v16, v9;
	v9 =	vadd.f32 v17, v15;
	s14 =	smov.u32 s31;
	s31 =	sadd.s32 $0x200, s31  }
0x1d9: {  	v0 =	vadd.f32 v0, v11;
	v11 =	vadd.f32 v4, v18;
	v4 =	vmul.f32 v12, v12  }
0x1da: {  	[tilespmem:s23+$0x18600] =	vst v9  }
0x1db: {  	v0 =	vsub.f32 v0, v10;
	v6 =	vadd.f32 v6, v11;
	v10 =	vld [tilespmem:s23+$0x18602]  }
0x1dc: {  	v5 =	vsub.f32 v5, v14  }
0x1dd: {  	v2 =	vsub.f32 v13, v2;
	v12 =	vmul.f32 v3, v3;
	v11 =	vld [tilespmem:s29+$0x4610];
	v8 =	vadd.f32 v8, v6;
	v3 =	vmovc v0  }
0x1de: {  	v13 =	vld [tilespmem:s29+$0x8600]  }
0x1df: {  	v6 =	vmul.f32 v2, v2;
	v14 =	vld [tilespmem:s29+$0x610];
	v12 =	vadd.f32 v12, v8  }
0x1e0: {  	s14 =	sshra.s32 s14, $0x2;
	v15 =	vld [tilespmem:s29+$0x8610];
	v2 =	vadd.f32 v10, v9  }
0x1e1: {  	v0 =	vld [tilespmem:s14+$0x4670]  }
0x1e2: {  	v9 =	vld [tilespmem:s14+$0x4660];
	[tilespmem:s23+$0x18600] =	vst v2  }
0x1e3: {  	v10 =	vld [tilespmem:s23+$0x18601]  }
0x1e4: {  	v8 =	vmul.f32 v5, v5;
	v18 =	vld [tilespmem:s14+$0x650]  }
0x1e5: {  	v16 =	vld [tilespmem:s14+$0x620]  }
0x1e6: {  	v17 =	vld [tilespmem:s14+$0x640]  }
0x1e7: {  	v5 =	vld [tilespmem:s14+$0x660]  }
0x1e8: {  	v20 =	vld [tilespmem:s14+$0x630];
	v2 =	vadd.f32 v10, v2  }
0x1e9: {  	v10 =	vld [tilespmem:s14+$0x8620]  }
0x1ea: {  	v21 =	vld [tilespmem:s14+$0x4650];
	[tilespmem:s23+$0x18600] =	vst v2;
	s23 =	smov.u32 s4;
	s4 =	smov.u32 s29;
	s29 =	smov.u32 s14  }
0x1eb: {  	v2 =	vld [tilespmem:s29+$0x8650];
	[tilespmem:s23+$0x18600] =	vst v12  }
0x1ec: {  	v5 =	vadd.f32 v9, v5;
	v9 =	vld [tilespmem:s23+$0x18608]  }
0x1ed: {  	v22 =	vld [tilespmem:s29+$0x4620]  }
0x1ee: {  	v11 =	vadd.f32 v11, v14;
	v23 =	vld [tilespmem:s29+$0x4640]  }
0x1ef: {  	v7 =	vsub.f32 v7, v13;
	v14 =	vld [tilespmem:s29+$0x8640]  }
0x1f0: {  	v11 =	vsub.f32 v11, v15;
	v13 =	vld [tilespmem:s29+$0x4630]  }
0x1f1: {  	v24 =	vld [tilespmem:s29+$0x600];
	v15 =	vadd.f32 v12, v9  }
0x1f2: {  	v7 =	vmul.f32 v7, v7;
	v11 =	vmul.f32 v11, v11;
	v25 =	vld [tilespmem:s29+$0x4600];
	v12 =	vadd.f32 v22, v16  }
0x1f3: {  	v9 =	vld [tilespmem:s29+$0x8630];
	v22 =	vadd.f32 v23, v17;
	[tilespmem:s23+$0x18600] =	vst v15  }
.Ltmp4:
0x1f4: {  	v7 =	vadd.f32 v11, v7;
	v23 =	vmul.f32 v1, v1;
	v1 =	vsub.f32 v12, v10;
	v17 =	vld [tilespmem:s23+$0x18604];
	(pc) =	sbr.rel @p0 .LBB2_10-.Ltmp4, $4  }
0x1f5: {  	v16 =	vadd.f32 v13, v20;
	v12 =	vsub.f32 v22, v14;
	v11 =	vld [tilespmem:s29+$0x670]  }
0x1f6: {  	v19 =	vmul.f32 v19, v19;
	v20 =	vadd.f32 v23, v7;
	v10 =	vld [tilespmem:s29+$0x8670]  }
0x1f7: {  	v13 =	vadd.f32 v21, v18;
	v7 =	vadd.f32 v25, v24;
	v14 =	vld [tilespmem:s29+$0x8660]  }
0x1f8: {  	v18 =	vadd.f32 v19, v20  }
0x1f9: {  	v15 =	vadd.f32 v17, v15;
	_ =	sdelay $0x1  }
0x1fa: {  	[tilespmem:s23+$0x18600] =	vst v15  }
0x1fb: {  	v45 =	vld [tilespmem:s23+$0x18602];
	_ =	sdelay $0x3  }
0x1fc: {  	v19 =	vld [tilespmem:s29+$0x4610]  }
0x1fd: {  	v20 =	vld [tilespmem:s29+$0x8600];
	v15 =	vadd.f32 v45, v15  }
0x1fe: {  	v21 =	vld [tilespmem:s29+$0x610]  }
0x1ff: {  	v46 =	vld [tilespmem:s29+$0x8610];
	[tilespmem:s23+$0x18600] =	vst v15  }
0x200: {  	v4 =	vadd.f32 v4, v18;
	v47 =	vld [tilespmem:s23+$0x18601];
	_ =	sdelay $0x1  }
0x201: {  	v4 =	vadd.f32 v6, v4;
	_ =	sdelay $0x1  }
0x202: {  	v3 =	vmul.f32 v3, v3;
	v4 =	vadd.f32 v8, v4  }
0x203: {  	v48 =	vadd.f32 v47, v15  }
0x204: {  	v3 =	vadd.f32 v3, v4  }
0x205: {  	[tilespmem:s23+$0x18600] =	vst v48  }
0x206: {  	[tilespmem:s4+$0x18600] =	vst v3  }
0x207: {  	v49 =	vld [tilespmem:s4+$0x18608];
	_ =	sdelay $0x4  }
0x208: {  	v3 =	vadd.f32 v3, v49;
	_ =	sdelay $0x1  }
0x209: {  	[tilespmem:s4+$0x18600] =	vst v3  }
0x20a: {  	v50 =	vld [tilespmem:s4+$0x18604];
	_ =	sdelay $0x3  }
0x20b: {  	v51 =	vadd.f32 v19, v21  }
0x20c: {  	v3 =	vadd.f32 v50, v3  }
0x20d: {  	v52 =	vsub.f32 v7, v20;
	v6 =	vsub.f32 v51, v46  }
0x20e: {  	[tilespmem:s4+$0x18600] =	vst v3  }
0x20f: {  	v4 =	vmul.f32 v52, v52;
	v6 =	vmul.f32 v6, v6;
	v53 =	vld [tilespmem:s4+$0x18602];
	_ =	sdelay $0x1  }
0x210: {  	v54 =	vsub.f32 v16, v9;
	v1 =	vmul.f32 v1, v1;
	v4 =	vadd.f32 v6, v4;
	_ =	sdelay $0x1  }
0x211: {  	v55 =	vmul.f32 v54, v54;
	v1 =	vadd.f32 v1, v4  }
0x212: {  	v3 =	vadd.f32 v53, v3  }
0x213: {  	v56 =	vmul.f32 v12, v12;
	v2 =	vsub.f32 v13, v2;
	v1 =	vadd.f32 v55, v1  }
0x214: {  	v0 =	vadd.f32 v0, v11;
	[tilespmem:s4+$0x18600] =	vst v3  }
0x215: {  	v2 =	vmul.f32 v2, v2;
	v57 =	vsub.f32 v5, v14;
	v1 =	vadd.f32 v56, v1;
	v58 =	vld [tilespmem:s4+$0x18601];
	_ =	sdelay $0x1  }
0x216: {  	v0 =	vsub.f32 v0, v10;
	v4 =	vmul.f32 v57, v57;
	v1 =	vadd.f32 v2, v1;
	_ =	sdelay $0x1  }
0x217: {  	v0 =	vmul.f32 v0, v0;
	v1 =	vadd.f32 v4, v1  }
0x218: {  	v59 =	vadd.f32 v58, v3  }
0x219: {  	v0 =	vadd.f32 v0, v1  }
0x21a: {  	[tilespmem:s4+$0x18600] =	vst v59  }
0x21b: {  	[tilespmem:s29+$0x18600] =	vst v0  }
0x21c: {  	v60 =	vld [tilespmem:s29+$0x18608];
	_ =	sdelay $0x4  }
0x21d: {  	v0 =	vadd.f32 v0, v60;
	_ =	sdelay $0x1  }
0x21e: {  	[tilespmem:s29+$0x18600] =	vst v0  }
0x21f: {  	v61 =	vld [tilespmem:s29+$0x18604];
	_ =	sdelay $0x4  }
0x220: {  	v0 =	vadd.f32 v61, v0;
	_ =	sdelay $0x1  }
0x221: {  	[tilespmem:s29+$0x18600] =	vst v0  }
0x222: {  	v62 =	vld [tilespmem:s29+$0x18602];
	_ =	sdelay $0x4  }
0x223: {  	v0 =	vadd.f32 v62, v0;
	_ =	sdelay $0x1  }
0x224: {  	[tilespmem:s29+$0x18600] =	vst v0  }
0x225: {  	v63 =	vld [tilespmem:s29+$0x18601];
	_ =	sdelay $0x4  }
0x226: {  	v0 =	vadd.f32 v63, v0;
	_ =	sdelay $0x1  }
0x227: {  	s14 =	sadd.s32 $0x0, s10;
	s23 =	simm.s32 $0x4;
	s4 =	simm.s32 $0x18600;
	[tilespmem:s29+$0x18600] =	vst v0  }
0x228: {  	[spmem:s14] =	stream.linear.scatter [tilespmem:s4], [sflag:$0x4], $0x1, $0x38;
	[tilespmem:$0x1CC00] =	vst v63  }
.LBB2_12:
0x229: {  	p0 =	sne.s32 s23, $0x1FC  }
.Ltmp5:
0x22a: {  	_ = 	snop;
	(pc) =	sbr.rel @p0 .LBB2_12-.Ltmp5, $4  }
0x22b: {  	_ = 	snop  }
0x22c: {  	s14 =	sshra.s32 s23, $0x2;
	s23 =	sadd.s32 $0x4, s23  }
0x22d: {  	s4 =	sadd.s32 $0x80, s4;
	s14 =	sadd.s32 s14, s10  }
0x22e: {  	[spmem:s14] =	stream.linear.scatter [tilespmem:s4], [sflag:$0x4], $0x1, $0x38;
	[tilespmem:$0x1CC00] =	vst v63  }
0x22f: {  	_ =	swait.ge [sflag:s28], $0x4000  }
0x230: {  	[sflag:s28] =	ssyncset.done $0x0  }
0x231: {  	[sflag:s28] =	ssyncadd.s32 $0xFFFFC000  }
0x232: {  	_ =	swait.ge [sflag:s28], $0x4000  }
0x233: {  	[sflag:s28] =	ssyncset.done $0x0  }
0x234: {  	[sflag:s28] =	ssyncadd.s32 $0xFFFFC000  }
0x235: {  	_ =	swait.ge [sflag:s28], $0x4000  }
0x236: {  	[sflag:s28] =	ssyncset.done $0x0  }
0x237: {  	s23 =	simm.s32 $0x0;
	[sflag:s28] =	ssyncadd.s32 $0xFFFFC000  }
0x238: {  	v1 =	vld [tilespmem:s23+$0x10670]  }
0x239: {  	v0 =	vld [tilespmem:s23+$0x10660]  }
0x23a: {  	v2 =	vld [tilespmem:s23+$0xC650]  }
0x23b: {  	v3 =	vld [tilespmem:s23+$0xC620]  }
0x23c: {  	v4 =	vld [tilespmem:s23+$0xC640]  }
0x23d: {  	v5 =	vld [tilespmem:s23+$0xC660]  }
0x23e: {  	v6 =	vld [tilespmem:s23+$0xC630]  }
0x23f: {  	v7 =	vld [tilespmem:s23+$0x14620]  }
0x240: {  	v8 =	vld [tilespmem:s23+$0x10650]  }
0x241: {  	v9 =	vld [tilespmem:s23+$0x14650]  }
0x242: {  	v10 =	vld [tilespmem:s23+$0x10620]  }
0x243: {  	v11 =	vld [tilespmem:s23+$0x10640]  }
0x244: {  	v12 =	vld [tilespmem:s23+$0x14640]  }
0x245: {  	v13 =	vld [tilespmem:s23+$0x10630]  }
0x246: {  	v14 =	vld [tilespmem:s23+$0xC600]  }
0x247: {  	v15 =	vld [tilespmem:s23+$0x10600]  }
0x248: {  	v16 =	vld [tilespmem:s23+$0x14630]  }
0x249: {  	v17 =	vld [tilespmem:s23+$0xC670]  }
0x24a: {  	v18 =	vld [tilespmem:s23+$0x14670]  }
0x24b: {  	v19 =	vld [tilespmem:s23+$0x14660]  }
0x24c: {  	v20 =	vld [tilespmem:s23+$0x10610]  }
0x24d: {  	v21 =	vld [tilespmem:s23+$0x14600]  }
0x24e: {  	v22 =	vld [tilespmem:s23+$0xC610]  }
0x24f: {  	s4 =	simm.s32 $0x80;
	v23 =	vld [tilespmem:s23+$0x14610]  }
0x250: {  	v24 =	vld [tilespmem:s4+$0x10670]  }
0x251: {  	v25 =	vld [tilespmem:s4+$0x10660]  }
0x252: {  	v26 =	vld [tilespmem:s4+$0xC650]  }
0x253: {  	v27 =	vld [tilespmem:s4+$0xC620]  }
0x254: {  	v28 =	vld [tilespmem:s4+$0xC640]  }
0x255: {  	v29 =	vld [tilespmem:s4+$0xC660]  }
0x256: {  	v30 =	vld [tilespmem:s4+$0xC630]  }
0x257: {  	v31 =	vld [tilespmem:s4+$0x14620]  }
0x258: {  	v32 =	vld [tilespmem:s4+$0x10650]  }
0x259: {  	v33 =	vld [tilespmem:s4+$0x14650]  }
0x25a: {  	v34 =	vld [tilespmem:s4+$0x10620]  }
0x25b: {  	v35 =	vld [tilespmem:s4+$0x10640]  }
0x25c: {  	v36 =	vld [tilespmem:s4+$0x14640]  }
0x25d: {  	v37 =	vld [tilespmem:s4+$0x10630];
	v14 =	vadd.f32 v15, v14;
	v15 =	vadd.f32 v20, v22  }
0x25e: {  	s29 =	simm.s32 $0x100;
	v57 =	vld [tilespmem:s4+$0x14630];
	v3 =	vadd.f32 v10, v3  }
0x25f: {  	v58 =	vld [tilespmem:s29+$0x14620];
	v14 =	vsub.f32 v14, v21;
	v15 =	vsub.f32 v15, v23  }
0x260: {  	v59 =	vld [tilespmem:s29+$0x10650];
	v6 =	vadd.f32 v13, v6  }
0x261: {  	v20 =	vld [tilespmem:s4+$0xC600];
	v3 =	vsub.f32 v3, v7;
	v13 =	vmul.f32 v14, v14;
	v14 =	vmul.f32 v15, v15  }
0x262: {  	v10 =	vld [tilespmem:s4+$0x10600];
	v4 =	vadd.f32 v11, v4  }
0x263: {  	v11 =	vld [tilespmem:s4+$0x14660];
	v6 =	vsub.f32 v6, v16;
	v3 =	vmul.f32 v3, v3;
	v13 =	vadd.f32 v14, v13  }
0x264: {  	v2 =	vadd.f32 v8, v2;
	v8 =	vld [tilespmem:s4+$0xC610];
	v5 =	vadd.f32 v0, v5  }
0x265: {  	v0 =	vld [tilespmem:s29+$0x10670];
	v4 =	vsub.f32 v4, v12;
	v6 =	vmul.f32 v6, v6;
	v3 =	vadd.f32 v3, v13  }
0x266: {  	v1 =	vadd.f32 v1, v17;
	v17 =	vld [tilespmem:s29+$0xC660]  }
0x267: {  	v7 =	vld [tilespmem:s4+$0xC670];
	v2 =	vsub.f32 v2, v9;
	v4 =	vmul.f32 v4, v4;
	v3 =	vadd.f32 v6, v3  }
0x268: {  	v12 =	vld [tilespmem:s4+$0x14600]  }
0x269: {  	v5 =	vsub.f32 v5, v19;
	v19 =	vld [tilespmem:s29+$0xC650];
	v2 =	vmul.f32 v2, v2;
	v3 =	vadd.f32 v4, v3  }
0x26a: {  	v16 =	vld [tilespmem:s29+$0xC640]  }
0x26b: {  	v1 =	vsub.f32 v1, v18;
	v18 =	vld [tilespmem:s29+$0xC630];
	v5 =	vmul.f32 v5, v5;
	v2 =	vadd.f32 v2, v3  }
0x26c: {  	v15 =	vld [tilespmem:s4+$0x14670]  }
0x26d: {  	v1 =	vmul.f32 v1, v1;
	v14 =	vld [tilespmem:s4+$0x10610];
	v2 =	vadd.f32 v5, v2  }
0x26e: {  	v13 =	vld [tilespmem:s4+$0x14610]  }
0x26f: {  	v9 =	vadd.f32 v35, v28;
	v6 =	vld [tilespmem:s29+$0x10660];
	v1 =	vadd.f32 v1, v2  }
0x270: {  	v4 =	vld [tilespmem:s29+$0xC620]  }
0x271: {  	v28 =	vsub.f32 v9, v36;
	v3 =	vadd.f32 v34, v27;
	v2 =	vld [tilespmem:s29+$0x14650];
	[tilespmem:s23+$0x18600] =	vst v1  }
0x272: {  	v9 =	vadd.f32 v10, v20;
	v20 =	vadd.f32 v32, v26;
	v61 =	vld [tilespmem:s23+$0x18608]  }
0x273: {  	v60 =	vsub.f32 v3, v31;
	v3 =	vadd.f32 v37, v30;
	v10 =	vld [tilespmem:s29+$0x10620]  }
0x274: {  	v9 =	vsub.f32 v9, v12;
	v8 =	vadd.f32 v14, v8;
	v14 =	vld [tilespmem:s29+$0x10640]  }
0x275: {  	v21 =	vsub.f32 v3, v57;
	v3 =	vadd.f32 v24, v7;
	v7 =	vld [tilespmem:s29+$0x14640]  }
0x276: {  	v8 =	vsub.f32 v8, v13;
	v5 =	vadd.f32 v25, v29;
	v12 =	vld [tilespmem:s29+$0x10630]  }
0x277: {  	v3 =	vsub.f32 v3, v15;
	v62 =	vld [tilespmem:s29+$0xC600];
	v15 =	vadd.f32 v1, v61  }
0x278: {  	v20 =	vsub.f32 v20, v33;
	v8 =	vmul.f32 v8, v8;
	v63 =	vld [tilespmem:s29+$0x10600];
	v1 =	vmul.f32 v9, v9  }
0x279: {  	v13 =	vsub.f32 v5, v11;
	v5 =	vadd.f32 v6, v17;
	v9 =	vld [tilespmem:s29+$0x14630];
	[tilespmem:s23+$0x18600] =	vst v15  }
0x27a: {  	v10 =	vadd.f32 v10, v4;
	v6 =	vadd.f32 v8, v1;
	v8 =	vmul.f32 v60, v60;
	v17 =	vld [tilespmem:s23+$0x18604]  }
0x27b: {  	v21 =	vmul.f32 v21, v21;
	v14 =	vadd.f32 v14, v16;
	v16 =	vadd.f32 v12, v18;
	v11 =	vld [tilespmem:s29+$0xC670]  }
0x27c: {  	v4 =	vmul.f32 v28, v28;
	v1 =	vsub.f32 v10, v58;
	v18 =	vadd.f32 v8, v6  }
0x27d: {  	v12 =	vsub.f32 v14, v7;
	v7 =	vadd.f32 v63, v62;
	v10 =	vld [tilespmem:s29+$0x14670];
	v6 =	vmul.f32 v20, v20  }
0x27e: {  	s31 =	simm.s32 $0x600;
	v14 =	vld [tilespmem:s29+$0x14660];
	v8 =	vmul.f32 v13, v13;
	v13 =	vadd.f32 v59, v19;
	v18 =	vadd.f32 v21, v18  }
.LBB2_14:
0x27f: {  	p0 =	sne.s32 s31, $0xFE00;
	v19 =	vsub.f32 v16, v9;
	v9 =	vadd.f32 v17, v15;
	s14 =	smov.u32 s31;
	s31 =	sadd.s32 $0x200, s31  }
0x280: {  	v0 =	vadd.f32 v0, v11;
	v11 =	vadd.f32 v4, v18;
	v4 =	vmul.f32 v12, v12  }
0x281: {  	[tilespmem:s23+$0x18600] =	vst v9  }
0x282: {  	v0 =	vsub.f32 v0, v10;
	v6 =	vadd.f32 v6, v11;
	v10 =	vld [tilespmem:s23+$0x18602]  }
0x283: {  	v5 =	vsub.f32 v5, v14  }
0x284: {  	v2 =	vsub.f32 v13, v2;
	v12 =	vmul.f32 v3, v3;
	v11 =	vld [tilespmem:s29+$0x10610];
	v8 =	vadd.f32 v8, v6;
	v3 =	vmovc v0  }
0x285: {  	v13 =	vld [tilespmem:s29+$0x14600]  }
0x286: {  	v6 =	vmul.f32 v2, v2;
	v14 =	vld [tilespmem:s29+$0xC610];
	v12 =	vadd.f32 v12, v8  }
0x287: {  	s14 =	sshra.s32 s14, $0x2;
	v15 =	vld [tilespmem:s29+$0x14610];
	v2 =	vadd.f32 v10, v9  }
0x288: {  	v0 =	vld [tilespmem:s14+$0x10670]  }
0x289: {  	v9 =	vld [tilespmem:s14+$0x10660];
	[tilespmem:s23+$0x18600] =	vst v2  }
0x28a: {  	v10 =	vld [tilespmem:s23+$0x18601]  }
0x28b: {  	v8 =	vmul.f32 v5, v5;
	v18 =	vld [tilespmem:s14+$0xC650]  }
0x28c: {  	v16 =	vld [tilespmem:s14+$0xC620]  }
0x28d: {  	v17 =	vld [tilespmem:s14+$0xC640]  }
0x28e: {  	v5 =	vld [tilespmem:s14+$0xC660]  }
0x28f: {  	v20 =	vld [tilespmem:s14+$0xC630];
	v2 =	vadd.f32 v10, v2  }
0x290: {  	v10 =	vld [tilespmem:s14+$0x14620]  }
0x291: {  	v21 =	vld [tilespmem:s14+$0x10650];
	[tilespmem:s23+$0x18600] =	vst v2;
	s23 =	smov.u32 s4;
	s4 =	smov.u32 s29;
	s29 =	smov.u32 s14  }
0x292: {  	v2 =	vld [tilespmem:s29+$0x14650];
	[tilespmem:s23+$0x18600] =	vst v12  }
0x293: {  	v5 =	vadd.f32 v9, v5;
	v9 =	vld [tilespmem:s23+$0x18608]  }
0x294: {  	v22 =	vld [tilespmem:s29+$0x10620]  }
0x295: {  	v11 =	vadd.f32 v11, v14;
	v23 =	vld [tilespmem:s29+$0x10640]  }
0x296: {  	v7 =	vsub.f32 v7, v13;
	v14 =	vld [tilespmem:s29+$0x14640]  }
0x297: {  	v11 =	vsub.f32 v11, v15;
	v13 =	vld [tilespmem:s29+$0x10630]  }
0x298: {  	v24 =	vld [tilespmem:s29+$0xC600];
	v15 =	vadd.f32 v12, v9  }
0x299: {  	v7 =	vmul.f32 v7, v7;
	v11 =	vmul.f32 v11, v11;
	v25 =	vld [tilespmem:s29+$0x10600];
	v12 =	vadd.f32 v22, v16  }
0x29a: {  	v9 =	vld [tilespmem:s29+$0x14630];
	v22 =	vadd.f32 v23, v17;
	[tilespmem:s23+$0x18600] =	vst v15  }
.Ltmp6:
0x29b: {  	v7 =	vadd.f32 v11, v7;
	v23 =	vmul.f32 v1, v1;
	v1 =	vsub.f32 v12, v10;
	v17 =	vld [tilespmem:s23+$0x18604];
	(pc) =	sbr.rel @p0 .LBB2_14-.Ltmp6, $4  }
0x29c: {  	v16 =	vadd.f32 v13, v20;
	v12 =	vsub.f32 v22, v14;
	v11 =	vld [tilespmem:s29+$0xC670]  }
0x29d: {  	v19 =	vmul.f32 v19, v19;
	v20 =	vadd.f32 v23, v7;
	v10 =	vld [tilespmem:s29+$0x14670]  }
0x29e: {  	v13 =	vadd.f32 v21, v18;
	v7 =	vadd.f32 v25, v24;
	v14 =	vld [tilespmem:s29+$0x14660]  }
0x29f: {  	v18 =	vadd.f32 v19, v20  }
0x2a0: {  	v15 =	vadd.f32 v17, v15;
	_ =	sdelay $0x1  }
0x2a1: {  	[tilespmem:s23+$0x18600] =	vst v15  }
0x2a2: {  	v45 =	vld [tilespmem:s23+$0x18602];
	_ =	sdelay $0x3  }
0x2a3: {  	v19 =	vld [tilespmem:s29+$0x10610]  }
0x2a4: {  	v20 =	vld [tilespmem:s29+$0x14600];
	v15 =	vadd.f32 v45, v15  }
0x2a5: {  	v21 =	vld [tilespmem:s29+$0xC610]  }
0x2a6: {  	v46 =	vld [tilespmem:s29+$0x14610];
	[tilespmem:s23+$0x18600] =	vst v15  }
0x2a7: {  	v4 =	vadd.f32 v4, v18;
	v47 =	vld [tilespmem:s23+$0x18601];
	_ =	sdelay $0x1  }
0x2a8: {  	v4 =	vadd.f32 v6, v4;
	_ =	sdelay $0x1  }
0x2a9: {  	v3 =	vmul.f32 v3, v3;
	v4 =	vadd.f32 v8, v4  }
0x2aa: {  	v48 =	vadd.f32 v47, v15  }
0x2ab: {  	v3 =	vadd.f32 v3, v4  }
0x2ac: {  	[tilespmem:s23+$0x18600] =	vst v48  }
0x2ad: {  	[tilespmem:s4+$0x18600] =	vst v3  }
0x2ae: {  	v49 =	vld [tilespmem:s4+$0x18608];
	_ =	sdelay $0x4  }
0x2af: {  	v3 =	vadd.f32 v3, v49;
	_ =	sdelay $0x1  }
0x2b0: {  	[tilespmem:s4+$0x18600] =	vst v3  }
0x2b1: {  	v50 =	vld [tilespmem:s4+$0x18604];
	_ =	sdelay $0x3  }
0x2b2: {  	v51 =	vadd.f32 v19, v21  }
0x2b3: {  	v3 =	vadd.f32 v50, v3  }
0x2b4: {  	v52 =	vsub.f32 v7, v20;
	v6 =	vsub.f32 v51, v46  }
0x2b5: {  	[tilespmem:s4+$0x18600] =	vst v3  }
0x2b6: {  	v4 =	vmul.f32 v52, v52;
	v6 =	vmul.f32 v6, v6;
	v53 =	vld [tilespmem:s4+$0x18602];
	_ =	sdelay $0x1  }
0x2b7: {  	v54 =	vsub.f32 v16, v9;
	v1 =	vmul.f32 v1, v1;
	v4 =	vadd.f32 v6, v4;
	_ =	sdelay $0x1  }
0x2b8: {  	v55 =	vmul.f32 v54, v54;
	v1 =	vadd.f32 v1, v4  }
0x2b9: {  	v3 =	vadd.f32 v53, v3  }
0x2ba: {  	v56 =	vmul.f32 v12, v12;
	v2 =	vsub.f32 v13, v2;
	v1 =	vadd.f32 v55, v1  }
0x2bb: {  	v0 =	vadd.f32 v0, v11;
	[tilespmem:s4+$0x18600] =	vst v3  }
0x2bc: {  	v2 =	vmul.f32 v2, v2;
	v57 =	vsub.f32 v5, v14;
	v1 =	vadd.f32 v56, v1;
	v58 =	vld [tilespmem:s4+$0x18601];
	_ =	sdelay $0x1  }
0x2bd: {  	v0 =	vsub.f32 v0, v10;
	v4 =	vmul.f32 v57, v57;
	v1 =	vadd.f32 v2, v1;
	_ =	sdelay $0x1  }
0x2be: {  	v0 =	vmul.f32 v0, v0;
	v1 =	vadd.f32 v4, v1  }
0x2bf: {  	v59 =	vadd.f32 v58, v3  }
0x2c0: {  	v0 =	vadd.f32 v0, v1  }
0x2c1: {  	[tilespmem:s4+$0x18600] =	vst v59  }
0x2c2: {  	[tilespmem:s29+$0x18600] =	vst v0  }
0x2c3: {  	v60 =	vld [tilespmem:s29+$0x18608];
	_ =	sdelay $0x4  }
0x2c4: {  	v0 =	vadd.f32 v0, v60;
	_ =	sdelay $0x1  }
0x2c5: {  	[tilespmem:s29+$0x18600] =	vst v0  }
0x2c6: {  	v61 =	vld [tilespmem:s29+$0x18604];
	_ =	sdelay $0x4  }
0x2c7: {  	v0 =	vadd.f32 v61, v0;
	_ =	sdelay $0x1  }
0x2c8: {  	[tilespmem:s29+$0x18600] =	vst v0  }
0x2c9: {  	v62 =	vld [tilespmem:s29+$0x18602];
	_ =	sdelay $0x4  }
0x2ca: {  	v0 =	vadd.f32 v62, v0;
	_ =	sdelay $0x1  }
0x2cb: {  	[tilespmem:s29+$0x18600] =	vst v0  }
0x2cc: {  	v63 =	vld [tilespmem:s29+$0x18601];
	_ =	sdelay $0x4  }
0x2cd: {  	v0 =	vadd.f32 v63, v0;
	_ =	sdelay $0x1  }
0x2ce: {  	s14 =	sadd.s32 $0x0, s11;
	s23 =	simm.s32 $0x4;
	s4 =	simm.s32 $0x18600;
	[tilespmem:s29+$0x18600] =	vst v0  }
0x2cf: {  	[spmem:s14] =	stream.linear.scatter [tilespmem:s4], [sflag:$0x4], $0x1, $0x38;
	[tilespmem:$0x1CC00] =	vst v63  }
.LBB2_16:
0x2d0: {  	p0 =	sne.s32 s23, $0x1FC  }
.Ltmp7:
0x2d1: {  	_ = 	snop;
	(pc) =	sbr.rel @p0 .LBB2_16-.Ltmp7, $4  }
0x2d2: {  	_ = 	snop  }
0x2d3: {  	s14 =	sshra.s32 s23, $0x2;
	s23 =	sadd.s32 $0x4, s23  }
0x2d4: {  	s4 =	sadd.s32 $0x80, s4;
	s14 =	sadd.s32 s14, s11  }
0x2d5: {  	[spmem:s14] =	stream.linear.scatter [tilespmem:s4], [sflag:$0x4], $0x1, $0x38;
	[tilespmem:$0x1CC00] =	vst v63  }
0x2d6: {  	_ =	swait.ge [sflag:s25], $0x80  }
0x2d7: {  	[sflag:s25] =	ssyncset.done $0x0  }
0x2d8: {  	[sflag:s25] =	ssyncadd.s32 $0xFFFFFF80  }
0x2d9: {  	_ =	swait.ge [sflag:s25], $0x80  }
0x2da: {  	[sflag:s25] =	ssyncset.done $0x0  }
0x2db: {  	[sflag:s25] =	ssyncadd.s32 $0xFFFFFF80  }
0x2dc: {  	_ =	swait.ge [sflag:s25], $0x80  }
0x2dd: {  	[sflag:s25] =	ssyncset.done $0x0  }
0x2de: {  	[sflag:s25] =	ssyncadd.s32 $0xFFFFFF80  }
0x2df: {  	_ =	swait.ge [sflag:s25], $0x80  }
0x2e0: {  	[sflag:s25] =	ssyncset.done $0x0  }
0x2e1: {  	s4 =	simm.s32 $0x1C800;
	[sflag:s25] =	ssyncadd.s32 $0xFFFFFF80  }
0x2e2: {  	[tilespmem:s4], [sflag:$0x5] =	stream.strided.gather [spmem:s8], $0x200, s15, s17, $0x38;
	[tilespmem:$0x1CC00] =	vst v63  }
0x2e3: {  	_ =	swait.ge [sflag:s30], $0x200  }
0x2e4: {  	[sflag:s30] =	ssyncset.done $0x0  }
0x2e5: {  	[sflag:s30] =	ssyncadd.s32 $0xFFFFFE00  }
0x2e6: {  	v0 =	vld [tilespmem:$0x1C800];
	_ =	sdelay $0x1  }
0x2e7: {  	v3 =	vld [tilespmem:$0x1C810]  }
0x2e8: {  	v7 =	vld [tilespmem:$0x1C820]  }
0x2e9: {  	v9 =	vld [tilespmem:$0x1C830]  }
0x2ea: {  	v0 =	vmax.f32 v0, $1.000000000e-30  }
0x2eb: {  	v1 =	vshra.s32 v0, $0x1;
	v2 =	vmul.f32 $5.000000000e-01, v0  }
0x2ec: {  	v1 =	vsub.s32 $0x5F3759DF, v1  }
0x2ed: {  	v4 =	vmul.f32 v1, v2  }
0x2ee: {  	v3 =	vmax.f32 v3, $1.000000000e-30;
	v35 =	vmax.f32 v7, $1.000000000e-30;
	v9 =	vmax.f32 v9, $1.000000000e-30  }
0x2ef: {  	v5 =	vshra.s32 v3, $0x1;
	v6 =	vmul.f32 $5.000000000e-01, v3;
	v4 =	vmul.f32 v1, v4  }
0x2f0: {  	v7 =	vshra.s32 v35, $0x1;
	v10 =	vmul.f32 $5.000000000e-01, v35;
	v5 =	vsub.s32 $0x5F3759DF, v5  }
0x2f1: {  	v7 =	vsub.s32 $0x5F3759DF, v7;
	v34 =	vmul.f32 v5, v6;
	v4 =	vsub.f32 $1.500000000e+00, v4  }
0x2f2: {  	v12 =	vshra.s32 v9, $0x1;
	v13 =	vmul.f32 $5.000000000e-01, v9;
	v11 =	vmul.f32 v7, v10  }
0x2f3: {  	v12 =	vsub.s32 $0x5F3759DF, v12;
	v1 =	vmul.f32 v1, v4;
	v4 =	vmul.f32 v5, v34  }
0x2f4: {  	v18 =	vld [tilespmem:$0x1C870];
	v14 =	vmul.f32 v12, v13;
	v11 =	vmul.f32 v7, v11  }
0x2f5: {  	v8 =	vmul.f32 v1, v2;
	v4 =	vsub.f32 $1.500000000e+00, v4  }
0x2f6: {  	v38 =	vmul.f32 v12, v14;
	v11 =	vsub.f32 $1.500000000e+00, v11  }
0x2f7: {  	v8 =	vmul.f32 v8, v1;
	v4 =	vmul.f32 v5, v4  }
0x2f8: {  	v7 =	vmul.f32 v7, v11;
	v11 =	vsub.f32 $1.500000000e+00, v38  }
0x2f9: {  	v47 =	vld [tilespmem:$0x1C860];
	v18 =	vmax.f32 v18, $1.000000000e-30;
	v8 =	vsub.f32 $1.500000000e+00, v8;
	v36 =	vmul.f32 v4, v6  }
0x2fa: {  	v37 =	vld [tilespmem:$0x1C840];
	v21 =	vmul.f32 $5.000000000e-01, v18;
	v11 =	vmul.f32 v12, v11  }
0x2fb: {  	v57 =	vshra.s32 v18, $0x1;
	v1 =	vmul.f32 v8, v1;
	v8 =	vmul.f32 v36, v4  }
0x2fc: {  	v59 =	vsub.s32 $0x5F3759DF, v57;
	v15 =	vmul.f32 v11, v13  }
0x2fd: {  	v60 =	vmul.f32 v59, v21;
	v2 =	vmul.f32 v1, v2;
	v8 =	vsub.f32 $1.500000000e+00, v8  }
0x2fe: {  	v42 =	vld [tilespmem:$0x1C850];
	v50 =	vmax.f32 v47, $1.000000000e-30;
	v40 =	vmul.f32 v7, v10;
	v46 =	vmul.f32 v15, v11  }
0x2ff: {  	v2 =	vmul.f32 v2, v1;
	v4 =	vmul.f32 v8, v4;
	v8 =	vmax.f32 v37, $1.000000000e-30  }
0x300: {  	v15 =	vmul.f32 $5.000000000e-01, v50;
	v43 =	vshra.s32 v8, $0x1;
	v44 =	vmul.f32 $5.000000000e-01, v8  }
0x301: {  	v2 =	vsub.f32 $1.500000000e+00, v2;
	v39 =	vmul.f32 v4, v6;
	v12 =	vsub.s32 $0x5F3759DF, v43  }
0x302: {  	v6 =	vmul.f32 v40, v7;
	v45 =	vmul.f32 v12, v44  }
0x303: {  	v43 =	vld [tilespmem:$0x1C8B0];
	v1 =	vmul.f32 v2, v1;
	v41 =	vmul.f32 v39, v4;
	v2 =	vmax.f32 v42, $1.000000000e-30  }
0x304: {  	v6 =	vsub.f32 $1.500000000e+00, v6;
	v16 =	vshra.s32 v2, $0x1;
	v17 =	vmul.f32 $5.000000000e-01, v2  }
0x305: {  	v0 =	vmul.f32 v1, v0;
	v1 =	vsub.f32 $1.500000000e+00, v41;
	v16 =	vsub.s32 $0x5F3759DF, v16  }
0x306: {  	v6 =	vmul.f32 v6, v7;
	v7 =	vsub.f32 $1.500000000e+00, v46;
	v49 =	vmul.f32 v16, v17  }
0x307: {  	v52 =	vshra.s32 v50, $0x1;
	v1 =	vmul.f32 v1, v4;
	v4 =	vmul.f32 v12, v45  }
0x308: {  	v10 =	vmul.f32 v6, v10;
	v7 =	vmul.f32 v7, v11;
	v11 =	vmax.f32 v43, $1.000000000e-30  }
0x309: {  	v1 =	vmul.f32 v1, v3;
	v48 =	vsub.f32 $1.500000000e+00, v4;
	v4 =	vmul.f32 v16, v49  }
0x30a: {  	v63 =	vld [tilespmem:$0x1C880];
	v10 =	vmul.f32 v10, v6;
	v51 =	vmul.f32 v7, v13;
	v13 =	vsub.s32 $0x5F3759DF, v52  }
0x30b: {  	v20 =	vmul.f32 v13, v15;
	v3 =	vmul.f32 v12, v48;
	v4 =	vsub.f32 $1.500000000e+00, v4  }
0x30c: {  	v10 =	vsub.f32 $1.500000000e+00, v10;
	v12 =	vmul.f32 v51, v7;
	v51 =	vmul.f32 $5.000000000e-01, v11  }
0x30d: {  	v54 =	vmul.f32 v13, v20;
	v19 =	vmul.f32 v3, v44  }
0x30e: {  	v49 =	vld [tilespmem:$0x1C8C0];
	v4 =	vmul.f32 v16, v4;
	v6 =	vmul.f32 v10, v6  }
0x30f: {  	v53 =	vsub.f32 $1.500000000e+00, v12;
	v16 =	vmax.f32 v63, $1.000000000e-30;
	v12 =	vsub.f32 $1.500000000e+00, v54  }
0x310: {  	v30 =	vmul.f32 $5.000000000e-01, v16;
	v19 =	vmul.f32 v19, v3  }
0x311: {  	v56 =	vmul.f32 v4, v17;
	v12 =	vmul.f32 v13, v12  }
0x312: {  	v7 =	vmul.f32 v53, v7;
	v13 =	vmul.f32 v59, v60;
	v55 =	vsub.f32 $1.500000000e+00, v19  }
0x313: {  	v54 =	vmax.f32 v49, $1.000000000e-30;
	v58 =	vmul.f32 v56, v4;
	v24 =	vmul.f32 v12, v15  }
0x314: {  	v5 =	vmul.f32 v6, v35;
	v13 =	vsub.f32 $1.500000000e+00, v13;
	v3 =	vmul.f32 v55, v3  }
0x315: {  	v56 =	vmul.f32 $5.000000000e-01, v54;
	v62 =	vsub.f32 $1.500000000e+00, v58;
	v25 =	vmul.f32 v24, v12  }
0x316: {  	v28 =	vld [tilespmem:$0x1C890];
	v29 =	vshra.s32 v16, $0x1;
	v13 =	vmul.f32 v59, v13;
	v61 =	vmul.f32 v3, v44  }
0x317: {  	v14 =	vmul.f32 v62, v4;
	v4 =	vmul.f32 v7, v9;
	v6 =	vsub.f32 $1.500000000e+00, v25  }
0x318: {  	v20 =	vshra.s32 v54, $0x1;
	v31 =	vmul.f32 v13, v21;
	v10 =	vmul.f32 v61, v3  }
0x319: {  	v27 =	vmul.f32 v14, v17;
	v17 =	vsub.s32 $0x5F3759DF, v29;
	v6 =	vmul.f32 v6, v12  }
0x31a: {  	v20 =	vsub.s32 $0x5F3759DF, v20;
	v32 =	vmul.f32 v17, v30;
	v12 =	vmul.f32 v31, v13  }
0x31b: {  	v38 =	vld [tilespmem:$0x1C8A0];
	v26 =	vsub.f32 $1.500000000e+00, v10;
	v9 =	vmul.f32 v27, v14;
	v10 =	vmax.f32 v28, $1.000000000e-30  }
0x31c: {  	v15 =	vmul.f32 v6, v15;
	v33 =	vmul.f32 v17, v32;
	v34 =	vshra.s32 v10, $0x1  }
0x31d: {  	v24 =	vld [tilespmem:$0x1C8D0];
	v22 =	vmul.f32 $5.000000000e-01, v10;
	v12 =	vsub.f32 $1.500000000e+00, v12;
	v3 =	vmul.f32 v26, v3  }
0x31e: {  	v9 =	vsub.f32 $1.500000000e+00, v9;
	v23 =	vsub.s32 $0x5F3759DF, v34;
	v15 =	vmul.f32 v15, v6  }
0x31f: {  	v35 =	vsub.f32 $1.500000000e+00, v33;
	v36 =	vmul.f32 v23, v22;
	v12 =	vmul.f32 v12, v13  }
0x320: {  	v13 =	vmax.f32 v38, $1.000000000e-30;
	v7 =	vmul.f32 v3, v8;
	v9 =	vmul.f32 v9, v14  }
0x321: {  	v45 =	vmul.f32 $5.000000000e-01, v13;
	v37 =	vsub.f32 $1.500000000e+00, v15;
	v39 =	vmul.f32 v17, v35  }
0x322: {  	v24 =	vmax.f32 v24, $1.000000000e-30;
	v8 =	vmul.f32 v23, v36;
	v40 =	vmul.f32 v12, v21  }
0x323: {  	v44 =	vshra.s32 v13, $0x1;
	v6 =	vmul.f32 v37, v6;
	v41 =	vmul.f32 v39, v30  }
0x324: {  	v3 =	vmul.f32 v9, v2;
	v8 =	vsub.f32 $1.500000000e+00, v8;
	v42 =	vmul.f32 v40, v12  }
0x325: {  	v14 =	vsub.s32 $0x5F3759DF, v44;
	v2 =	vmul.f32 v6, v50;
	v9 =	vmul.f32 v41, v39  }
0x326: {  	v8 =	vmul.f32 v23, v8;
	v6 =	vsub.f32 $1.500000000e+00, v42;
	v50 =	vshra.s32 v11, $0x1  }
0x327: {  	v27 =	vmul.f32 $5.000000000e-01, v24;
	v47 =	vmul.f32 v14, v45;
	v21 =	vsub.s32 $0x5F3759DF, v50  }
0x328: {  	v9 =	vsub.f32 $1.500000000e+00, v9;
	v46 =	vmul.f32 v8, v22;
	v6 =	vmul.f32 v6, v12  }
0x329: {  	v60 =	vshra.s32 v24, $0x1;
	v12 =	vmul.f32 v14, v47;
	v52 =	vmul.f32 v21, v51  }
0x32a: {  	v29 =	vld [tilespmem:$0x1C8E0];
	v26 =	vmul.f32 v20, v56;
	v62 =	vsub.s32 $0x5F3759DF, v60;
	v9 =	vmul.f32 v9, v39  }
0x32b: {  	v48 =	vmul.f32 v46, v8;
	v12 =	vsub.f32 $1.500000000e+00, v12;
	v53 =	vmul.f32 v21, v52  }
0x32c: {  	v63 =	vmul.f32 v62, v27;
	v19 =	vmul.f32 v9, v30  }
0x32d: {  	v15 =	vsub.f32 $1.500000000e+00, v48;
	v12 =	vmul.f32 v14, v12;
	v14 =	vsub.f32 $1.500000000e+00, v53  }
0x32e: {  	v57 =	vmul.f32 v20, v26;
	v19 =	vmul.f32 v19, v9  }
0x32f: {  	v8 =	vmul.f32 v15, v8;
	v14 =	vmul.f32 v21, v14;
	v21 =	vmax.f32 v29, $1.000000000e-30  }
0x330: {  	v6 =	vmul.f32 v6, v18;
	v25 =	vmul.f32 v12, v45;
	v36 =	vshra.s32 v21, $0x1  }
0x331: {  	v37 =	vmul.f32 $5.000000000e-01, v21;
	v55 =	vmul.f32 v8, v22;
	v19 =	vsub.f32 $1.500000000e+00, v19  }
0x332: {  	v25 =	vmul.f32 v25, v12;
	v59 =	vmul.f32 v14, v51;
	v23 =	vsub.s32 $0x5F3759DF, v36  }
0x333: {  	v18 =	vmul.f32 v55, v8;
	v9 =	vmul.f32 v19, v9;
	v19 =	vsub.f32 $1.500000000e+00, v57  }
0x334: {  	v35 =	vld [tilespmem:$0x1C8F0];
	v40 =	vmul.f32 v23, v37;
	v58 =	vsub.f32 $1.500000000e+00, v25;
	v61 =	vmul.f32 v59, v14  }
0x335: {  	v18 =	vsub.f32 $1.500000000e+00, v18;
	v19 =	vmul.f32 v20, v19;
	v20 =	vmul.f32 v62, v63  }
0x336: {  	v12 =	vmul.f32 v58, v12;
	v28 =	vsub.f32 $1.500000000e+00, v61;
	v9 =	vmul.f32 v9, v16  }
0x337: {  	v8 =	vmul.f32 v18, v8;
	v30 =	vmul.f32 v19, v56;
	v32 =	vsub.f32 $1.500000000e+00, v20  }
0x338: {  	v17 =	vmul.f32 v12, v45;
	v14 =	vmul.f32 v28, v14  }
0x339: {  	v20 =	vmax.f32 v35, $1.000000000e-30;
	v31 =	vmul.f32 v30, v19;
	v18 =	vmul.f32 v62, v32  }
0x33a: {  	v41 =	vshra.s32 v20, $0x1;
	v17 =	vmul.f32 v17, v12;
	v34 =	vmul.f32 v14, v51  }
0x33b: {  	v28 =	vmul.f32 $5.000000000e-01, v20;
	v16 =	vsub.f32 $1.500000000e+00, v31;
	v38 =	vmul.f32 v18, v27  }
0x33c: {  	v8 =	vmul.f32 v8, v10;
	v33 =	vsub.f32 $1.500000000e+00, v17;
	v17 =	vmul.f32 v34, v14  }
0x33d: {  	v26 =	vsub.s32 $0x5F3759DF, v41;
	v16 =	vmul.f32 v16, v19;
	v19 =	vmul.f32 v38, v18  }
0x33e: {  	v43 =	vmul.f32 v26, v28;
	v39 =	vsub.f32 $1.500000000e+00, v17;
	v17 =	vmul.f32 v23, v40  }
0x33f: {  	v29 =	vld [tilespmem:$0x1C900];
	v10 =	vmul.f32 v33, v12;
	v22 =	vmul.f32 v16, v56;
	v19 =	vsub.f32 $1.500000000e+00, v19  }
0x340: {  	v42 =	vsub.f32 $1.500000000e+00, v17;
	v12 =	vmul.f32 v39, v14;
	v17 =	vmul.f32 v26, v43  }
0x341: {  	v22 =	vmul.f32 v22, v16;
	v18 =	vmul.f32 v19, v18  }
0x342: {  	v10 =	vmul.f32 v10, v13;
	v13 =	vmul.f32 v23, v42;
	v17 =	vsub.f32 $1.500000000e+00, v17  }
0x343: {  	v12 =	vmul.f32 v12, v11;
	v44 =	vsub.f32 $1.500000000e+00, v22;
	v45 =	vmul.f32 v18, v27  }
0x344: {  	v49 =	vld [tilespmem:$0x1C910];
	v46 =	vmul.f32 v13, v37;
	v22 =	vmax.f32 v29, $1.000000000e-30;
	v17 =	vmul.f32 v26, v17  }
0x345: {  	v47 =	vshra.s32 v22, $0x1;
	v48 =	vmul.f32 $5.000000000e-01, v22;
	v14 =	vmul.f32 v44, v16  }
0x346: {  	v16 =	vmul.f32 v45, v18;
	v19 =	vmul.f32 v46, v13;
	v23 =	vsub.s32 $0x5F3759DF, v47  }
0x347: {  	v52 =	vmul.f32 v17, v28;
	v50 =	vmul.f32 v23, v48  }
0x348: {  	v47 =	vld [tilespmem:$0x1C940];
	v16 =	vsub.f32 $1.500000000e+00, v16;
	v11 =	vmul.f32 v14, v54;
	v51 =	vsub.f32 $1.500000000e+00, v19  }
0x349: {  	v54 =	vmul.f32 v52, v17;
	v19 =	vmax.f32 v49, $1.000000000e-30;
	v53 =	vmul.f32 v23, v50  }
0x34a: {  	v56 =	vshra.s32 v19, $0x1;
	v57 =	vmul.f32 $5.000000000e-01, v19;
	v16 =	vmul.f32 v16, v18  }
0x34b: {  	v58 =	vld [tilespmem:$0x1C920];
	v14 =	vmul.f32 v51, v13;
	v13 =	vsub.f32 $1.500000000e+00, v54;
	v18 =	vsub.s32 $0x5F3759DF, v56  }
0x34c: {  	v55 =	vsub.f32 $1.500000000e+00, v53;
	v59 =	vmul.f32 v18, v57  }
0x34d: {  	v26 =	vmax.f32 v47, $1.000000000e-30;
	v25 =	vmul.f32 v14, v37;
	v17 =	vmul.f32 v13, v17  }
0x34e: {  	v13 =	vmul.f32 v16, v24;
	v27 =	vshra.s32 v26, $0x1;
	v15 =	vmul.f32 v23, v55  }
0x34f: {  	v23 =	vmul.f32 v18, v59;
	v55 =	vmul.f32 $5.000000000e-01, v26;
	v27 =	vsub.s32 $0x5F3759DF, v27  }
0x350: {  	v25 =	vmul.f32 v25, v14;
	v61 =	vmul.f32 v17, v28;
	v28 =	vmax.f32 v58, $1.000000000e-30  }
0x351: {  	v30 =	vmul.f32 v15, v48;
	v23 =	vsub.f32 $1.500000000e+00, v23;
	v29 =	vshra.s32 v28, $0x1  }
0x352: {  	v63 =	vmul.f32 $5.000000000e-01, v28;
	v56 =	vmul.f32 v27, v55;
	v60 =	vsub.f32 $1.500000000e+00, v25  }
0x353: {  	v36 =	vld [tilespmem:$0x1C930];
	v24 =	vmul.f32 v61, v17;
	v33 =	vsub.s32 $0x5F3759DF, v29;
	v62 =	vmul.f32 v30, v15  }
0x354: {  	v18 =	vmul.f32 v18, v23;
	v35 =	vmul.f32 v33, v63  }
0x355: {  	v14 =	vmul.f32 v60, v14;
	v34 =	vsub.f32 $1.500000000e+00, v24;
	v25 =	vsub.f32 $1.500000000e+00, v62  }
0x356: {  	v31 =	vld [tilespmem:$0x1C950];
	v37 =	vmul.f32 v18, v57;
	v38 =	vmul.f32 v33, v35  }
0x357: {  	v16 =	vmul.f32 v34, v17;
	v25 =	vmul.f32 v25, v15  }
0x358: {  	v40 =	vmul.f32 v37, v18;
	v15 =	vmul.f32 v14, v21;
	v21 =	vmax.f32 v36, $1.000000000e-30  }
0x359: {  	v41 =	vsub.f32 $1.500000000e+00, v38;
	v44 =	vshra.s32 v21, $0x1;
	v45 =	vmul.f32 $5.000000000e-01, v21  }
0x35a: {  	v39 =	vmul.f32 v25, v48;
	v43 =	vsub.f32 $1.500000000e+00, v40;
	v46 =	vsub.s32 $0x5F3759DF, v44  }
0x35b: {  	v31 =	vmax.f32 v31, $1.000000000e-30;
	v23 =	vmul.f32 v33, v41;
	v49 =	vmul.f32 v46, v45  }
0x35c: {  	v32 =	vshra.s32 v31, $0x1;
	v42 =	vmul.f32 v39, v25;
	v18 =	vmul.f32 v43, v18  }
0x35d: {  	v32 =	vsub.s32 $0x5F3759DF, v32;
	v33 =	vmul.f32 $5.000000000e-01, v31;
	v48 =	vmul.f32 v23, v63  }
0x35e: {  	v34 =	vld [tilespmem:$0x1C960];
	v29 =	vmul.f32 v46, v49;
	v17 =	vsub.f32 $1.500000000e+00, v42;
	v50 =	vmul.f32 v18, v57  }
0x35f: {  	v51 =	vmul.f32 v48, v23;
	v57 =	vmul.f32 v32, v33  }
0x360: {  	v14 =	vmul.f32 v16, v20;
	v54 =	vsub.f32 $1.500000000e+00, v29;
	v17 =	vmul.f32 v17, v25  }
0x361: {  	v52 =	vmul.f32 v50, v18;
	v53 =	vsub.f32 $1.500000000e+00, v51;
	v25 =	vmul.f32 v32, v57  }
0x362: {  	v20 =	vmul.f32 v46, v54;
	v16 =	vmul.f32 v17, v22  }
0x363: {  	v34 =	vmax.f32 v34, $1.000000000e-30;
	v22 =	vmul.f32 v53, v23;
	v23 =	vmul.f32 v27, v56  }
0x364: {  	v61 =	vmul.f32 $5.000000000e-01, v34;
	v17 =	vsub.f32 $1.500000000e+00, v52;
	v35 =	vmul.f32 v20, v45  }
0x365: {  	v25 =	vsub.f32 $1.500000000e+00, v25;
	v30 =	vmul.f32 v22, v63;
	v23 =	vsub.f32 $1.500000000e+00, v23  }
0x366: {  	v60 =	vshra.s32 v34, $0x1;
	v17 =	vmul.f32 v17, v18;
	v59 =	vmul.f32 v35, v20  }
0x367: {  	v25 =	vmul.f32 v32, v25;
	v23 =	vmul.f32 v27, v23;
	v27 =	vsub.s32 $0x5F3759DF, v60  }
0x368: {  	v58 =	vmul.f32 v30, v22;
	v30 =	vsub.f32 $1.500000000e+00, v59;
	v36 =	vmul.f32 v27, v61  }
0x369: {  	v43 =	vld [tilespmem:$0x1C970];
	v63 =	vmul.f32 v25, v33;
	v62 =	vmul.f32 v23, v55  }
0x36a: {  	v18 =	vsub.f32 $1.500000000e+00, v58;
	v20 =	vmul.f32 v30, v20;
	v36 =	vmul.f32 v27, v36  }
0x36b: {  	v30 =	vmul.f32 v63, v25;
	v32 =	vmul.f32 v62, v23  }
0x36c: {  	v18 =	vmul.f32 v18, v22;
	v24 =	vmul.f32 v20, v45;
	v40 =	vsub.f32 $1.500000000e+00, v36  }
0x36d: {  	v17 =	vmul.f32 v17, v19;
	v42 =	vsub.f32 $1.500000000e+00, v30;
	v39 =	vsub.f32 $1.500000000e+00, v32  }
0x36e: {  	v18 =	vmul.f32 v18, v28;
	v28 =	vmax.f32 v43, $1.000000000e-30;
	v41 =	vmul.f32 v24, v20  }
0x36f: {  	v27 =	vmul.f32 v27, v40;
	v45 =	vmul.f32 v42, v25;
	v49 =	vshra.s32 v28, $0x1  }
0x370: {  	v58 =	vld [tilespmem:$0x1C9B0];
	v30 =	vmul.f32 $5.000000000e-01, v28;
	v23 =	vmul.f32 v39, v23;
	v29 =	vsub.s32 $0x5F3759DF, v49  }
0x371: {  	v44 =	vsub.f32 $1.500000000e+00, v41;
	v47 =	vmul.f32 v27, v61;
	v48 =	vmul.f32 v45, v33  }
0x372: {  	v51 =	vmul.f32 v29, v30;
	v46 =	vmul.f32 v23, v55  }
0x373: {  	v53 =	vld [tilespmem:$0x1C990];
	v19 =	vmul.f32 v44, v20;
	v25 =	vmul.f32 v47, v27  }
0x374: {  	v55 =	vld [tilespmem:$0x1C9A0];
	v20 =	vmul.f32 v48, v45;
	v54 =	vmul.f32 v29, v51  }
0x375: {  	v33 =	vmax.f32 v58, $1.000000000e-30;
	v24 =	vmul.f32 v46, v23;
	v25 =	vsub.f32 $1.500000000e+00, v25  }
0x376: {  	v42 =	vmul.f32 $5.000000000e-01, v33;
	v20 =	vsub.f32 $1.500000000e+00, v20;
	v22 =	vsub.f32 $1.500000000e+00, v54  }
0x377: {  	v19 =	vmul.f32 v19, v21;
	v24 =	vsub.f32 $1.500000000e+00, v24;
	v52 =	vmul.f32 v25, v27  }
0x378: {  	v50 =	vld [tilespmem:$0x1C980];
	v20 =	vmul.f32 v20, v45;
	v22 =	vmul.f32 v29, v22  }
0x379: {  	v25 =	vmax.f32 v53, $1.000000000e-30;
	v27 =	vmax.f32 v55, $1.000000000e-30;
	v23 =	vmul.f32 v24, v23  }
0x37a: {  	v60 =	vshra.s32 v25, $0x1;
	v38 =	vmul.f32 $5.000000000e-01, v27;
	v56 =	vmul.f32 v52, v61  }
0x37b: {  	v37 =	vshra.s32 v27, $0x1;
	v20 =	vmul.f32 v20, v31;
	v61 =	vmul.f32 $5.000000000e-01, v25  }
0x37c: {  	v35 =	vsub.s32 $0x5F3759DF, v60;
	v37 =	vsub.s32 $0x5F3759DF, v37;
	v43 =	vmul.f32 v22, v30  }
0x37d: {  	v21 =	vmul.f32 v23, v26;
	v26 =	vmax.f32 v50, $1.000000000e-30;
	v40 =	vmul.f32 v37, v38  }
0x37e: {  	v57 =	vshra.s32 v26, $0x1;
	v32 =	vmul.f32 $5.000000000e-01, v26;
	v39 =	vmul.f32 v35, v61  }
0x37f: {  	v23 =	vmul.f32 v56, v52;
	v59 =	vsub.s32 $0x5F3759DF, v57;
	v40 =	vmul.f32 v37, v40  }
0x380: {  	v41 =	vshra.s32 v33, $0x1;
	v31 =	vmul.f32 v59, v32;
	v39 =	vmul.f32 v35, v39  }
0x381: {  	v63 =	vmul.f32 v43, v22;
	v23 =	vsub.f32 $1.500000000e+00, v23;
	v40 =	vsub.f32 $1.500000000e+00, v40  }
0x382: {  	v41 =	vsub.s32 $0x5F3759DF, v41;
	v31 =	vmul.f32 v59, v31;
	v39 =	vsub.f32 $1.500000000e+00, v39  }
0x383: {  	v23 =	vmul.f32 v23, v52;
	v52 =	vsub.f32 $1.500000000e+00, v63;
	v37 =	vmul.f32 v37, v40  }
0x384: {  	v62 =	vmul.f32 v41, v42;
	v31 =	vsub.f32 $1.500000000e+00, v31;
	v35 =	vmul.f32 v35, v39  }
0x385: {  	v22 =	vmul.f32 v52, v22;
	v50 =	vmul.f32 v37, v38  }
0x386: {  	v29 =	vmul.f32 v59, v31;
	v31 =	vmul.f32 v41, v62  }
0x387: {  	v0 =	vsub.f32 $0.0e+00, v0;
	v49 =	vmul.f32 v35, v61;
	v55 =	vmul.f32 v50, v37  }
0x388: {  	v1 =	vsub.f32 $0.0e+00, v1;
	v44 =	vmul.f32 v29, v32;
	v31 =	vsub.f32 $1.500000000e+00, v31  }
0x389: {  	v30 =	vmul.f32 v22, v30;
	v54 =	vmul.f32 v49, v35;
	v58 =	vsub.f32 $1.500000000e+00, v55  }
0x38a: {  	v5 =	vsub.f32 $0.0e+00, v5;
	v48 =	vmul.f32 v44, v29;
	v51 =	vmul.f32 v41, v31  }
0x38b: {  	v4 =	vsub.f32 $0.0e+00, v4;
	v57 =	vsub.f32 $1.500000000e+00, v54;
	v37 =	vmul.f32 v58, v37  }
0x38c: {  	v30 =	vmul.f32 v30, v22;
	v53 =	vsub.f32 $1.500000000e+00, v48;
	v56 =	vmul.f32 v51, v42  }
0x38d: {  	v7 =	vsub.f32 $0.0e+00, v7;
	v35 =	vmul.f32 v57, v35;
	v38 =	vmul.f32 v37, v38  }
0x38e: {  	v3 =	vsub.f32 $0.0e+00, v3;
	v29 =	vmul.f32 v53, v29;
	v31 =	vmul.f32 v56, v51  }
0x38f: {  	v30 =	vsub.f32 $1.500000000e+00, v30;
	v36 =	vmul.f32 v35, v61;
	v60 =	vmul.f32 v38, v37  }
0x390: {  	v45 =	vld [tilespmem:$0x1C9F0];
	v23 =	vmul.f32 v23, v34;
	v32 =	vmul.f32 v29, v32;
	v31 =	vsub.f32 $1.500000000e+00, v31  }
0x391: {  	v62 =	vld [tilespmem:$0x1C9C0];
	v22 =	vmul.f32 v30, v22;
	v59 =	vmul.f32 v36, v35;
	v40 =	vsub.f32 $1.500000000e+00, v60  }
0x392: {  	v2 =	vsub.f32 $0.0e+00, v2;
	v41 =	vld [tilespmem:$0x1C9D0];
	v32 =	vmul.f32 v32, v29;
	v24 =	vmul.f32 v31, v51  }
0x393: {  	v58 =	vsub.f32 $0.0e+00, v6;
	v63 =	vsub.f32 $1.500000000e+00, v59;
	v31 =	vmul.f32 v40, v37  }
0x394: {  	v22 =	vmul.f32 v22, v28;
	v32 =	vsub.f32 $1.500000000e+00, v32;
	v61 =	vmul.f32 v24, v42  }
0x395: {  	v40 =	vsub.f32 $0.0e+00, v13;
	v30 =	vmul.f32 v63, v35;
	v27 =	vmul.f32 v31, v27  }
0x396: {  	v44 =	vld [tilespmem:$0x1C9E0];
	v31 =	vmax.f32 v45, $1.000000000e-30;
	v29 =	vmul.f32 v32, v29;
	v42 =	vmul.f32 v61, v24  }
0x397: {  	v25 =	vmul.f32 v30, v25;
	v30 =	vmax.f32 v62, $1.000000000e-30;
	v32 =	vmax.f32 v41, $1.000000000e-30  }
0x398: {  	v52 =	vshra.s32 v31, $0x1;
	v39 =	vmul.f32 $5.000000000e-01, v31;
	v46 =	vshra.s32 v30, $0x1  }
0x399: {  	v34 =	vmul.f32 $5.000000000e-01, v30;
	v47 =	vshra.s32 v32, $0x1;
	v36 =	vmul.f32 $5.000000000e-01, v32  }
0x39a: {  	[tilespmem:$0x1CA10] =	vst v1;
	v1 =	vsub.s32 $0x5F3759DF, v52;
	v26 =	vmul.f32 v29, v26;
	v28 =	vsub.s32 $0x5F3759DF, v46  }
0x39b: {  	v48 =	vsub.s32 $0x5F3759DF, v47;
	v29 =	vmax.f32 v44, $1.000000000e-30;
	v56 =	vmul.f32 v1, v39  }
0x39c: {  	[tilespmem:$0x1CA00] =	vst v0;
	v49 =	vmul.f32 v28, v34;
	v51 =	vshra.s32 v29, $0x1;
	v38 =	vmul.f32 $5.000000000e-01, v29  }
0x39d: {  	[tilespmem:$0x1CA20] =	vst v5;
	v50 =	vmul.f32 v48, v36;
	v0 =	vsub.s32 $0x5F3759DF, v51;
	v59 =	vmul.f32 v1, v56  }
0x39e: {  	[tilespmem:$0x1CA30] =	vst v4;
	v43 =	vsub.f32 $1.500000000e+00, v42;
	v53 =	vmul.f32 v28, v49;
	v54 =	vmul.f32 v0, v38  }
0x39f: {  	[tilespmem:$0x1CA40] =	vst v7;
	v63 =	vsub.f32 $0.0e+00, v8;
	v55 =	vmul.f32 v48, v50;
	v6 =	vsub.f32 $1.500000000e+00, v59  }
0x3a0: {  	[tilespmem:$0x1CA50] =	vst v3;
	v24 =	vmul.f32 v43, v24;
	v5 =	vsub.f32 $1.500000000e+00, v53;
	v57 =	vmul.f32 v0, v54  }
0x3a1: {  	[tilespmem:$0x1CA60] =	vst v2;
	v61 =	vsub.f32 $0.0e+00, v9;
	v4 =	vsub.f32 $1.500000000e+00, v55;
	v1 =	vmul.f32 v1, v6  }
0x3a2: {  	[tilespmem:$0x1CA70] =	vst v58;
	v24 =	vmul.f32 v24, v33;
	v60 =	vmul.f32 v28, v5;
	v7 =	vsub.f32 $1.500000000e+00, v57  }
0x3a3: {  	[tilespmem:$0x1CAD0] =	vst v40;
	v9 =	vsub.f32 $0.0e+00, v10;
	v62 =	vmul.f32 v48, v4;
	v41 =	vmul.f32 v1, v39  }
0x3a4: {  	v35 =	vsub.f32 $0.0e+00, v11;
	[tilespmem:$0x1CA90] =	vst v63;
	v0 =	vmul.f32 v0, v7;
	v10 =	vmul.f32 v60, v34  }
0x3a5: {  	[tilespmem:$0x1CAA0] =	vst v9;
	v33 =	vmul.f32 v62, v36;
	v9 =	vmul.f32 v41, v1  }
0x3a6: {  	[tilespmem:$0x1CAC0] =	vst v35;
	v52 =	vsub.f32 $0.0e+00, v21;
	v7 =	vmul.f32 v10, v60;
	v37 =	vmul.f32 v0, v38  }
0x3a7: {  	[tilespmem:$0x1CA80] =	vst v61;
	v42 =	vsub.f32 $0.0e+00, v15;
	v6 =	vmul.f32 v33, v62;
	v47 =	vsub.f32 $1.500000000e+00, v9  }
0x3a8: {  	v44 =	vsub.f32 $0.0e+00, v16;
	[tilespmem:$0x1CB40] =	vst v52;
	v7 =	vsub.f32 $1.500000000e+00, v7;
	v8 =	vmul.f32 v37, v0  }
0x3a9: {  	v46 =	vsub.f32 $0.0e+00, v17;
	[tilespmem:$0x1CAE0] =	vst v42;
	v6 =	vsub.f32 $1.500000000e+00, v6;
	v1 =	vmul.f32 v47, v1  }
0x3aa: {  	v43 =	vsub.f32 $0.0e+00, v14;
	[tilespmem:$0x1CB00] =	vst v44;
	v2 =	vmul.f32 v7, v60;
	v45 =	vsub.f32 $1.500000000e+00, v8  }
0x3ab: {  	[tilespmem:$0x1CB10] =	vst v46;
	v56 =	vsub.f32 $0.0e+00, v23;
	v3 =	vmul.f32 v6, v62;
	v55 =	vmul.f32 v1, v39  }
0x3ac: {  	v58 =	vsub.f32 $0.0e+00, v26;
	[tilespmem:$0x1CAF0] =	vst v43;
	v0 =	vmul.f32 v45, v0;
	v49 =	vmul.f32 v2, v34  }
0x3ad: {  	v50 =	vsub.f32 $0.0e+00, v19;
	[tilespmem:$0x1CB60] =	vst v56;
	v51 =	vmul.f32 v3, v36;
	v9 =	vmul.f32 v55, v1  }
0x3ae: {  	[tilespmem:$0x1CB80] =	vst v58;
	v54 =	vsub.f32 $0.0e+00, v20;
	v7 =	vmul.f32 v49, v2;
	v53 =	vmul.f32 v0, v38  }
0x3af: {  	[tilespmem:$0x1CB30] =	vst v50;
	v63 =	vsub.f32 $0.0e+00, v24;
	v6 =	vmul.f32 v51, v3;
	v61 =	vsub.f32 $1.500000000e+00, v9  }
0x3b0: {  	v28 =	vsub.f32 $0.0e+00, v12;
	[tilespmem:$0x1CB50] =	vst v54;
	v7 =	vsub.f32 $1.500000000e+00, v7;
	v8 =	vmul.f32 v53, v0  }
0x3b1: {  	v48 =	vsub.f32 $0.0e+00, v18;
	[tilespmem:$0x1CBB0] =	vst v63;
	v6 =	vsub.f32 $1.500000000e+00, v6;
	v1 =	vmul.f32 v61, v1  }
0x3b2: {  	v57 =	vsub.f32 $0.0e+00, v22;
	[tilespmem:$0x1CAB0] =	vst v28;
	v2 =	vmul.f32 v7, v2;
	v59 =	vsub.f32 $1.500000000e+00, v8  }
0x3b3: {  	[tilespmem:$0x1CB20] =	vst v48;
	v60 =	vsub.f32 $0.0e+00, v25;
	v3 =	vmul.f32 v6, v3;
	v1 =	vmul.f32 v1, v31  }
0x3b4: {  	[tilespmem:$0x1CB70] =	vst v57;
	v62 =	vsub.f32 $0.0e+00, v27;
	v2 =	vmul.f32 v2, v30;
	v0 =	vmul.f32 v59, v0  }
0x3b5: {  	[tilespmem:$0x1CB90] =	vst v60;
	v3 =	vmul.f32 v3, v32;
	v1 =	vsub.f32 $0.0e+00, v1  }
0x3b6: {  	[tilespmem:$0x1CBA0] =	vst v62;
	v0 =	vmul.f32 v0, v29;
	v2 =	vsub.f32 $0.0e+00, v2  }
0x3b7: {  	v3 =	vsub.f32 $0.0e+00, v3;
	[tilespmem:$0x1CBF0] =	vst v1  }
0x3b8: {  	s0 =	sadd.s32 $0x1, s0;
	[tilespmem:$0x1CBC0] =	vst v2;
	v0 =	vsub.f32 $0.0e+00, v0  }
0x3b9: {  	p0 =	sne.s32 s0, s13;
	[tilespmem:$0x1CBD0] =	vst v3  }
.Ltmp8:
0x3ba: {  	s31 =	simm.s32 $0x1CA00;
	[tilespmem:$0x1CBE0] =	vst v0;
	(pc) =	sbr.rel @p0 .LBB2_1-.Ltmp8, $4  }
0x3bb: {  	[hbm4b:s12+s3] =	stream.linear.scatter [tilespmem:s31], [sflag:$0x5], $0x200, $0x38;
	[tilespmem:$0x1CC00] =	vst v63  }
0x3bc: {  	_ =	swait.ge [sflag:s30], $0x200  }
0x3bd: {  	[sflag:s30] =	ssyncset.done $0x0  }
0x3be: {  	[sflag:s30] =	ssyncadd.s32 $0xFFFFFE00  }
0x3bf: {  	_ =	sfence.sel $0x180000  }
0x3c0: {  	[bflag:$0x0] =	sbarrier.arrive $0xFFFF  }
0x3c1: {  	_ =	strace $0x90000047  }
0x3c2: {  	s0 =	stileid.u32;
	[bflag:$0x2] =	sbarrier.arrive $0xFFFF  }
0x3c3: {  	p0 =	sne.s32 s0, $0x0;
	s0 =	rddreg [dreg:$0x7]  }
0x3c4: {  	s0 =	sadd.s32 @!p0 $0x100000, s0  }
0x3c5: {  	[sflag:s0] =	ssyncadd.tile.s32 @!p0 $0x1;
	_ =	shalt  }
.Lfunc_end2:
_tile_overlayer_lowered:
.L_overlay_start_2:
0x3c6: {  	(tag) =	ssettag $0x2  }
0x3c7: {  	s0 =	rddreg [dreg:$0x0];
	s2 =	stileid.u32  }
0x3c8: {  	s1 =	rddreg [dreg:$0x1];
	p0 =	sne.s32 s2, $0x0  }
0x3c9: {  	s3 =	rddreg [dreg:$0x2];
	[bflag:$0x3] =	sbarrier.arrive $0xFFFF;
	s2 =	simm.s32 @!p0 $0x1C05  }
0x3ca: {  	[timem:s3], [sflag:s2] =	dma.local @!p0 [hbm:s0], s1  }
0x3cb: {  	s0 =	simm.s32 @!p0 $0x5  }
0x3cc: {  	_ =	swait.ge @!p0 [sflag:s0], s1  }
0x3cd: {  	s1 =	ssub.s32 @!p0 $0x0, s1;
	[sflag:s0] =	ssyncset.done @!p0 $0x0  }
0x3ce: {  	[sflag:s0] =	ssyncadd.s32 @!p0 s1  }
0x3cf: {  	[bflag:$0x3] =	sbarrier.arrive $0xFFFF  }
0x3d0: {  	_ =	shalt  }

</sc_bundles>
